<compile_context>
chip_gen: v7x
topology: tpu7x:2x2x1
jax: 0.10.2.dev20260603
libtpu: 0.0.44.dev20260713+nightly
codegen_flags: <defaults>
</compile_context>

<pallas_src>
import functools

import jax
import jax.numpy as jnp
from jax import lax
from jax.experimental import pallas as pl
from jax.experimental.pallas import tpu as pltpu
from jax.experimental.pallas import tpu_sc as plsc

_N = 10000
_NP = 10240
_E = 320000
_EP = 327680
_DIN = 128
_H = 32
_W8 = 8
_CH = 128
_NCHUNK = _EP // _CH
_CPT = _NCHUNK // 32
_GCH = 64
_NGCHUNK = _NP // _GCH
_GPT = _NGCHUNK // 32
_RPT = _NP // 16

_mesh = plsc.VectorSubcoreMesh(core_axis_name="c", subcore_axis_name="s",
                               num_cores=2, num_subcores=16)



def _mm_body(x_ref, w_ref, o_ref):
    o_ref[...] = jnp.dot(x_ref[...], w_ref[...],
                         preferred_element_type=jnp.float32)


_mm0 = pl.pallas_call(
    _mm_body,
    grid=(5,),
    in_specs=[
        pl.BlockSpec((_NP // 5, _DIN), lambda i: (i, 0)),
        pl.BlockSpec((_DIN, _H), lambda i: (0, 0)),
    ],
    out_specs=pl.BlockSpec((_NP // 5, _H), lambda i: (i, 0)),
    out_shape=jax.ShapeDtypeStruct((_NP, _H), jnp.float32),
)


def _k2_body(deg_ref, xwg_ref, tw_ref, f1_ref, dinv_ref, y_ref):
    deg = deg_ref[0] + deg_ref[1] + 1.0
    dinv = lax.rsqrt(deg)
    dinv_ref[...] = dinv
    ew0 = tw_ref[_N, :]
    ew1 = tw_ref[_N + 1, :]
    sel = jnp.where(f1_ref[...] == 1, ew1[None, :], ew0[None, :])
    y_ref[...] = (xwg_ref[...] + sel) * dinv


_k2 = pl.pallas_call(
    _k2_body,
    out_shape=(
        jax.ShapeDtypeStruct((_NP, 1), jnp.float32),
        jax.ShapeDtypeStruct((_NP, _H), jnp.float32),
    ),
)


def _k3_body(p_ref, y_ref, dinv_ref, b0_ref, w2_ref, z8_ref):
    dinv = dinv_ref[...]
    x1 = jnp.maximum(dinv * (p_ref[0] + p_ref[1] + y_ref[...]) + b0_ref[...],
                     0.0)
    z = jnp.dot(x1, w2_ref[...], preferred_element_type=jnp.float32)
    z8_ref[...] = z * dinv


_k3 = pl.pallas_call(
    _k3_body,
    out_shape=jax.ShapeDtypeStruct((_NP, _W8), jnp.float32),
)


def _k4_body(q_ref, z8_ref, dinv_ref, b2_ref, o_ref):
    o_ref[...] = dinv_ref[...] * (q_ref[0] + q_ref[1] + z8_ref[...]) \
        + b2_ref[...]


_k4 = pl.pallas_call(
    _k4_body,
    out_shape=jax.ShapeDtypeStruct((_NP, _W8), jnp.float32),
)



_K = 4
_NG = _CPT // _K


def _s1_body(dst_hbm, f0_hbm, tw_hbm, zdeg_hbm,
             deg_out, xwg_out,
             deg_sp, tw_sp, di0, di1, di2, di3, onesbuf,
             ni0, ni1, ni2, ni3, ni4, gbufs,
             isem, dsem, gsem, wsem):
    c = lax.axis_index("c")
    s = lax.axis_index("s")
    w = c * 16 + s
    dis = [di0, di1, di2, di3]
    nis = [ni0, ni1, ni2, ni3, ni4]
    pltpu.sync_copy(zdeg_hbm.at[pl.ds(s * _RPT, _RPT)],
                    deg_sp.at[pl.ds(s * _RPT, _RPT)])
    pltpu.sync_copy(tw_hbm.at[pl.ds(s * _RPT, _RPT)],
                    tw_sp.at[pl.ds(s * _RPT, _RPT)])
    for i in range(_CH // 16):
        onesbuf[pl.ds(16 * i, 16)] = jnp.ones((16,), jnp.float32)
    base = c * (_NCHUNK // 2) + s * _CPT
    plsc.subcore_barrier()

    def deg_group(g, carry):
        lds = [pltpu.async_copy(dst_hbm.at[base + g * _K + k], dis[k], isem)
               for k in range(_K)]
        for d in lds:
            d.wait()
        ds = [pltpu.async_copy(onesbuf, deg_sp.at[dis[k]], dsem, add=True)
              for k in range(_K)]
        for d in ds:
            d.wait()
        return carry

    lax.fori_loop(0, _NG, deg_group, 0)

    lds = [pltpu.async_copy(f0_hbm.at[w * _GPT + k], nis[k], isem)
           for k in range(_GPT)]
    for d in lds:
        d.wait()
    gds = [pltpu.async_copy(tw_sp.at[nis[k]], gbufs.at[k], gsem)
           for k in range(_GPT)]
    for d in gds:
        d.wait()
    wds = [pltpu.async_copy(gbufs.at[k],
                            xwg_out.at[pl.ds((w * _GPT + k) * _GCH, _GCH)],
                            wsem)
           for k in range(_GPT)]
    for d in wds:
        d.wait()
    plsc.subcore_barrier()
    pltpu.sync_copy(deg_sp.at[pl.ds(s * _RPT, _RPT)],
                    deg_out.at[c, pl.ds(s * _RPT, _RPT)])


_s1 = pl.kernel(
    _s1_body,
    out_type=(
        jax.ShapeDtypeStruct((2, _NP), jnp.float32),
        jax.ShapeDtypeStruct((_NP, _H), jnp.float32),
    ),
    mesh=_mesh,
    scratch_types=[
        pltpu.VMEM_SHARED((_NP,), jnp.float32),
        pltpu.VMEM_SHARED((_NP, _H), jnp.float32),
        pltpu.VMEM((_CH,), jnp.int32),
        pltpu.VMEM((_CH,), jnp.int32),
        pltpu.VMEM((_CH,), jnp.int32),
        pltpu.VMEM((_CH,), jnp.int32),
        pltpu.VMEM((_CH,), jnp.float32),
        pltpu.VMEM((_GCH,), jnp.int32),
        pltpu.VMEM((_GCH,), jnp.int32),
        pltpu.VMEM((_GCH,), jnp.int32),
        pltpu.VMEM((_GCH,), jnp.int32),
        pltpu.VMEM((_GCH,), jnp.int32),
        pltpu.VMEM((_GPT, _GCH, _H), jnp.float32),
        pltpu.SemaphoreType.DMA,
        pltpu.SemaphoreType.DMA,
        pltpu.SemaphoreType.DMA,
        pltpu.SemaphoreType.DMA,
    ],
)


def _agg_body(tab_hbm, src_hbm, dst_hbm, zeros_hbm,
              part_out,
              tab_sp, acc_sp, si0, si1, si2, si3, di0, di1, di2, di3,
              bufs, isem, gsem, ssem):
    c = lax.axis_index("c")
    s = lax.axis_index("s")
    sis = [si0, si1, si2, si3]
    dis = [di0, di1, di2, di3]
    pltpu.sync_copy(tab_hbm.at[pl.ds(s * _RPT, _RPT)],
                    tab_sp.at[pl.ds(s * _RPT, _RPT)])
    pltpu.sync_copy(zeros_hbm.at[pl.ds(s * _RPT, _RPT)],
                    acc_sp.at[pl.ds(s * _RPT, _RPT)])
    base = c * (_NCHUNK // 2) + s * _CPT
    plsc.subcore_barrier()

    def group(g, carry):
        lds = [pltpu.async_copy(src_hbm.at[base + g * _K + k], sis[k], isem)
               for k in range(_K)]
        lds += [pltpu.async_copy(dst_hbm.at[base + g * _K + k], dis[k], isem)
                for k in range(_K)]
        for d in lds:
            d.wait()
        gds = [pltpu.async_copy(tab_sp.at[sis[k]], bufs.at[k], gsem)
               for k in range(_K)]
        for d in gds:
            d.wait()
        sds = [pltpu.async_copy(bufs.at[k], acc_sp.at[dis[k]], ssem, add=True)
               for k in range(_K)]
        for d in sds:
            d.wait()
        return carry

    lax.fori_loop(0, _NG, group, 0)
    plsc.subcore_barrier()
    pltpu.sync_copy(acc_sp.at[pl.ds(s * _RPT, _RPT)],
                    part_out.at[c, pl.ds(s * _RPT, _RPT)])


def _make_agg(width):
    return pl.kernel(
        _agg_body,
        out_type=jax.ShapeDtypeStruct((2, _NP, width), jnp.float32),
        mesh=_mesh,
        scratch_types=[
            pltpu.VMEM_SHARED((_NP, width), jnp.float32),
            pltpu.VMEM_SHARED((_NP, width), jnp.float32),
            pltpu.VMEM((_CH,), jnp.int32),
            pltpu.VMEM((_CH,), jnp.int32),
            pltpu.VMEM((_CH,), jnp.int32),
            pltpu.VMEM((_CH,), jnp.int32),
            pltpu.VMEM((_CH,), jnp.int32),
            pltpu.VMEM((_CH,), jnp.int32),
            pltpu.VMEM((_CH,), jnp.int32),
            pltpu.VMEM((_CH,), jnp.int32),
            pltpu.VMEM((_K, _CH, width), jnp.float32),
            pltpu.SemaphoreType.DMA,
            pltpu.SemaphoreType.DMA,
            pltpu.SemaphoreType.DMA,
        ],
    )


_agg32 = _make_agg(_H)
_agg8 = _make_agg(_W8)



@jax.jit
def kernel(edges, features, emb_users, emb_known, W0, b0, W1, b1, W2, b2):
    f32 = jnp.float32
    npad = _NP - _N
    t_all = jnp.concatenate(
        [emb_users, emb_known, jnp.zeros((npad - 2, _DIN), f32)], axis=0)

    f0 = features[:, 0].astype(jnp.int32)
    f1 = features[:, 1].astype(jnp.int32)
    f0p = jnp.concatenate(
        [f0, jnp.arange(npad, dtype=jnp.int32) % _N]).reshape(_NGCHUNK, _GCH)
    f1p = jnp.concatenate(
        [f1, jnp.zeros((npad,), jnp.int32)]).reshape(_NP, 1)

    epad = _EP - _E
    dummy = _N + (jnp.arange(epad, dtype=jnp.int32) % npad)
    srcp = jnp.concatenate(
        [edges[0].astype(jnp.int32), dummy]).reshape(_NCHUNK, _CH)
    dstp = jnp.concatenate(
        [edges[1].astype(jnp.int32), dummy]).reshape(_NCHUNK, _CH)

    zdeg = jnp.zeros((_NP,), f32)
    z32 = jnp.zeros((_NP, _H), f32)
    z8 = jnp.zeros((_NP, _W8), f32)
    w2p = jnp.concatenate([W2, jnp.zeros((_H, _W8 - 2), f32)], axis=1)
    b0r = b0.reshape(1, _H)
    b2p = jnp.concatenate([b2, jnp.zeros((_W8 - 2,), f32)]).reshape(1, _W8)

    tw = _mm0(t_all, W0)
    degp, xwg = _s1(dstp, f0p, tw, zdeg)
    dinv, y = _k2(degp.reshape(2, _NP, 1), xwg, tw, f1p)
    p = _agg32(y, srcp, dstp, z32)
    z8a = _k3(p, y, dinv, b0r, w2p)
    q = _agg8(z8a, srcp, dstp, z8)
    out8 = _k4(q, z8a, dinv, b2p)
    return out8[:_N, :2]

# --- scband reference (transcript-rebuilt; emitter-appended) ---
"""Pipeline reference for scband-stacked-gcn-3307124818590 (READ-ONLY COPY).

The authoritative reference and input builder live on the scoring server;
editing this copy changes nothing except your own understanding.
"""

import jax, jax.numpy as jnp
import numpy as np

N = 10000
E = 320000
D_IN = 128
HID = 32
D_OUT = 2


def gcn_conv(x, src, dst, W, b, n):
    # PyG GCNConv math: x' = D^-1/2 (A + I) D^-1/2 (X W) + b
    # (self-loops already appended to src/dst by caller)
    deg = jnp.zeros((n,), x.dtype).at[dst].add(1.0)
    dinv = jnp.where(deg > 0, 1.0 / jnp.sqrt(deg), 0.0)
    norm = dinv[src] * dinv[dst]
    xw = x @ W
    msg = xw[src] * norm[:, None]
    out = jnp.zeros((n, W.shape[1]), x.dtype).at[dst].add(msg)
    return out + b


def setup_inputs(seed: int = 0):
    key = jax.random.key(seed)
    ks = jax.random.split(key, 10)
    edges = jax.random.randint(ks[0], (2, E), 0, N)
    features = jax.random.randint(ks[1], (N, 2), 0, 2)
    emb_users = 0.02 * jax.random.normal(ks[2], (N, D_IN), dtype=jnp.float32)
    emb_known = 0.02 * jax.random.normal(ks[3], (2, D_IN), dtype=jnp.float32)
    W0 = jax.random.normal(ks[4], (D_IN, HID), dtype=jnp.float32) / np.sqrt(D_IN)
    b0 = jnp.zeros((HID,), dtype=jnp.float32)
    W1 = jax.random.normal(ks[5], (HID, HID), dtype=jnp.float32) / np.sqrt(HID)
    b1 = jnp.zeros((HID,), dtype=jnp.float32)
    W2 = jax.random.normal(ks[6], (HID, D_OUT), dtype=jnp.float32) / np.sqrt(HID)
    b2 = jnp.zeros((D_OUT,), dtype=jnp.float32)
    return {"edges": edges, "features": features, "emb_users": emb_users,
            "emb_known": emb_known, "W0": W0, "b0": b0, "W1": W1, "b1": b1,
            "W2": W2, "b2": b2}


def reference(edges, features, emb_users, emb_known, W0, b0, W1, b1, W2, b2):
    # embedding lookups (gathers)
    x = emb_users[features[:, 0]] + emb_known[features[:, 1]]
    # add self-loops once (identical math to per-layer addition in PyG)
    loop = jnp.arange(N)
    src = jnp.concatenate([edges[0], loop])
    dst = jnp.concatenate([edges[1], loop])
    # Faithful to the original forward: loop over layers[:-2] applies only
    # layer 0 (with relu; dropout branch i>1 never triggers), then layers[-1]
    # (layer 2) is applied; layer 1 (W1,b1) is skipped, as in the source.
    x = jax.nn.relu(gcn_conv(x, src, dst, W0, b0, N))
    x = gcn_conv(x, src, dst, W2, b2, N)
    return x

if __name__ == "__main__":
    import jax
    _d = setup_inputs()
    print(jax.jit(kernel)(*tuple(_d.values())))

</pallas_src>

<mosaic_0001>
#map = affine_map<(d0, d1) -> (0, 0)>
#map1 = affine_map<(d0, d1) -> (0)>
module attributes {stable_mosaic.version = 14 : i64} {
  func.func @_s1_body(%arg0: i32, %arg1: i32, %arg2: memref<2560x128xi32, #tpu.memory_space<hbm>>, %arg3: memref<160x64xi32, #tpu.memory_space<hbm>>, %arg4: memref<10240x32xf32, #tpu.memory_space<hbm>>, %arg5: memref<10240xf32, #tpu.memory_space<hbm>>, %arg6: memref<2x10240xf32, #tpu.memory_space<hbm>>, %arg7: memref<10240x32xf32, #tpu.memory_space<hbm>>, %arg8: memref<10240xf32, #tpu.memory_space<vmem_shared>>, %arg9: memref<10240x32xf32, #tpu.memory_space<vmem_shared>>, %arg10: memref<128xi32, #tpu.memory_space<vmem>>, %arg11: memref<128xi32, #tpu.memory_space<vmem>>, %arg12: memref<128xi32, #tpu.memory_space<vmem>>, %arg13: memref<128xi32, #tpu.memory_space<vmem>>, %arg14: memref<128xf32, #tpu.memory_space<vmem>>, %arg15: memref<64xi32, #tpu.memory_space<vmem>>, %arg16: memref<64xi32, #tpu.memory_space<vmem>>, %arg17: memref<64xi32, #tpu.memory_space<vmem>>, %arg18: memref<64xi32, #tpu.memory_space<vmem>>, %arg19: memref<64xi32, #tpu.memory_space<vmem>>, %arg20: memref<5x64x32xf32, #tpu.memory_space<vmem>>, %arg21: memref<!tpu.dma_semaphore, #tpu.memory_space<semaphore_mem>>, %arg22: memref<!tpu.dma_semaphore, #tpu.memory_space<semaphore_mem>>, %arg23: memref<!tpu.dma_semaphore, #tpu.memory_space<semaphore_mem>>, %arg24: memref<!tpu.dma_semaphore, #tpu.memory_space<semaphore_mem>>) attributes {dimension_semantics = [#tpu.dimension_semantics<core_parallel>, #tpu.dimension_semantics<subcore_parallel>], iteration_bounds = array<i64: 2, 16>, scalar_prefetch = 0 : i64, scratch_operands = 17 : i64, tpu.core_type = #tpu.core_type<sc_vector_subcore>, window_params = [{transform_indices = #map}, {transform_indices = #map}, {transform_indices = #map}, {transform_indices = #map1}, {transform_indices = #map}, {transform_indices = #map}]} {
    %mul3A = arith.constant 16 : i32
    %mul3A_0 = arith.muli %arg0, %mul3A : i32
    %add3A = arith.addi %mul3A_0, %arg1 : i32
    %mul3A_1 = arith.constant 640 : i32
    %mul3A_2 = arith.muli %arg1, %mul3A_1 : i32
    %mul3A_3 = arith.constant 640 : i32
    %mul3A_4 = arith.muli %arg1, %mul3A_3 : i32
    "tpu.region"() ({
      %run_scoped3A = tpu.sem_alloc : memref<!tpu.dma_semaphore, #tpu.memory_space<semaphore_mem>>
      %dma_start3A_388 = tpu.memref_slice %arg8[%mul3A_4] : memref<10240xf32, #tpu.memory_space<vmem_shared>> -> memref<640xf32, #tpu.memory_space<vmem_shared>>
      %dma_start3A_389 = tpu.memref_slice %arg5[%mul3A_2] : memref<10240xf32, #tpu.memory_space<hbm>> -> memref<640xf32, #tpu.memory_space<hbm>>
      tpu.enqueue_dma source(%dma_start3A_389 : memref<640xf32, #tpu.memory_space<hbm>>) target(%dma_start3A_388 : memref<640xf32, #tpu.memory_space<vmem_shared>>) target_semaphore(%run_scoped3A : memref<!tpu.dma_semaphore, #tpu.memory_space<semaphore_mem>>)
      %dma_wait3A_390 = tpu.memref_slice %arg8[%mul3A_4] : memref<10240xf32, #tpu.memory_space<vmem_shared>> -> memref<640xf32, #tpu.memory_space<vmem_shared>>
      %dma_wait3A_391 = tpu.memref_slice %arg5[%mul3A_2] : memref<10240xf32, #tpu.memory_space<hbm>> -> memref<640xf32, #tpu.memory_space<hbm>>
      tpu.wait_dma2 semaphore(%run_scoped3A : memref<!tpu.dma_semaphore, #tpu.memory_space<semaphore_mem>>) src(%dma_wait3A_391 : memref<640xf32, #tpu.memory_space<hbm>>) dst(%dma_wait3A_390 : memref<640xf32, #tpu.memory_space<vmem_shared>>)
      tpu.yield
    }) : () -> ()
    %mul3A_5 = arith.constant 640 : i32
    %mul3A_6 = arith.muli %arg1, %mul3A_5 : i32
    %mul3A_7 = arith.constant 640 : i32
    %mul3A_8 = arith.muli %arg1, %mul3A_7 : i32
    "tpu.region"() ({
      %run_scoped3A = tpu.sem_alloc : memref<!tpu.dma_semaphore, #tpu.memory_space<semaphore_mem>>
      %dma_start3A_388 = arith.constant 0 : i32
      %dma_start3A_389 = tpu.memref_slice %arg9[%mul3A_8, %dma_start3A_388] : memref<10240x32xf32, #tpu.memory_space<vmem_shared>> -> memref<640x32xf32, #tpu.memory_space<vmem_shared>>
      %dma_start3A_390 = arith.constant 0 : i32
      %dma_start3A_391 = tpu.memref_slice %arg4[%mul3A_6, %dma_start3A_390] : memref<10240x32xf32, #tpu.memory_space<hbm>> -> memref<640x32xf32, #tpu.memory_space<hbm>>
      tpu.enqueue_dma source(%dma_start3A_391 : memref<640x32xf32, #tpu.memory_space<hbm>>) target(%dma_start3A_389 : memref<640x32xf32, #tpu.memory_space<vmem_shared>>) target_semaphore(%run_scoped3A : memref<!tpu.dma_semaphore, #tpu.memory_space<semaphore_mem>>)
      %dma_wait3A_392 = arith.constant 0 : i32
      %dma_wait3A_393 = tpu.memref_slice %arg9[%mul3A_8, %dma_wait3A_392] : memref<10240x32xf32, #tpu.memory_space<vmem_shared>> -> memref<640x32xf32, #tpu.memory_space<vmem_shared>>
      %dma_wait3A_394 = arith.constant 0 : i32
      %dma_wait3A_395 = tpu.memref_slice %arg4[%mul3A_6, %dma_wait3A_394] : memref<10240x32xf32, #tpu.memory_space<hbm>> -> memref<640x32xf32, #tpu.memory_space<hbm>>
      tpu.wait_dma2 semaphore(%run_scoped3A : memref<!tpu.dma_semaphore, #tpu.memory_space<semaphore_mem>>) src(%dma_wait3A_395 : memref<640x32xf32, #tpu.memory_space<hbm>>) dst(%dma_wait3A_393 : memref<640x32xf32, #tpu.memory_space<vmem_shared>>)
      tpu.yield
    }) : () -> ()
    %broadcast_in_dim3A = arith.constant 1.000000e+00 : f32
    %broadcast_in_dim3A_9 = vector.broadcast %broadcast_in_dim3A : f32 to vector<16xf32>
    %swap3A = arith.constant 0 : index
    %swap3A_10 = tpu.vector_load %arg14[%swap3A] {strides = array<i32>} : memref<128xf32, #tpu.memory_space<vmem>>, vector<16xf32>,
    %swap3A_11 = vector.shape_cast %swap3A_10 : vector<16xf32> to vector<16xf32>
    %swap3A_12 = vector.shape_cast %broadcast_in_dim3A_9 : vector<16xf32> to vector<16xf32>
    tpu.vector_store %arg14[%swap3A], %swap3A_12 {strides = array<i32>} : memref<128xf32, #tpu.memory_space<vmem>>, vector<16xf32>,
    %broadcast_in_dim3A_13 = arith.constant 1.000000e+00 : f32
    %broadcast_in_dim3A_14 = vector.broadcast %broadcast_in_dim3A_13 : f32 to vector<16xf32>
    %swap3A_15 = arith.constant 16 : index
    %swap3A_16 = tpu.vector_load %arg14[%swap3A_15] {strides = array<i32>} : memref<128xf32, #tpu.memory_space<vmem>>, vector<16xf32>,
    %swap3A_17 = vector.shape_cast %swap3A_16 : vector<16xf32> to vector<16xf32>
    %swap3A_18 = vector.shape_cast %broadcast_in_dim3A_14 : vector<16xf32> to vector<16xf32>
    tpu.vector_store %arg14[%swap3A_15], %swap3A_18 {strides = array<i32>} : memref<128xf32, #tpu.memory_space<vmem>>, vector<16xf32>,
    %broadcast_in_dim3A_19 = arith.constant 1.000000e+00 : f32
    %broadcast_in_dim3A_20 = vector.broadcast %broadcast_in_dim3A_19 : f32 to vector<16xf32>
    %swap3A_21 = arith.constant 32 : index
    %swap3A_22 = tpu.vector_load %arg14[%swap3A_21] {strides = array<i32>} : memref<128xf32, #tpu.memory_space<vmem>>, vector<16xf32>,
    %swap3A_23 = vector.shape_cast %swap3A_22 : vector<16xf32> to vector<16xf32>
    %swap3A_24 = vector.shape_cast %broadcast_in_dim3A_20 : vector<16xf32> to vector<16xf32>
    tpu.vector_store %arg14[%swap3A_21], %swap3A_24 {strides = array<i32>} : memref<128xf32, #tpu.memory_space<vmem>>, vector<16xf32>,
    %broadcast_in_dim3A_25 = arith.constant 1.000000e+00 : f32
    %broadcast_in_dim3A_26 = vector.broadcast %broadcast_in_dim3A_25 : f32 to vector<16xf32>
    %swap3A_27 = arith.constant 48 : index
    %swap3A_28 = tpu.vector_load %arg14[%swap3A_27] {strides = array<i32>} : memref<128xf32, #tpu.memory_space<vmem>>, vector<16xf32>,
    %swap3A_29 = vector.shape_cast %swap3A_28 : vector<16xf32> to vector<16xf32>
    %swap3A_30 = vector.shape_cast %broadcast_in_dim3A_26 : vector<16xf32> to vector<16xf32>
    tpu.vector_store %arg14[%swap3A_27], %swap3A_30 {strides = array<i32>} : memref<128xf32, #tpu.memory_space<vmem>>, vector<16xf32>,
    %broadcast_in_dim3A_31 = arith.constant 1.000000e+00 : f32
    %broadcast_in_dim3A_32 = vector.broadcast %broadcast_in_dim3A_31 : f32 to vector<16xf32>
    %swap3A_33 = arith.constant 64 : index
    %swap3A_34 = tpu.vector_load %arg14[%swap3A_33] {strides = array<i32>} : memref<128xf32, #tpu.memory_space<vmem>>, vector<16xf32>,
    %swap3A_35 = vector.shape_cast %swap3A_34 : vector<16xf32> to vector<16xf32>
    %swap3A_36 = vector.shape_cast %broadcast_in_dim3A_32 : vector<16xf32> to vector<16xf32>
    tpu.vector_store %arg14[%swap3A_33], %swap3A_36 {strides = array<i32>} : memref<128xf32, #tpu.memory_space<vmem>>, vector<16xf32>,
    %broadcast_in_dim3A_37 = arith.constant 1.000000e+00 : f32
    %broadcast_in_dim3A_38 = vector.broadcast %broadcast_in_dim3A_37 : f32 to vector<16xf32>
    %swap3A_39 = arith.constant 80 : index
    %swap3A_40 = tpu.vector_load %arg14[%swap3A_39] {strides = array<i32>} : memref<128xf32, #tpu.memory_space<vmem>>, vector<16xf32>,
    %swap3A_41 = vector.shape_cast %swap3A_40 : vector<16xf32> to vector<16xf32>
    %swap3A_42 = vector.shape_cast %broadcast_in_dim3A_38 : vector<16xf32> to vector<16xf32>
    tpu.vector_store %arg14[%swap3A_39], %swap3A_42 {strides = array<i32>} : memref<128xf32, #tpu.memory_space<vmem>>, vector<16xf32>,
    %broadcast_in_dim3A_43 = arith.constant 1.000000e+00 : f32
    %broadcast_in_dim3A_44 = vector.broadcast %broadcast_in_dim3A_43 : f32 to vector<16xf32>
    %swap3A_45 = arith.constant 96 : index
    %swap3A_46 = tpu.vector_load %arg14[%swap3A_45] {strides = array<i32>} : memref<128xf32, #tpu.memory_space<vmem>>, vector<16xf32>,
    %swap3A_47 = vector.shape_cast %swap3A_46 : vector<16xf32> to vector<16xf32>
    %swap3A_48 = vector.shape_cast %broadcast_in_dim3A_44 : vector<16xf32> to vector<16xf32>
    tpu.vector_store %arg14[%swap3A_45], %swap3A_48 {strides = array<i32>} : memref<128xf32, #tpu.memory_space<vmem>>, vector<16xf32>,
    %broadcast_in_dim3A_49 = arith.constant 1.000000e+00 : f32
    %broadcast_in_dim3A_50 = vector.broadcast %broadcast_in_dim3A_49 : f32 to vector<16xf32>
    %swap3A_51 = arith.constant 112 : index
    %swap3A_52 = tpu.vector_load %arg14[%swap3A_51] {strides = array<i32>} : memref<128xf32, #tpu.memory_space<vmem>>, vector<16xf32>,
    %swap3A_53 = vector.shape_cast %swap3A_52 : vector<16xf32> to vector<16xf32>
    %swap3A_54 = vector.shape_cast %broadcast_in_dim3A_50 : vector<16xf32> to vector<16xf32>
    tpu.vector_store %arg14[%swap3A_51], %swap3A_54 {strides = array<i32>} : memref<128xf32, #tpu.memory_space<vmem>>, vector<16xf32>,
    %mul3A_55 = arith.constant 1280 : i32
    %mul3A_56 = arith.muli %arg0, %mul3A_55 : i32
    %mul3A_57 = arith.constant 80 : i32
    %mul3A_58 = arith.muli %arg1, %mul3A_57 : i32
    %add3A_59 = arith.addi %mul3A_56, %mul3A_58 : i32
    %barrier3A = arith.constant 0 : index
    tpu.barrier barrier_id(%barrier3A)
    %scan3A = arith.constant 0 : i32
    %scan3A_60 = arith.constant 0 : i32
    %scan3A_61 = arith.constant 20 : i32
    %scan3A_62 = arith.addi %scan3A_60, %scan3A_61 : i32
    %scan3A_63 = arith.constant 1 : i32
    scf.for %scan3A_388 = %scan3A_60 to %scan3A_62 step %scan3A_63  : i32 {
      %mul3A_389 = arith.constant 4 : i32
      %mul3A_390 = arith.muli %scan3A_388, %mul3A_389 : i32
      %add3A_391 = arith.addi %add3A_59, %mul3A_390 : i32
      %add3A_392 = arith.constant 0 : i32
      %add3A_393 = arith.addi %add3A_391, %add3A_392 : i32
      %dma_start3A_394 = arith.constant 0 : i32
      %dma_start3A_395 = tpu.memref_slice %arg2[%add3A_393, %dma_start3A_394] : memref<2560x128xi32, #tpu.memory_space<hbm>> -> memref<1x128xi32, #tpu.memory_space<hbm>>
      %dma_start3A_396 = tpu.memref_squeeze %dma_start3A_395 : memref<1x128xi32, #tpu.memory_space<hbm>> -> memref<128xi32, #tpu.memory_space<hbm>>
      %dma_start3A_397 = arith.constant 0 : i32
      %dma_start3A_398 = tpu.memref_slice %arg2[%add3A_393, %dma_start3A_397] : memref<2560x128xi32, #tpu.memory_space<hbm>> -> memref<1x128xi32, #tpu.memory_space<hbm>>
      %dma_start3A_399 = tpu.memref_squeeze %dma_start3A_398 : memref<1x128xi32, #tpu.memory_space<hbm>> -> memref<128xi32, #tpu.memory_space<hbm>>
      tpu.enqueue_dma source(%dma_start3A_399 : memref<128xi32, #tpu.memory_space<hbm>>) target(%arg10 : memref<128xi32, #tpu.memory_space<vmem>>) target_semaphore(%arg21 : memref<!tpu.dma_semaphore, #tpu.memory_space<semaphore_mem>>)
      %mul3A_400 = arith.constant 4 : i32
      %mul3A_401 = arith.muli %scan3A_388, %mul3A_400 : i32
      %add3A_402 = arith.addi %add3A_59, %mul3A_401 : i32
      %add3A_403 = arith.constant 1 : i32
      %add3A_404 = arith.addi %add3A_402, %add3A_403 : i32
      %dma_start3A_405 = arith.constant 0 : i32
      %dma_start3A_406 = tpu.memref_slice %arg2[%add3A_404, %dma_start3A_405] : memref<2560x128xi32, #tpu.memory_space<hbm>> -> memref<1x128xi32, #tpu.memory_space<hbm>>
      %dma_start3A_407 = tpu.memref_squeeze %dma_start3A_406 : memref<1x128xi32, #tpu.memory_space<hbm>> -> memref<128xi32, #tpu.memory_space<hbm>>
      %dma_start3A_408 = arith.constant 0 : i32
      %dma_start3A_409 = tpu.memref_slice %arg2[%add3A_404, %dma_start3A_408] : memref<2560x128xi32, #tpu.memory_space<hbm>> -> memref<1x128xi32, #tpu.memory_space<hbm>>
      %dma_start3A_410 = tpu.memref_squeeze %dma_start3A_409 : memref<1x128xi32, #tpu.memory_space<hbm>> -> memref<128xi32, #tpu.memory_space<hbm>>
      tpu.enqueue_dma source(%dma_start3A_410 : memref<128xi32, #tpu.memory_space<hbm>>) target(%arg11 : memref<128xi32, #tpu.memory_space<vmem>>) target_semaphore(%arg21 : memref<!tpu.dma_semaphore, #tpu.memory_space<semaphore_mem>>)
      %mul3A_411 = arith.constant 4 : i32
      %mul3A_412 = arith.muli %scan3A_388, %mul3A_411 : i32
      %add3A_413 = arith.addi %add3A_59, %mul3A_412 : i32
      %add3A_414 = arith.constant 2 : i32
      %add3A_415 = arith.addi %add3A_413, %add3A_414 : i32
      %dma_start3A_416 = arith.constant 0 : i32
      %dma_start3A_417 = tpu.memref_slice %arg2[%add3A_415, %dma_start3A_416] : memref<2560x128xi32, #tpu.memory_space<hbm>> -> memref<1x128xi32, #tpu.memory_space<hbm>>
      %dma_start3A_418 = tpu.memref_squeeze %dma_start3A_417 : memref<1x128xi32, #tpu.memory_space<hbm>> -> memref<128xi32, #tpu.memory_space<hbm>>
      %dma_start3A_419 = arith.constant 0 : i32
      %dma_start3A_420 = tpu.memref_slice %arg2[%add3A_415, %dma_start3A_419] : memref<2560x128xi32, #tpu.memory_space<hbm>> -> memref<1x128xi32, #tpu.memory_space<hbm>>
      %dma_start3A_421 = tpu.memref_squeeze %dma_start3A_420 : memref<1x128xi32, #tpu.memory_space<hbm>> -> memref<128xi32, #tpu.memory_space<hbm>>
      tpu.enqueue_dma source(%dma_start3A_421 : memref<128xi32, #tpu.memory_space<hbm>>) target(%arg12 : memref<128xi32, #tpu.memory_space<vmem>>) target_semaphore(%arg21 : memref<!tpu.dma_semaphore, #tpu.memory_space<semaphore_mem>>)
      %mul3A_422 = arith.constant 4 : i32
      %mul3A_423 = arith.muli %scan3A_388, %mul3A_422 : i32
      %add3A_424 = arith.addi %add3A_59, %mul3A_423 : i32
      %add3A_425 = arith.constant 3 : i32
      %add3A_426 = arith.addi %add3A_424, %add3A_425 : i32
      %dma_start3A_427 = arith.constant 0 : i32
      %dma_start3A_428 = tpu.memref_slice %arg2[%add3A_426, %dma_start3A_427] : memref<2560x128xi32, #tpu.memory_space<hbm>> -> memref<1x128xi32, #tpu.memory_space<hbm>>
      %dma_start3A_429 = tpu.memref_squeeze %dma_start3A_428 : memref<1x128xi32, #tpu.memory_space<hbm>> -> memref<128xi32, #tpu.memory_space<hbm>>
      %dma_start3A_430 = arith.constant 0 : i32
      %dma_start3A_431 = tpu.memref_slice %arg2[%add3A_426, %dma_start3A_430] : memref<2560x128xi32, #tpu.memory_space<hbm>> -> memref<1x128xi32, #tpu.memory_space<hbm>>
      %dma_start3A_432 = tpu.memref_squeeze %dma_start3A_431 : memref<1x128xi32, #tpu.memory_space<hbm>> -> memref<128xi32, #tpu.memory_space<hbm>>
      tpu.enqueue_dma source(%dma_start3A_432 : memref<128xi32, #tpu.memory_space<hbm>>) target(%arg13 : memref<128xi32, #tpu.memory_space<vmem>>) target_semaphore(%arg21 : memref<!tpu.dma_semaphore, #tpu.memory_space<semaphore_mem>>)
      %dma_wait3A_433 = arith.constant 0 : i32
      %dma_wait3A_434 = tpu.memref_slice %arg2[%add3A_393, %dma_wait3A_433] : memref<2560x128xi32, #tpu.memory_space<hbm>> -> memref<1x128xi32, #tpu.memory_space<hbm>>
      %dma_wait3A_435 = tpu.memref_squeeze %dma_wait3A_434 : memref<1x128xi32, #tpu.memory_space<hbm>> -> memref<128xi32, #tpu.memory_space<hbm>>
      %dma_wait3A_436 = arith.constant 0 : i32
      %dma_wait3A_437 = tpu.memref_slice %arg2[%add3A_393, %dma_wait3A_436] : memref<2560x128xi32, #tpu.memory_space<hbm>> -> memref<1x128xi32, #tpu.memory_space<hbm>>
      %dma_wait3A_438 = tpu.memref_squeeze %dma_wait3A_437 : memref<1x128xi32, #tpu.memory_space<hbm>> -> memref<128xi32, #tpu.memory_space<hbm>>
      tpu.wait_dma2 semaphore(%arg21 : memref<!tpu.dma_semaphore, #tpu.memory_space<semaphore_mem>>) src(%dma_wait3A_438 : memref<128xi32, #tpu.memory_space<hbm>>) dst(%arg10 : memref<128xi32, #tpu.memory_space<vmem>>)
      %dma_wait3A_439 = arith.constant 0 : i32
      %dma_wait3A_440 = tpu.memref_slice %arg2[%add3A_404, %dma_wait3A_439] : memref<2560x128xi32, #tpu.memory_space<hbm>> -> memref<1x128xi32, #tpu.memory_space<hbm>>
      %dma_wait3A_441 = tpu.memref_squeeze %dma_wait3A_440 : memref<1x128xi32, #tpu.memory_space<hbm>> -> memref<128xi32, #tpu.memory_space<hbm>>
      %dma_wait3A_442 = arith.constant 0 : i32
      %dma_wait3A_443 = tpu.memref_slice %arg2[%add3A_404, %dma_wait3A_442] : memref<2560x128xi32, #tpu.memory_space<hbm>> -> memref<1x128xi32, #tpu.memory_space<hbm>>
      %dma_wait3A_444 = tpu.memref_squeeze %dma_wait3A_443 : memref<1x128xi32, #tpu.memory_space<hbm>> -> memref<128xi32, #tpu.memory_space<hbm>>
      tpu.wait_dma2 semaphore(%arg21 : memref<!tpu.dma_semaphore, #tpu.memory_space<semaphore_mem>>) src(%dma_wait3A_444 : memref<128xi32, #tpu.memory_space<hbm>>) dst(%arg11 : memref<128xi32, #tpu.memory_space<vmem>>)
      %dma_wait3A_445 = arith.constant 0 : i32
      %dma_wait3A_446 = tpu.memref_slice %arg2[%add3A_415, %dma_wait3A_445] : memref<2560x128xi32, #tpu.memory_space<hbm>> -> memref<1x128xi32, #tpu.memory_space<hbm>>
      %dma_wait3A_447 = tpu.memref_squeeze %dma_wait3A_446 : memref<1x128xi32, #tpu.memory_space<hbm>> -> memref<128xi32, #tpu.memory_space<hbm>>
      %dma_wait3A_448 = arith.constant 0 : i32
      %dma_wait3A_449 = tpu.memref_slice %arg2[%add3A_415, %dma_wait3A_448] : memref<2560x128xi32, #tpu.memory_space<hbm>> -> memref<1x128xi32, #tpu.memory_space<hbm>>
      %dma_wait3A_450 = tpu.memref_squeeze %dma_wait3A_449 : memref<1x128xi32, #tpu.memory_space<hbm>> -> memref<128xi32, #tpu.memory_space<hbm>>
      tpu.wait_dma2 semaphore(%arg21 : memref<!tpu.dma_semaphore, #tpu.memory_space<semaphore_mem>>) src(%dma_wait3A_450 : memref<128xi32, #tpu.memory_space<hbm>>) dst(%arg12 : memref<128xi32, #tpu.memory_space<vmem>>)
      %dma_wait3A_451 = arith.constant 0 : i32
      %dma_wait3A_452 = tpu.memref_slice %arg2[%add3A_426, %dma_wait3A_451] : memref<2560x128xi32, #tpu.memory_space<hbm>> -> memref<1x128xi32, #tpu.memory_space<hbm>>
      %dma_wait3A_453 = tpu.memref_squeeze %dma_wait3A_452 : memref<1x128xi32, #tpu.memory_space<hbm>> -> memref<128xi32, #tpu.memory_space<hbm>>
      %dma_wait3A_454 = arith.constant 0 : i32
      %dma_wait3A_455 = tpu.memref_slice %arg2[%add3A_426, %dma_wait3A_454] : memref<2560x128xi32, #tpu.memory_space<hbm>> -> memref<1x128xi32, #tpu.memory_space<hbm>>
      %dma_wait3A_456 = tpu.memref_squeeze %dma_wait3A_455 : memref<1x128xi32, #tpu.memory_space<hbm>> -> memref<128xi32, #tpu.memory_space<hbm>>
      tpu.wait_dma2 semaphore(%arg21 : memref<!tpu.dma_semaphore, #tpu.memory_space<semaphore_mem>>) src(%dma_wait3A_456 : memref<128xi32, #tpu.memory_space<hbm>>) dst(%arg13 : memref<128xi32, #tpu.memory_space<vmem>>)
      %dma_start3A_457 = arith.constant 0 : i32
      %dma_start3A_458 = tpu.memref_slice %arg8[%dma_start3A_457] : memref<10240xf32, #tpu.memory_space<vmem_shared>> -> memref<10240xf32, #tpu.memory_space<vmem_shared>>
      tpu.enqueue_indirect_dma source(%arg14 : memref<128xf32, #tpu.memory_space<vmem>>) target(%dma_start3A_458 : memref<10240xf32, #tpu.memory_space<vmem_shared>>) offsets(%arg10 : memref<128xi32, #tpu.memory_space<vmem>>) semaphore(%arg22 : memref<!tpu.dma_semaphore, #tpu.memory_space<semaphore_mem>>) {add = true}
      %dma_start3A_459 = arith.constant 0 : i32
      %dma_start3A_460 = tpu.memref_slice %arg8[%dma_start3A_459] : memref<10240xf32, #tpu.memory_space<vmem_shared>> -> memref<10240xf32, #tpu.memory_space<vmem_shared>>
      tpu.enqueue_indirect_dma source(%arg14 : memref<128xf32, #tpu.memory_space<vmem>>) target(%dma_start3A_460 : memref<10240xf32, #tpu.memory_space<vmem_shared>>) offsets(%arg11 : memref<128xi32, #tpu.memory_space<vmem>>) semaphore(%arg22 : memref<!tpu.dma_semaphore, #tpu.memory_space<semaphore_mem>>) {add = true}
      %dma_start3A_461 = arith.constant 0 : i32
      %dma_start3A_462 = tpu.memref_slice %arg8[%dma_start3A_461] : memref<10240xf32, #tpu.memory_space<vmem_shared>> -> memref<10240xf32, #tpu.memory_space<vmem_shared>>
      tpu.enqueue_indirect_dma source(%arg14 : memref<128xf32, #tpu.memory_space<vmem>>) target(%dma_start3A_462 : memref<10240xf32, #tpu.memory_space<vmem_shared>>) offsets(%arg12 : memref<128xi32, #tpu.memory_space<vmem>>) semaphore(%arg22 : memref<!tpu.dma_semaphore, #tpu.memory_space<semaphore_mem>>) {add = true}
      %dma_start3A_463 = arith.constant 0 : i32
      %dma_start3A_464 = tpu.memref_slice %arg8[%dma_start3A_463] : memref<10240xf32, #tpu.memory_space<vmem_shared>> -> memref<10240xf32, #tpu.memory_space<vmem_shared>>
      tpu.enqueue_indirect_dma source(%arg14 : memref<128xf32, #tpu.memory_space<vmem>>) target(%dma_start3A_464 : memref<10240xf32, #tpu.memory_space<vmem_shared>>) offsets(%arg13 : memref<128xi32, #tpu.memory_space<vmem>>) semaphore(%arg22 : memref<!tpu.dma_semaphore, #tpu.memory_space<semaphore_mem>>) {add = true}
      %dma_wait3A_465 = arith.constant 0 : i32
      %dma_wait3A_466 = tpu.memref_slice %arg8[%dma_wait3A_465] : memref<10240xf32, #tpu.memory_space<vmem_shared>> -> memref<10240xf32, #tpu.memory_space<vmem_shared>>
      tpu.wait_indirect_dma semaphore(%arg22 : memref<!tpu.dma_semaphore, #tpu.memory_space<semaphore_mem>>) src(%arg14 : memref<128xf32, #tpu.memory_space<vmem>>) dst(%dma_wait3A_466 : memref<10240xf32, #tpu.memory_space<vmem_shared>>)
      %dma_wait3A_467 = arith.constant 0 : i32
      %dma_wait3A_468 = tpu.memref_slice %arg8[%dma_wait3A_467] : memref<10240xf32, #tpu.memory_space<vmem_shared>> -> memref<10240xf32, #tpu.memory_space<vmem_shared>>
      tpu.wait_indirect_dma semaphore(%arg22 : memref<!tpu.dma_semaphore, #tpu.memory_space<semaphore_mem>>) src(%arg14 : memref<128xf32, #tpu.memory_space<vmem>>) dst(%dma_wait3A_468 : memref<10240xf32, #tpu.memory_space<vmem_shared>>)
      %dma_wait3A_469 = arith.constant 0 : i32
      %dma_wait3A_470 = tpu.memref_slice %arg8[%dma_wait3A_469] : memref<10240xf32, #tpu.memory_space<vmem_shared>> -> memref<10240xf32, #tpu.memory_space<vmem_shared>>
      tpu.wait_indirect_dma semaphore(%arg22 : memref<!tpu.dma_semaphore, #tpu.memory_space<semaphore_mem>>) src(%arg14 : memref<128xf32, #tpu.memory_space<vmem>>) dst(%dma_wait3A_470 : memref<10240xf32, #tpu.memory_space<vmem_shared>>)
      %dma_wait3A_471 = arith.constant 0 : i32
      %dma_wait3A_472 = tpu.memref_slice %arg8[%dma_wait3A_471] : memref<10240xf32, #tpu.memory_space<vmem_shared>> -> memref<10240xf32, #tpu.memory_space<vmem_shared>>
      tpu.wait_indirect_dma semaphore(%arg22 : memref<!tpu.dma_semaphore, #tpu.memory_space<semaphore_mem>>) src(%arg14 : memref<128xf32, #tpu.memory_space<vmem>>) dst(%dma_wait3A_472 : memref<10240xf32, #tpu.memory_space<vmem_shared>>)
    }
    %scan3A_64 = arith.constant 20 : i32
    %mul3A_65 = arith.constant 5 : i32
    %mul3A_66 = arith.muli %add3A, %mul3A_65 : i32
    %add3A_67 = arith.constant 0 : i32
    %add3A_68 = arith.addi %mul3A_66, %add3A_67 : i32
    %dma_start3A = arith.constant 0 : i32
    %dma_start3A_69 = tpu.memref_slice %arg3[%add3A_68, %dma_start3A] : memref<160x64xi32, #tpu.memory_space<hbm>> -> memref<1x64xi32, #tpu.memory_space<hbm>>
    %dma_start3A_70 = tpu.memref_squeeze %dma_start3A_69 : memref<1x64xi32, #tpu.memory_space<hbm>> -> memref<64xi32, #tpu.memory_space<hbm>>
    %dma_start3A_71 = arith.constant 0 : i32
    %dma_start3A_72 = tpu.memref_slice %arg3[%add3A_68, %dma_start3A_71] : memref<160x64xi32, #tpu.memory_space<hbm>> -> memref<1x64xi32, #tpu.memory_space<hbm>>
    %dma_start3A_73 = tpu.memref_squeeze %dma_start3A_72 : memref<1x64xi32, #tpu.memory_space<hbm>> -> memref<64xi32, #tpu.memory_space<hbm>>
    tpu.enqueue_dma source(%dma_start3A_73 : memref<64xi32, #tpu.memory_space<hbm>>) target(%arg15 : memref<64xi32, #tpu.memory_space<vmem>>) target_semaphore(%arg21 : memref<!tpu.dma_semaphore, #tpu.memory_space<semaphore_mem>>)
    %mul3A_74 = arith.constant 5 : i32
    %mul3A_75 = arith.muli %add3A, %mul3A_74 : i32
    %add3A_76 = arith.constant 1 : i32
    %add3A_77 = arith.addi %mul3A_75, %add3A_76 : i32
    %dma_start3A_78 = arith.constant 0 : i32
    %dma_start3A_79 = tpu.memref_slice %arg3[%add3A_77, %dma_start3A_78] : memref<160x64xi32, #tpu.memory_space<hbm>> -> memref<1x64xi32, #tpu.memory_space<hbm>>
    %dma_start3A_80 = tpu.memref_squeeze %dma_start3A_79 : memref<1x64xi32, #tpu.memory_space<hbm>> -> memref<64xi32, #tpu.memory_space<hbm>>
    %dma_start3A_81 = arith.constant 0 : i32
    %dma_start3A_82 = tpu.memref_slice %arg3[%add3A_77, %dma_start3A_81] : memref<160x64xi32, #tpu.memory_space<hbm>> -> memref<1x64xi32, #tpu.memory_space<hbm>>
    %dma_start3A_83 = tpu.memref_squeeze %dma_start3A_82 : memref<1x64xi32, #tpu.memory_space<hbm>> -> memref<64xi32, #tpu.memory_space<hbm>>
    tpu.enqueue_dma source(%dma_start3A_83 : memref<64xi32, #tpu.memory_space<hbm>>) target(%arg16 : memref<64xi32, #tpu.memory_space<vmem>>) target_semaphore(%arg21 : memref<!tpu.dma_semaphore, #tpu.memory_space<semaphore_mem>>)
    %mul3A_84 = arith.constant 5 : i32
    %mul3A_85 = arith.muli %add3A, %mul3A_84 : i32
    %add3A_86 = arith.constant 2 : i32
    %add3A_87 = arith.addi %mul3A_85, %add3A_86 : i32
    %dma_start3A_88 = arith.constant 0 : i32
    %dma_start3A_89 = tpu.memref_slice %arg3[%add3A_87, %dma_start3A_88] : memref<160x64xi32, #tpu.memory_space<hbm>> -> memref<1x64xi32, #tpu.memory_space<hbm>>
    %dma_start3A_90 = tpu.memref_squeeze %dma_start3A_89 : memref<1x64xi32, #tpu.memory_space<hbm>> -> memref<64xi32, #tpu.memory_space<hbm>>
    %dma_start3A_91 = arith.constant 0 : i32
    %dma_start3A_92 = tpu.memref_slice %arg3[%add3A_87, %dma_start3A_91] : memref<160x64xi32, #tpu.memory_space<hbm>> -> memref<1x64xi32, #tpu.memory_space<hbm>>
    %dma_start3A_93 = tpu.memref_squeeze %dma_start3A_92 : memref<1x64xi32, #tpu.memory_space<hbm>> -> memref<64xi32, #tpu.memory_space<hbm>>
    tpu.enqueue_dma source(%dma_start3A_93 : memref<64xi32, #tpu.memory_space<hbm>>) target(%arg17 : memref<64xi32, #tpu.memory_space<vmem>>) target_semaphore(%arg21 : memref<!tpu.dma_semaphore, #tpu.memory_space<semaphore_mem>>)
    %mul3A_94 = arith.constant 5 : i32
    %mul3A_95 = arith.muli %add3A, %mul3A_94 : i32
    %add3A_96 = arith.constant 3 : i32
    %add3A_97 = arith.addi %mul3A_95, %add3A_96 : i32
    %dma_start3A_98 = arith.constant 0 : i32
    %dma_start3A_99 = tpu.memref_slice %arg3[%add3A_97, %dma_start3A_98] : memref<160x64xi32, #tpu.memory_space<hbm>> -> memref<1x64xi32, #tpu.memory_space<hbm>>
    %dma_start3A_100 = tpu.memref_squeeze %dma_start3A_99 : memref<1x64xi32, #tpu.memory_space<hbm>> -> memref<64xi32, #tpu.memory_space<hbm>>
    %dma_start3A_101 = arith.constant 0 : i32
    %dma_start3A_102 = tpu.memref_slice %arg3[%add3A_97, %dma_start3A_101] : memref<160x64xi32, #tpu.memory_space<hbm>> -> memref<1x64xi32, #tpu.memory_space<hbm>>
    %dma_start3A_103 = tpu.memref_squeeze %dma_start3A_102 : memref<1x64xi32, #tpu.memory_space<hbm>> -> memref<64xi32, #tpu.memory_space<hbm>>
    tpu.enqueue_dma source(%dma_start3A_103 : memref<64xi32, #tpu.memory_space<hbm>>) target(%arg18 : memref<64xi32, #tpu.memory_space<vmem>>) target_semaphore(%arg21 : memref<!tpu.dma_semaphore, #tpu.memory_space<semaphore_mem>>)
    %mul3A_104 = arith.constant 5 : i32
    %mul3A_105 = arith.muli %add3A, %mul3A_104 : i32
    %add3A_106 = arith.constant 4 : i32
    %add3A_107 = arith.addi %mul3A_105, %add3A_106 : i32
    %dma_start3A_108 = arith.constant 0 : i32
    %dma_start3A_109 = tpu.memref_slice %arg3[%add3A_107, %dma_start3A_108] : memref<160x64xi32, #tpu.memory_space<hbm>> -> memref<1x64xi32, #tpu.memory_space<hbm>>
    %dma_start3A_110 = tpu.memref_squeeze %dma_start3A_109 : memref<1x64xi32, #tpu.memory_space<hbm>> -> memref<64xi32, #tpu.memory_space<hbm>>
    %dma_start3A_111 = arith.constant 0 : i32
    %dma_start3A_112 = tpu.memref_slice %arg3[%add3A_107, %dma_start3A_111] : memref<160x64xi32, #tpu.memory_space<hbm>> -> memref<1x64xi32, #tpu.memory_space<hbm>>
    %dma_start3A_113 = tpu.memref_squeeze %dma_start3A_112 : memref<1x64xi32, #tpu.memory_space<hbm>> -> memref<64xi32, #tpu.memory_space<hbm>>
    tpu.enqueue_dma source(%dma_start3A_113 : memref<64xi32, #tpu.memory_space<hbm>>) target(%arg19 : memref<64xi32, #tpu.memory_space<vmem>>) target_semaphore(%arg21 : memref<!tpu.dma_semaphore, #tpu.memory_space<semaphore_mem>>)
    %dma_wait3A = arith.constant 0 : i32
    %dma_wait3A_114 = tpu.memref_slice %arg3[%add3A_68, %dma_wait3A] : memref<160x64xi32, #tpu.memory_space<hbm>> -> memref<1x64xi32, #tpu.memory_space<hbm>>
    %dma_wait3A_115 = tpu.memref_squeeze %dma_wait3A_114 : memref<1x64xi32, #tpu.memory_space<hbm>> -> memref<64xi32, #tpu.memory_space<hbm>>
    %dma_wait3A_116 = arith.constant 0 : i32
    %dma_wait3A_117 = tpu.memref_slice %arg3[%add3A_68, %dma_wait3A_116] : memref<160x64xi32, #tpu.memory_space<hbm>> -> memref<1x64xi32, #tpu.memory_space<hbm>>
    %dma_wait3A_118 = tpu.memref_squeeze %dma_wait3A_117 : memref<1x64xi32, #tpu.memory_space<hbm>> -> memref<64xi32, #tpu.memory_space<hbm>>
    tpu.wait_dma2 semaphore(%arg21 : memref<!tpu.dma_semaphore, #tpu.memory_space<semaphore_mem>>) src(%dma_wait3A_118 : memref<64xi32, #tpu.memory_space<hbm>>) dst(%arg15 : memref<64xi32, #tpu.memory_space<vmem>>)
    %dma_wait3A_119 = arith.constant 0 : i32
    %dma_wait3A_120 = tpu.memref_slice %arg3[%add3A_77, %dma_wait3A_119] : memref<160x64xi32, #tpu.memory_space<hbm>> -> memref<1x64xi32, #tpu.memory_space<hbm>>
    %dma_wait3A_121 = tpu.memref_squeeze %dma_wait3A_120 : memref<1x64xi32, #tpu.memory_space<hbm>> -> memref<64xi32, #tpu.memory_space<hbm>>
    %dma_wait3A_122 = arith.constant 0 : i32
    %dma_wait3A_123 = tpu.memref_slice %arg3[%add3A_77, %dma_wait3A_122] : memref<160x64xi32, #tpu.memory_space<hbm>> -> memref<1x64xi32, #tpu.memory_space<hbm>>
    %dma_wait3A_124 = tpu.memref_squeeze %dma_wait3A_123 : memref<1x64xi32, #tpu.memory_space<hbm>> -> memref<64xi32, #tpu.memory_space<hbm>>
    tpu.wait_dma2 semaphore(%arg21 : memref<!tpu.dma_semaphore, #tpu.memory_space<semaphore_mem>>) src(%dma_wait3A_124 : memref<64xi32, #tpu.memory_space<hbm>>) dst(%arg16 : memref<64xi32, #tpu.memory_space<vmem>>)
    %dma_wait3A_125 = arith.constant 0 : i32
    %dma_wait3A_126 = tpu.memref_slice %arg3[%add3A_87, %dma_wait3A_125] : memref<160x64xi32, #tpu.memory_space<hbm>> -> memref<1x64xi32, #tpu.memory_space<hbm>>
    %dma_wait3A_127 = tpu.memref_squeeze %dma_wait3A_126 : memref<1x64xi32, #tpu.memory_space<hbm>> -> memref<64xi32, #tpu.memory_space<hbm>>
    %dma_wait3A_128 = arith.constant 0 : i32
    %dma_wait3A_129 = tpu.memref_slice %arg3[%add3A_87, %dma_wait3A_128] : memref<160x64xi32, #tpu.memory_space<hbm>> -> memref<1x64xi32, #tpu.memory_space<hbm>>
    %dma_wait3A_130 = tpu.memref_squeeze %dma_wait3A_129 : memref<1x64xi32, #tpu.memory_space<hbm>> -> memref<64xi32, #tpu.memory_space<hbm>>
    tpu.wait_dma2 semaphore(%arg21 : memref<!tpu.dma_semaphore, #tpu.memory_space<semaphore_mem>>) src(%dma_wait3A_130 : memref<64xi32, #tpu.memory_space<hbm>>) dst(%arg17 : memref<64xi32, #tpu.memory_space<vmem>>)
    %dma_wait3A_131 = arith.constant 0 : i32
    %dma_wait3A_132 = tpu.memref_slice %arg3[%add3A_97, %dma_wait3A_131] : memref<160x64xi32, #tpu.memory_space<hbm>> -> memref<1x64xi32, #tpu.memory_space<hbm>>
    %dma_wait3A_133 = tpu.memref_squeeze %dma_wait3A_132 : memref<1x64xi32, #tpu.memory_space<hbm>> -> memref<64xi32, #tpu.memory_space<hbm>>
    %dma_wait3A_134 = arith.constant 0 : i32
    %dma_wait3A_135 = tpu.memref_slice %arg3[%add3A_97, %dma_wait3A_134] : memref<160x64xi32, #tpu.memory_space<hbm>> -> memref<1x64xi32, #tpu.memory_space<hbm>>
    %dma_wait3A_136 = tpu.memref_squeeze %dma_wait3A_135 : memref<1x64xi32, #tpu.memory_space<hbm>> -> memref<64xi32, #tpu.memory_space<hbm>>
    tpu.wait_dma2 semaphore(%arg21 : memref<!tpu.dma_semaphore, #tpu.memory_space<semaphore_mem>>) src(%dma_wait3A_136 : memref<64xi32, #tpu.memory_space<hbm>>) dst(%arg18 : memref<64xi32, #tpu.memory_space<vmem>>)
    %dma_wait3A_137 = arith.constant 0 : i32
    %dma_wait3A_138 = tpu.memref_slice %arg3[%add3A_107, %dma_wait3A_137] : memref<160x64xi32, #tpu.memory_space<hbm>> -> memref<1x64xi32, #tpu.memory_space<hbm>>
    %dma_wait3A_139 = tpu.memref_squeeze %dma_wait3A_138 : memref<1x64xi32, #tpu.memory_space<hbm>> -> memref<64xi32, #tpu.memory_space<hbm>>
    %dma_wait3A_140 = arith.constant 0 : i32
    %dma_wait3A_141 = tpu.memref_slice %arg3[%add3A_107, %dma_wait3A_140] : memref<160x64xi32, #tpu.memory_space<hbm>> -> memref<1x64xi32, #tpu.memory_space<hbm>>
    %dma_wait3A_142 = tpu.memref_squeeze %dma_wait3A_141 : memref<1x64xi32, #tpu.memory_space<hbm>> -> memref<64xi32, #tpu.memory_space<hbm>>
    tpu.wait_dma2 semaphore(%arg21 : memref<!tpu.dma_semaphore, #tpu.memory_space<semaphore_mem>>) src(%dma_wait3A_142 : memref<64xi32, #tpu.memory_space<hbm>>) dst(%arg19 : memref<64xi32, #tpu.memory_space<vmem>>)
    %dma_start3A_143 = arith.constant 0 : i32
    %dma_start3A_144 = arith.constant 0 : i32
    %dma_start3A_145 = arith.constant 0 : i32
    %dma_start3A_146 = tpu.memref_slice %arg20[%dma_start3A_143, %dma_start3A_144, %dma_start3A_145] : memref<5x64x32xf32, #tpu.memory_space<vmem>> -> memref<1x64x32xf32, #tpu.memory_space<vmem>>
    %dma_start3A_147 = tpu.memref_squeeze %dma_start3A_146 : memref<1x64x32xf32, #tpu.memory_space<vmem>> -> memref<64x32xf32, #tpu.memory_space<vmem>>
    %dma_start3A_148 = arith.constant 0 : i32
    %dma_start3A_149 = arith.constant 0 : i32
    %dma_start3A_150 = tpu.memref_slice %arg9[%dma_start3A_148, %dma_start3A_149] : memref<10240x32xf32, #tpu.memory_space<vmem_shared>> -> memref<10240x32xf32, #tpu.memory_space<vmem_shared>>
    tpu.enqueue_indirect_dma source(%dma_start3A_150 : memref<10240x32xf32, #tpu.memory_space<vmem_shared>>) target(%dma_start3A_147 : memref<64x32xf32, #tpu.memory_space<vmem>>) offsets(%arg15 : memref<64xi32, #tpu.memory_space<vmem>>) semaphore(%arg23 : memref<!tpu.dma_semaphore, #tpu.memory_space<semaphore_mem>>)
    %dma_start3A_151 = arith.constant 1 : i32
    %dma_start3A_152 = arith.constant 0 : i32
    %dma_start3A_153 = arith.constant 0 : i32
    %dma_start3A_154 = tpu.memref_slice %arg20[%dma_start3A_151, %dma_start3A_152, %dma_start3A_153] : memref<5x64x32xf32, #tpu.memory_space<vmem>> -> memref<1x64x32xf32, #tpu.memory_space<vmem>>
    %dma_start3A_155 = tpu.memref_squeeze %dma_start3A_154 : memref<1x64x32xf32, #tpu.memory_space<vmem>> -> memref<64x32xf32, #tpu.memory_space<vmem>>
    %dma_start3A_156 = arith.constant 0 : i32
    %dma_start3A_157 = arith.constant 0 : i32
    %dma_start3A_158 = tpu.memref_slice %arg9[%dma_start3A_156, %dma_start3A_157] : memref<10240x32xf32, #tpu.memory_space<vmem_shared>> -> memref<10240x32xf32, #tpu.memory_space<vmem_shared>>
    tpu.enqueue_indirect_dma source(%dma_start3A_158 : memref<10240x32xf32, #tpu.memory_space<vmem_shared>>) target(%dma_start3A_155 : memref<64x32xf32, #tpu.memory_space<vmem>>) offsets(%arg16 : memref<64xi32, #tpu.memory_space<vmem>>) semaphore(%arg23 : memref<!tpu.dma_semaphore, #tpu.memory_space<semaphore_mem>>)
    %dma_start3A_159 = arith.constant 2 : i32
    %dma_start3A_160 = arith.constant 0 : i32
    %dma_start3A_161 = arith.constant 0 : i32
    %dma_start3A_162 = tpu.memref_slice %arg20[%dma_start3A_159, %dma_start3A_160, %dma_start3A_161] : memref<5x64x32xf32, #tpu.memory_space<vmem>> -> memref<1x64x32xf32, #tpu.memory_space<vmem>>
    %dma_start3A_163 = tpu.memref_squeeze %dma_start3A_162 : memref<1x64x32xf32, #tpu.memory_space<vmem>> -> memref<64x32xf32, #tpu.memory_space<vmem>>
    %dma_start3A_164 = arith.constant 0 : i32
    %dma_start3A_165 = arith.constant 0 : i32
    %dma_start3A_166 = tpu.memref_slice %arg9[%dma_start3A_164, %dma_start3A_165] : memref<10240x32xf32, #tpu.memory_space<vmem_shared>> -> memref<10240x32xf32, #tpu.memory_space<vmem_shared>>
    tpu.enqueue_indirect_dma source(%dma_start3A_166 : memref<10240x32xf32, #tpu.memory_space<vmem_shared>>) target(%dma_start3A_163 : memref<64x32xf32, #tpu.memory_space<vmem>>) offsets(%arg17 : memref<64xi32, #tpu.memory_space<vmem>>) semaphore(%arg23 : memref<!tpu.dma_semaphore, #tpu.memory_space<semaphore_mem>>)
    %dma_start3A_167 = arith.constant 3 : i32
    %dma_start3A_168 = arith.constant 0 : i32
    %dma_start3A_169 = arith.constant 0 : i32
    %dma_start3A_170 = tpu.memref_slice %arg20[%dma_start3A_167, %dma_start3A_168, %dma_start3A_169] : memref<5x64x32xf32, #tpu.memory_space<vmem>> -> memref<1x64x32xf32, #tpu.memory_space<vmem>>
    %dma_start3A_171 = tpu.memref_squeeze %dma_start3A_170 : memref<1x64x32xf32, #tpu.memory_space<vmem>> -> memref<64x32xf32, #tpu.memory_space<vmem>>
    %dma_start3A_172 = arith.constant 0 : i32
    %dma_start3A_173 = arith.constant 0 : i32
    %dma_start3A_174 = tpu.memref_slice %arg9[%dma_start3A_172, %dma_start3A_173] : memref<10240x32xf32, #tpu.memory_space<vmem_shared>> -> memref<10240x32xf32, #tpu.memory_space<vmem_shared>>
    tpu.enqueue_indirect_dma source(%dma_start3A_174 : memref<10240x32xf32, #tpu.memory_space<vmem_shared>>) target(%dma_start3A_171 : memref<64x32xf32, #tpu.memory_space<vmem>>) offsets(%arg18 : memref<64xi32, #tpu.memory_space<vmem>>) semaphore(%arg23 : memref<!tpu.dma_semaphore, #tpu.memory_space<semaphore_mem>>)
    %dma_start3A_175 = arith.constant 4 : i32
    %dma_start3A_176 = arith.constant 0 : i32
    %dma_start3A_177 = arith.constant 0 : i32
    %dma_start3A_178 = tpu.memref_slice %arg20[%dma_start3A_175, %dma_start3A_176, %dma_start3A_177] : memref<5x64x32xf32, #tpu.memory_space<vmem>> -> memref<1x64x32xf32, #tpu.memory_space<vmem>>
    %dma_start3A_179 = tpu.memref_squeeze %dma_start3A_178 : memref<1x64x32xf32, #tpu.memory_space<vmem>> -> memref<64x32xf32, #tpu.memory_space<vmem>>
    %dma_start3A_180 = arith.constant 0 : i32
    %dma_start3A_181 = arith.constant 0 : i32
    %dma_start3A_182 = tpu.memref_slice %arg9[%dma_start3A_180, %dma_start3A_181] : memref<10240x32xf32, #tpu.memory_space<vmem_shared>> -> memref<10240x32xf32, #tpu.memory_space<vmem_shared>>
    tpu.enqueue_indirect_dma source(%dma_start3A_182 : memref<10240x32xf32, #tpu.memory_space<vmem_shared>>) target(%dma_start3A_179 : memref<64x32xf32, #tpu.memory_space<vmem>>) offsets(%arg19 : memref<64xi32, #tpu.memory_space<vmem>>) semaphore(%arg23 : memref<!tpu.dma_semaphore, #tpu.memory_space<semaphore_mem>>)
    %dma_wait3A_183 = arith.constant 0 : i32
    %dma_wait3A_184 = arith.constant 0 : i32
    %dma_wait3A_185 = arith.constant 0 : i32
    %dma_wait3A_186 = tpu.memref_slice %arg20[%dma_wait3A_183, %dma_wait3A_184, %dma_wait3A_185] : memref<5x64x32xf32, #tpu.memory_space<vmem>> -> memref<1x64x32xf32, #tpu.memory_space<vmem>>
    %dma_wait3A_187 = tpu.memref_squeeze %dma_wait3A_186 : memref<1x64x32xf32, #tpu.memory_space<vmem>> -> memref<64x32xf32, #tpu.memory_space<vmem>>
    %dma_wait3A_188 = arith.constant 0 : i32
    %dma_wait3A_189 = arith.constant 0 : i32
    %dma_wait3A_190 = tpu.memref_slice %arg9[%dma_wait3A_188, %dma_wait3A_189] : memref<10240x32xf32, #tpu.memory_space<vmem_shared>> -> memref<10240x32xf32, #tpu.memory_space<vmem_shared>>
    tpu.wait_indirect_dma semaphore(%arg23 : memref<!tpu.dma_semaphore, #tpu.memory_space<semaphore_mem>>) src(%dma_wait3A_190 : memref<10240x32xf32, #tpu.memory_space<vmem_shared>>) dst(%dma_wait3A_187 : memref<64x32xf32, #tpu.memory_space<vmem>>)
    %dma_wait3A_191 = arith.constant 1 : i32
    %dma_wait3A_192 = arith.constant 0 : i32
    %dma_wait3A_193 = arith.constant 0 : i32
    %dma_wait3A_194 = tpu.memref_slice %arg20[%dma_wait3A_191, %dma_wait3A_192, %dma_wait3A_193] : memref<5x64x32xf32, #tpu.memory_space<vmem>> -> memref<1x64x32xf32, #tpu.memory_space<vmem>>
    %dma_wait3A_195 = tpu.memref_squeeze %dma_wait3A_194 : memref<1x64x32xf32, #tpu.memory_space<vmem>> -> memref<64x32xf32, #tpu.memory_space<vmem>>
    %dma_wait3A_196 = arith.constant 0 : i32
    %dma_wait3A_197 = arith.constant 0 : i32
    %dma_wait3A_198 = tpu.memref_slice %arg9[%dma_wait3A_196, %dma_wait3A_197] : memref<10240x32xf32, #tpu.memory_space<vmem_shared>> -> memref<10240x32xf32, #tpu.memory_space<vmem_shared>>
    tpu.wait_indirect_dma semaphore(%arg23 : memref<!tpu.dma_semaphore, #tpu.memory_space<semaphore_mem>>) src(%dma_wait3A_198 : memref<10240x32xf32, #tpu.memory_space<vmem_shared>>) dst(%dma_wait3A_195 : memref<64x32xf32, #tpu.memory_space<vmem>>)
    %dma_wait3A_199 = arith.constant 2 : i32
    %dma_wait3A_200 = arith.constant 0 : i32
    %dma_wait3A_201 = arith.constant 0 : i32
    %dma_wait3A_202 = tpu.memref_slice %arg20[%dma_wait3A_199, %dma_wait3A_200, %dma_wait3A_201] : memref<5x64x32xf32, #tpu.memory_space<vmem>> -> memref<1x64x32xf32, #tpu.memory_space<vmem>>
    %dma_wait3A_203 = tpu.memref_squeeze %dma_wait3A_202 : memref<1x64x32xf32, #tpu.memory_space<vmem>> -> memref<64x32xf32, #tpu.memory_space<vmem>>
    %dma_wait3A_204 = arith.constant 0 : i32
    %dma_wait3A_205 = arith.constant 0 : i32
    %dma_wait3A_206 = tpu.memref_slice %arg9[%dma_wait3A_204, %dma_wait3A_205] : memref<10240x32xf32, #tpu.memory_space<vmem_shared>> -> memref<10240x32xf32, #tpu.memory_space<vmem_shared>>
    tpu.wait_indirect_dma semaphore(%arg23 : memref<!tpu.dma_semaphore, #tpu.memory_space<semaphore_mem>>) src(%dma_wait3A_206 : memref<10240x32xf32, #tpu.memory_space<vmem_shared>>) dst(%dma_wait3A_203 : memref<64x32xf32, #tpu.memory_space<vmem>>)
    %dma_wait3A_207 = arith.constant 3 : i32
    %dma_wait3A_208 = arith.constant 0 : i32
    %dma_wait3A_209 = arith.constant 0 : i32
    %dma_wait3A_210 = tpu.memref_slice %arg20[%dma_wait3A_207, %dma_wait3A_208, %dma_wait3A_209] : memref<5x64x32xf32, #tpu.memory_space<vmem>> -> memref<1x64x32xf32, #tpu.memory_space<vmem>>
    %dma_wait3A_211 = tpu.memref_squeeze %dma_wait3A_210 : memref<1x64x32xf32, #tpu.memory_space<vmem>> -> memref<64x32xf32, #tpu.memory_space<vmem>>
    %dma_wait3A_212 = arith.constant 0 : i32
    %dma_wait3A_213 = arith.constant 0 : i32
    %dma_wait3A_214 = tpu.memref_slice %arg9[%dma_wait3A_212, %dma_wait3A_213] : memref<10240x32xf32, #tpu.memory_space<vmem_shared>> -> memref<10240x32xf32, #tpu.memory_space<vmem_shared>>
    tpu.wait_indirect_dma semaphore(%arg23 : memref<!tpu.dma_semaphore, #tpu.memory_space<semaphore_mem>>) src(%dma_wait3A_214 : memref<10240x32xf32, #tpu.memory_space<vmem_shared>>) dst(%dma_wait3A_211 : memref<64x32xf32, #tpu.memory_space<vmem>>)
    %dma_wait3A_215 = arith.constant 4 : i32
    %dma_wait3A_216 = arith.constant 0 : i32
    %dma_wait3A_217 = arith.constant 0 : i32
    %dma_wait3A_218 = tpu.memref_slice %arg20[%dma_wait3A_215, %dma_wait3A_216, %dma_wait3A_217] : memref<5x64x32xf32, #tpu.memory_space<vmem>> -> memref<1x64x32xf32, #tpu.memory_space<vmem>>
    %dma_wait3A_219 = tpu.memref_squeeze %dma_wait3A_218 : memref<1x64x32xf32, #tpu.memory_space<vmem>> -> memref<64x32xf32, #tpu.memory_space<vmem>>
    %dma_wait3A_220 = arith.constant 0 : i32
    %dma_wait3A_221 = arith.constant 0 : i32
    %dma_wait3A_222 = tpu.memref_slice %arg9[%dma_wait3A_220, %dma_wait3A_221] : memref<10240x32xf32, #tpu.memory_space<vmem_shared>> -> memref<10240x32xf32, #tpu.memory_space<vmem_shared>>
    tpu.wait_indirect_dma semaphore(%arg23 : memref<!tpu.dma_semaphore, #tpu.memory_space<semaphore_mem>>) src(%dma_wait3A_222 : memref<10240x32xf32, #tpu.memory_space<vmem_shared>>) dst(%dma_wait3A_219 : memref<64x32xf32, #tpu.memory_space<vmem>>)
    %mul3A_223 = arith.constant 5 : i32
    %mul3A_224 = arith.muli %add3A, %mul3A_223 : i32
    %add3A_225 = arith.constant 0 : i32
    %add3A_226 = arith.addi %mul3A_224, %add3A_225 : i32
    %mul3A_227 = arith.constant 64 : i32
    %mul3A_228 = arith.muli %add3A_226, %mul3A_227 : i32
    %dma_start3A_229 = arith.constant 0 : i32
    %dma_start3A_230 = arith.constant 0 : i32
    %dma_start3A_231 = arith.constant 0 : i32
    %dma_start3A_232 = tpu.memref_slice %arg20[%dma_start3A_229, %dma_start3A_230, %dma_start3A_231] : memref<5x64x32xf32, #tpu.memory_space<vmem>> -> memref<1x64x32xf32, #tpu.memory_space<vmem>>
    %dma_start3A_233 = tpu.memref_squeeze %dma_start3A_232 : memref<1x64x32xf32, #tpu.memory_space<vmem>> -> memref<64x32xf32, #tpu.memory_space<vmem>>
    %dma_start3A_234 = arith.constant 0 : i32
    %dma_start3A_235 = tpu.memref_slice %arg7[%mul3A_228, %dma_start3A_234] : memref<10240x32xf32, #tpu.memory_space<hbm>> -> memref<64x32xf32, #tpu.memory_space<hbm>>
    %dma_start3A_236 = arith.constant 0 : i32
    %dma_start3A_237 = tpu.memref_slice %arg7[%mul3A_228, %dma_start3A_236] : memref<10240x32xf32, #tpu.memory_space<hbm>> -> memref<64x32xf32, #tpu.memory_space<hbm>>
    %dma_start3A_238 = arith.constant 0 : i32
    %dma_start3A_239 = arith.constant 0 : i32
    %dma_start3A_240 = tpu.memref_slice %arg20[%dma_start3A_229, %dma_start3A_238, %dma_start3A_239] : memref<5x64x32xf32, #tpu.memory_space<vmem>> -> memref<1x64x32xf32, #tpu.memory_space<vmem>>
    %dma_start3A_241 = tpu.memref_squeeze %dma_start3A_240 : memref<1x64x32xf32, #tpu.memory_space<vmem>> -> memref<64x32xf32, #tpu.memory_space<vmem>>
    tpu.enqueue_dma source(%dma_start3A_241 : memref<64x32xf32, #tpu.memory_space<vmem>>) target(%dma_start3A_237 : memref<64x32xf32, #tpu.memory_space<hbm>>) target_semaphore(%arg24 : memref<!tpu.dma_semaphore, #tpu.memory_space<semaphore_mem>>)
    %mul3A_242 = arith.constant 5 : i32
    %mul3A_243 = arith.muli %add3A, %mul3A_242 : i32
    %add3A_244 = arith.constant 1 : i32
    %add3A_245 = arith.addi %mul3A_243, %add3A_244 : i32
    %mul3A_246 = arith.constant 64 : i32
    %mul3A_247 = arith.muli %add3A_245, %mul3A_246 : i32
    %dma_start3A_248 = arith.constant 1 : i32
    %dma_start3A_249 = arith.constant 0 : i32
    %dma_start3A_250 = arith.constant 0 : i32
    %dma_start3A_251 = tpu.memref_slice %arg20[%dma_start3A_248, %dma_start3A_249, %dma_start3A_250] : memref<5x64x32xf32, #tpu.memory_space<vmem>> -> memref<1x64x32xf32, #tpu.memory_space<vmem>>
    %dma_start3A_252 = tpu.memref_squeeze %dma_start3A_251 : memref<1x64x32xf32, #tpu.memory_space<vmem>> -> memref<64x32xf32, #tpu.memory_space<vmem>>
    %dma_start3A_253 = arith.constant 0 : i32
    %dma_start3A_254 = tpu.memref_slice %arg7[%mul3A_247, %dma_start3A_253] : memref<10240x32xf32, #tpu.memory_space<hbm>> -> memref<64x32xf32, #tpu.memory_space<hbm>>
    %dma_start3A_255 = arith.constant 0 : i32
    %dma_start3A_256 = tpu.memref_slice %arg7[%mul3A_247, %dma_start3A_255] : memref<10240x32xf32, #tpu.memory_space<hbm>> -> memref<64x32xf32, #tpu.memory_space<hbm>>
    %dma_start3A_257 = arith.constant 0 : i32
    %dma_start3A_258 = arith.constant 0 : i32
    %dma_start3A_259 = tpu.memref_slice %arg20[%dma_start3A_248, %dma_start3A_257, %dma_start3A_258] : memref<5x64x32xf32, #tpu.memory_space<vmem>> -> memref<1x64x32xf32, #tpu.memory_space<vmem>>
    %dma_start3A_260 = tpu.memref_squeeze %dma_start3A_259 : memref<1x64x32xf32, #tpu.memory_space<vmem>> -> memref<64x32xf32, #tpu.memory_space<vmem>>
    tpu.enqueue_dma source(%dma_start3A_260 : memref<64x32xf32, #tpu.memory_space<vmem>>) target(%dma_start3A_256 : memref<64x32xf32, #tpu.memory_space<hbm>>) target_semaphore(%arg24 : memref<!tpu.dma_semaphore, #tpu.memory_space<semaphore_mem>>)
    %mul3A_261 = arith.constant 5 : i32
    %mul3A_262 = arith.muli %add3A, %mul3A_261 : i32
    %add3A_263 = arith.constant 2 : i32
    %add3A_264 = arith.addi %mul3A_262, %add3A_263 : i32
    %mul3A_265 = arith.constant 64 : i32
    %mul3A_266 = arith.muli %add3A_264, %mul3A_265 : i32
    %dma_start3A_267 = arith.constant 2 : i32
    %dma_start3A_268 = arith.constant 0 : i32
    %dma_start3A_269 = arith.constant 0 : i32
    %dma_start3A_270 = tpu.memref_slice %arg20[%dma_start3A_267, %dma_start3A_268, %dma_start3A_269] : memref<5x64x32xf32, #tpu.memory_space<vmem>> -> memref<1x64x32xf32, #tpu.memory_space<vmem>>
    %dma_start3A_271 = tpu.memref_squeeze %dma_start3A_270 : memref<1x64x32xf32, #tpu.memory_space<vmem>> -> memref<64x32xf32, #tpu.memory_space<vmem>>
    %dma_start3A_272 = arith.constant 0 : i32
    %dma_start3A_273 = tpu.memref_slice %arg7[%mul3A_266, %dma_start3A_272] : memref<10240x32xf32, #tpu.memory_space<hbm>> -> memref<64x32xf32, #tpu.memory_space<hbm>>
    %dma_start3A_274 = arith.constant 0 : i32
    %dma_start3A_275 = tpu.memref_slice %arg7[%mul3A_266, %dma_start3A_274] : memref<10240x32xf32, #tpu.memory_space<hbm>> -> memref<64x32xf32, #tpu.memory_space<hbm>>
    %dma_start3A_276 = arith.constant 0 : i32
    %dma_start3A_277 = arith.constant 0 : i32
    %dma_start3A_278 = tpu.memref_slice %arg20[%dma_start3A_267, %dma_start3A_276, %dma_start3A_277] : memref<5x64x32xf32, #tpu.memory_space<vmem>> -> memref<1x64x32xf32, #tpu.memory_space<vmem>>
    %dma_start3A_279 = tpu.memref_squeeze %dma_start3A_278 : memref<1x64x32xf32, #tpu.memory_space<vmem>> -> memref<64x32xf32, #tpu.memory_space<vmem>>
    tpu.enqueue_dma source(%dma_start3A_279 : memref<64x32xf32, #tpu.memory_space<vmem>>) target(%dma_start3A_275 : memref<64x32xf32, #tpu.memory_space<hbm>>) target_semaphore(%arg24 : memref<!tpu.dma_semaphore, #tpu.memory_space<semaphore_mem>>)
    %mul3A_280 = arith.constant 5 : i32
    %mul3A_281 = arith.muli %add3A, %mul3A_280 : i32
    %add3A_282 = arith.constant 3 : i32
    %add3A_283 = arith.addi %mul3A_281, %add3A_282 : i32
    %mul3A_284 = arith.constant 64 : i32
    %mul3A_285 = arith.muli %add3A_283, %mul3A_284 : i32
    %dma_start3A_286 = arith.constant 3 : i32
    %dma_start3A_287 = arith.constant 0 : i32
    %dma_start3A_288 = arith.constant 0 : i32
    %dma_start3A_289 = tpu.memref_slice %arg20[%dma_start3A_286, %dma_start3A_287, %dma_start3A_288] : memref<5x64x32xf32, #tpu.memory_space<vmem>> -> memref<1x64x32xf32, #tpu.memory_space<vmem>>
    %dma_start3A_290 = tpu.memref_squeeze %dma_start3A_289 : memref<1x64x32xf32, #tpu.memory_space<vmem>> -> memref<64x32xf32, #tpu.memory_space<vmem>>
    %dma_start3A_291 = arith.constant 0 : i32
    %dma_start3A_292 = tpu.memref_slice %arg7[%mul3A_285, %dma_start3A_291] : memref<10240x32xf32, #tpu.memory_space<hbm>> -> memref<64x32xf32, #tpu.memory_space<hbm>>
    %dma_start3A_293 = arith.constant 0 : i32
    %dma_start3A_294 = tpu.memref_slice %arg7[%mul3A_285, %dma_start3A_293] : memref<10240x32xf32, #tpu.memory_space<hbm>> -> memref<64x32xf32, #tpu.memory_space<hbm>>
    %dma_start3A_295 = arith.constant 0 : i32
    %dma_start3A_296 = arith.constant 0 : i32
    %dma_start3A_297 = tpu.memref_slice %arg20[%dma_start3A_286, %dma_start3A_295, %dma_start3A_296] : memref<5x64x32xf32, #tpu.memory_space<vmem>> -> memref<1x64x32xf32, #tpu.memory_space<vmem>>
    %dma_start3A_298 = tpu.memref_squeeze %dma_start3A_297 : memref<1x64x32xf32, #tpu.memory_space<vmem>> -> memref<64x32xf32, #tpu.memory_space<vmem>>
    tpu.enqueue_dma source(%dma_start3A_298 : memref<64x32xf32, #tpu.memory_space<vmem>>) target(%dma_start3A_294 : memref<64x32xf32, #tpu.memory_space<hbm>>) target_semaphore(%arg24 : memref<!tpu.dma_semaphore, #tpu.memory_space<semaphore_mem>>)
    %mul3A_299 = arith.constant 5 : i32
    %mul3A_300 = arith.muli %add3A, %mul3A_299 : i32
    %add3A_301 = arith.constant 4 : i32
    %add3A_302 = arith.addi %mul3A_300, %add3A_301 : i32
    %mul3A_303 = arith.constant 64 : i32
    %mul3A_304 = arith.muli %add3A_302, %mul3A_303 : i32
    %dma_start3A_305 = arith.constant 4 : i32
    %dma_start3A_306 = arith.constant 0 : i32
    %dma_start3A_307 = arith.constant 0 : i32
    %dma_start3A_308 = tpu.memref_slice %arg20[%dma_start3A_305, %dma_start3A_306, %dma_start3A_307] : memref<5x64x32xf32, #tpu.memory_space<vmem>> -> memref<1x64x32xf32, #tpu.memory_space<vmem>>
    %dma_start3A_309 = tpu.memref_squeeze %dma_start3A_308 : memref<1x64x32xf32, #tpu.memory_space<vmem>> -> memref<64x32xf32, #tpu.memory_space<vmem>>
    %dma_start3A_310 = arith.constant 0 : i32
    %dma_start3A_311 = tpu.memref_slice %arg7[%mul3A_304, %dma_start3A_310] : memref<10240x32xf32, #tpu.memory_space<hbm>> -> memref<64x32xf32, #tpu.memory_space<hbm>>
    %dma_start3A_312 = arith.constant 0 : i32
    %dma_start3A_313 = tpu.memref_slice %arg7[%mul3A_304, %dma_start3A_312] : memref<10240x32xf32, #tpu.memory_space<hbm>> -> memref<64x32xf32, #tpu.memory_space<hbm>>
    %dma_start3A_314 = arith.constant 0 : i32
    %dma_start3A_315 = arith.constant 0 : i32
    %dma_start3A_316 = tpu.memref_slice %arg20[%dma_start3A_305, %dma_start3A_314, %dma_start3A_315] : memref<5x64x32xf32, #tpu.memory_space<vmem>> -> memref<1x64x32xf32, #tpu.memory_space<vmem>>
    %dma_start3A_317 = tpu.memref_squeeze %dma_start3A_316 : memref<1x64x32xf32, #tpu.memory_space<vmem>> -> memref<64x32xf32, #tpu.memory_space<vmem>>
    tpu.enqueue_dma source(%dma_start3A_317 : memref<64x32xf32, #tpu.memory_space<vmem>>) target(%dma_start3A_313 : memref<64x32xf32, #tpu.memory_space<hbm>>) target_semaphore(%arg24 : memref<!tpu.dma_semaphore, #tpu.memory_space<semaphore_mem>>)
    %dma_wait3A_318 = arith.constant 0 : i32
    %dma_wait3A_319 = arith.constant 0 : i32
    %dma_wait3A_320 = arith.constant 0 : i32
    %dma_wait3A_321 = tpu.memref_slice %arg20[%dma_wait3A_318, %dma_wait3A_319, %dma_wait3A_320] : memref<5x64x32xf32, #tpu.memory_space<vmem>> -> memref<1x64x32xf32, #tpu.memory_space<vmem>>
    %dma_wait3A_322 = tpu.memref_squeeze %dma_wait3A_321 : memref<1x64x32xf32, #tpu.memory_space<vmem>> -> memref<64x32xf32, #tpu.memory_space<vmem>>
    %dma_wait3A_323 = arith.constant 0 : i32
    %dma_wait3A_324 = tpu.memref_slice %arg7[%mul3A_228, %dma_wait3A_323] : memref<10240x32xf32, #tpu.memory_space<hbm>> -> memref<64x32xf32, #tpu.memory_space<hbm>>
    %dma_wait3A_325 = arith.constant 0 : i32
    %dma_wait3A_326 = tpu.memref_slice %arg7[%mul3A_228, %dma_wait3A_325] : memref<10240x32xf32, #tpu.memory_space<hbm>> -> memref<64x32xf32, #tpu.memory_space<hbm>>
    %dma_wait3A_327 = arith.constant 0 : i32
    %dma_wait3A_328 = arith.constant 0 : i32
    %dma_wait3A_329 = tpu.memref_slice %arg20[%dma_wait3A_318, %dma_wait3A_327, %dma_wait3A_328] : memref<5x64x32xf32, #tpu.memory_space<vmem>> -> memref<1x64x32xf32, #tpu.memory_space<vmem>>
    %dma_wait3A_330 = tpu.memref_squeeze %dma_wait3A_329 : memref<1x64x32xf32, #tpu.memory_space<vmem>> -> memref<64x32xf32, #tpu.memory_space<vmem>>
    tpu.wait_dma2 semaphore(%arg24 : memref<!tpu.dma_semaphore, #tpu.memory_space<semaphore_mem>>) src(%dma_wait3A_330 : memref<64x32xf32, #tpu.memory_space<vmem>>) dst(%dma_wait3A_326 : memref<64x32xf32, #tpu.memory_space<hbm>>)
    %dma_wait3A_331 = arith.constant 1 : i32
    %dma_wait3A_332 = arith.constant 0 : i32
    %dma_wait3A_333 = arith.constant 0 : i32
    %dma_wait3A_334 = tpu.memref_slice %arg20[%dma_wait3A_331, %dma_wait3A_332, %dma_wait3A_333] : memref<5x64x32xf32, #tpu.memory_space<vmem>> -> memref<1x64x32xf32, #tpu.memory_space<vmem>>
    %dma_wait3A_335 = tpu.memref_squeeze %dma_wait3A_334 : memref<1x64x32xf32, #tpu.memory_space<vmem>> -> memref<64x32xf32, #tpu.memory_space<vmem>>
    %dma_wait3A_336 = arith.constant 0 : i32
    %dma_wait3A_337 = tpu.memref_slice %arg7[%mul3A_247, %dma_wait3A_336] : memref<10240x32xf32, #tpu.memory_space<hbm>> -> memref<64x32xf32, #tpu.memory_space<hbm>>
    %dma_wait3A_338 = arith.constant 0 : i32
    %dma_wait3A_339 = tpu.memref_slice %arg7[%mul3A_247, %dma_wait3A_338] : memref<10240x32xf32, #tpu.memory_space<hbm>> -> memref<64x32xf32, #tpu.memory_space<hbm>>
    %dma_wait3A_340 = arith.constant 0 : i32
    %dma_wait3A_341 = arith.constant 0 : i32
    %dma_wait3A_342 = tpu.memref_slice %arg20[%dma_wait3A_331, %dma_wait3A_340, %dma_wait3A_341] : memref<5x64x32xf32, #tpu.memory_space<vmem>> -> memref<1x64x32xf32, #tpu.memory_space<vmem>>
    %dma_wait3A_343 = tpu.memref_squeeze %dma_wait3A_342 : memref<1x64x32xf32, #tpu.memory_space<vmem>> -> memref<64x32xf32, #tpu.memory_space<vmem>>
    tpu.wait_dma2 semaphore(%arg24 : memref<!tpu.dma_semaphore, #tpu.memory_space<semaphore_mem>>) src(%dma_wait3A_343 : memref<64x32xf32, #tpu.memory_space<vmem>>) dst(%dma_wait3A_339 : memref<64x32xf32, #tpu.memory_space<hbm>>)
    %dma_wait3A_344 = arith.constant 2 : i32
    %dma_wait3A_345 = arith.constant 0 : i32
    %dma_wait3A_346 = arith.constant 0 : i32
    %dma_wait3A_347 = tpu.memref_slice %arg20[%dma_wait3A_344, %dma_wait3A_345, %dma_wait3A_346] : memref<5x64x32xf32, #tpu.memory_space<vmem>> -> memref<1x64x32xf32, #tpu.memory_space<vmem>>
    %dma_wait3A_348 = tpu.memref_squeeze %dma_wait3A_347 : memref<1x64x32xf32, #tpu.memory_space<vmem>> -> memref<64x32xf32, #tpu.memory_space<vmem>>
    %dma_wait3A_349 = arith.constant 0 : i32
    %dma_wait3A_350 = tpu.memref_slice %arg7[%mul3A_266, %dma_wait3A_349] : memref<10240x32xf32, #tpu.memory_space<hbm>> -> memref<64x32xf32, #tpu.memory_space<hbm>>
    %dma_wait3A_351 = arith.constant 0 : i32
    %dma_wait3A_352 = tpu.memref_slice %arg7[%mul3A_266, %dma_wait3A_351] : memref<10240x32xf32, #tpu.memory_space<hbm>> -> memref<64x32xf32, #tpu.memory_space<hbm>>
    %dma_wait3A_353 = arith.constant 0 : i32
    %dma_wait3A_354 = arith.constant 0 : i32
    %dma_wait3A_355 = tpu.memref_slice %arg20[%dma_wait3A_344, %dma_wait3A_353, %dma_wait3A_354] : memref<5x64x32xf32, #tpu.memory_space<vmem>> -> memref<1x64x32xf32, #tpu.memory_space<vmem>>
    %dma_wait3A_356 = tpu.memref_squeeze %dma_wait3A_355 : memref<1x64x32xf32, #tpu.memory_space<vmem>> -> memref<64x32xf32, #tpu.memory_space<vmem>>
    tpu.wait_dma2 semaphore(%arg24 : memref<!tpu.dma_semaphore, #tpu.memory_space<semaphore_mem>>) src(%dma_wait3A_356 : memref<64x32xf32, #tpu.memory_space<vmem>>) dst(%dma_wait3A_352 : memref<64x32xf32, #tpu.memory_space<hbm>>)
    %dma_wait3A_357 = arith.constant 3 : i32
    %dma_wait3A_358 = arith.constant 0 : i32
    %dma_wait3A_359 = arith.constant 0 : i32
    %dma_wait3A_360 = tpu.memref_slice %arg20[%dma_wait3A_357, %dma_wait3A_358, %dma_wait3A_359] : memref<5x64x32xf32, #tpu.memory_space<vmem>> -> memref<1x64x32xf32, #tpu.memory_space<vmem>>
    %dma_wait3A_361 = tpu.memref_squeeze %dma_wait3A_360 : memref<1x64x32xf32, #tpu.memory_space<vmem>> -> memref<64x32xf32, #tpu.memory_space<vmem>>
    %dma_wait3A_362 = arith.constant 0 : i32
    %dma_wait3A_363 = tpu.memref_slice %arg7[%mul3A_285, %dma_wait3A_362] : memref<10240x32xf32, #tpu.memory_space<hbm>> -> memref<64x32xf32, #tpu.memory_space<hbm>>
    %dma_wait3A_364 = arith.constant 0 : i32
    %dma_wait3A_365 = tpu.memref_slice %arg7[%mul3A_285, %dma_wait3A_364] : memref<10240x32xf32, #tpu.memory_space<hbm>> -> memref<64x32xf32, #tpu.memory_space<hbm>>
    %dma_wait3A_366 = arith.constant 0 : i32
    %dma_wait3A_367 = arith.constant 0 : i32
    %dma_wait3A_368 = tpu.memref_slice %arg20[%dma_wait3A_357, %dma_wait3A_366, %dma_wait3A_367] : memref<5x64x32xf32, #tpu.memory_space<vmem>> -> memref<1x64x32xf32, #tpu.memory_space<vmem>>
    %dma_wait3A_369 = tpu.memref_squeeze %dma_wait3A_368 : memref<1x64x32xf32, #tpu.memory_space<vmem>> -> memref<64x32xf32, #tpu.memory_space<vmem>>
    tpu.wait_dma2 semaphore(%arg24 : memref<!tpu.dma_semaphore, #tpu.memory_space<semaphore_mem>>) src(%dma_wait3A_369 : memref<64x32xf32, #tpu.memory_space<vmem>>) dst(%dma_wait3A_365 : memref<64x32xf32, #tpu.memory_space<hbm>>)
    %dma_wait3A_370 = arith.constant 4 : i32
    %dma_wait3A_371 = arith.constant 0 : i32
    %dma_wait3A_372 = arith.constant 0 : i32
    %dma_wait3A_373 = tpu.memref_slice %arg20[%dma_wait3A_370, %dma_wait3A_371, %dma_wait3A_372] : memref<5x64x32xf32, #tpu.memory_space<vmem>> -> memref<1x64x32xf32, #tpu.memory_space<vmem>>
    %dma_wait3A_374 = tpu.memref_squeeze %dma_wait3A_373 : memref<1x64x32xf32, #tpu.memory_space<vmem>> -> memref<64x32xf32, #tpu.memory_space<vmem>>
    %dma_wait3A_375 = arith.constant 0 : i32
    %dma_wait3A_376 = tpu.memref_slice %arg7[%mul3A_304, %dma_wait3A_375] : memref<10240x32xf32, #tpu.memory_space<hbm>> -> memref<64x32xf32, #tpu.memory_space<hbm>>
    %dma_wait3A_377 = arith.constant 0 : i32
    %dma_wait3A_378 = tpu.memref_slice %arg7[%mul3A_304, %dma_wait3A_377] : memref<10240x32xf32, #tpu.memory_space<hbm>> -> memref<64x32xf32, #tpu.memory_space<hbm>>
    %dma_wait3A_379 = arith.constant 0 : i32
    %dma_wait3A_380 = arith.constant 0 : i32
    %dma_wait3A_381 = tpu.memref_slice %arg20[%dma_wait3A_370, %dma_wait3A_379, %dma_wait3A_380] : memref<5x64x32xf32, #tpu.memory_space<vmem>> -> memref<1x64x32xf32, #tpu.memory_space<vmem>>
    %dma_wait3A_382 = tpu.memref_squeeze %dma_wait3A_381 : memref<1x64x32xf32, #tpu.memory_space<vmem>> -> memref<64x32xf32, #tpu.memory_space<vmem>>
    tpu.wait_dma2 semaphore(%arg24 : memref<!tpu.dma_semaphore, #tpu.memory_space<semaphore_mem>>) src(%dma_wait3A_382 : memref<64x32xf32, #tpu.memory_space<vmem>>) dst(%dma_wait3A_378 : memref<64x32xf32, #tpu.memory_space<hbm>>)
    %barrier3A_383 = arith.constant 0 : index
    tpu.barrier barrier_id(%barrier3A_383)
    %mul3A_384 = arith.constant 640 : i32
    %mul3A_385 = arith.muli %arg1, %mul3A_384 : i32
    %mul3A_386 = arith.constant 640 : i32
    %mul3A_387 = arith.muli %arg1, %mul3A_386 : i32
    "tpu.region"() ({
      %run_scoped3A = tpu.sem_alloc : memref<!tpu.dma_semaphore, #tpu.memory_space<semaphore_mem>>
      %dma_start3A_388 = tpu.memref_slice %arg6[%arg0, %mul3A_387] : memref<2x10240xf32, #tpu.memory_space<hbm>> -> memref<1x640xf32, #tpu.memory_space<hbm>>
      %dma_start3A_389 = tpu.memref_squeeze %dma_start3A_388 : memref<1x640xf32, #tpu.memory_space<hbm>> -> memref<640xf32, #tpu.memory_space<hbm>>
      %dma_start3A_390 = tpu.memref_slice %arg8[%mul3A_385] : memref<10240xf32, #tpu.memory_space<vmem_shared>> -> memref<640xf32, #tpu.memory_space<vmem_shared>>
      tpu.enqueue_dma source(%dma_start3A_390 : memref<640xf32, #tpu.memory_space<vmem_shared>>) target(%dma_start3A_389 : memref<640xf32, #tpu.memory_space<hbm>>) target_semaphore(%run_scoped3A : memref<!tpu.dma_semaphore, #tpu.memory_space<semaphore_mem>>)
      %dma_wait3A_391 = tpu.memref_slice %arg6[%arg0, %mul3A_387] : memref<2x10240xf32, #tpu.memory_space<hbm>> -> memref<1x640xf32, #tpu.memory_space<hbm>>
      %dma_wait3A_392 = tpu.memref_squeeze %dma_wait3A_391 : memref<1x640xf32, #tpu.memory_space<hbm>> -> memref<640xf32, #tpu.memory_space<hbm>>
      %dma_wait3A_393 = tpu.memref_slice %arg8[%mul3A_385] : memref<10240xf32, #tpu.memory_space<vmem_shared>> -> memref<640xf32, #tpu.memory_space<vmem_shared>>
      tpu.wait_dma2 semaphore(%run_scoped3A : memref<!tpu.dma_semaphore, #tpu.memory_space<semaphore_mem>>) src(%dma_wait3A_393 : memref<640xf32, #tpu.memory_space<vmem_shared>>) dst(%dma_wait3A_392 : memref<640xf32, #tpu.memory_space<hbm>>)
      tpu.yield
    }) : () -> ()
    return
  }
}

#map = affine_map<(d0, d1) -> (0, 0)>
#map1 = affine_map<(d0, d1) -> (0, 0, 0)>
module attributes {stable_mosaic.version = 14 : i64} {
  func.func @_agg_body(%arg0: i32, %arg1: i32, %arg2: memref<10240x32xf32, #tpu.memory_space<hbm>>, %arg3: memref<2560x128xi32, #tpu.memory_space<hbm>>, %arg4: memref<2560x128xi32, #tpu.memory_space<hbm>>, %arg5: memref<10240x32xf32, #tpu.memory_space<hbm>>, %arg6: memref<2x10240x32xf32, #tpu.memory_space<hbm>>, %arg7: memref<10240x32xf32, #tpu.memory_space<vmem_shared>>, %arg8: memref<10240x32xf32, #tpu.memory_space<vmem_shared>>, %arg9: memref<128xi32, #tpu.memory_space<vmem>>, %arg10: memref<128xi32, #tpu.memory_space<vmem>>, %arg11: memref<128xi32, #tpu.memory_space<vmem>>, %arg12: memref<128xi32, #tpu.memory_space<vmem>>, %arg13: memref<128xi32, #tpu.memory_space<vmem>>, %arg14: memref<128xi32, #tpu.memory_space<vmem>>, %arg15: memref<128xi32, #tpu.memory_space<vmem>>, %arg16: memref<128xi32, #tpu.memory_space<vmem>>, %arg17: memref<4x128x32xf32, #tpu.memory_space<vmem>>, %arg18: memref<!tpu.dma_semaphore, #tpu.memory_space<semaphore_mem>>, %arg19: memref<!tpu.dma_semaphore, #tpu.memory_space<semaphore_mem>>, %arg20: memref<!tpu.dma_semaphore, #tpu.memory_space<semaphore_mem>>) attributes {dimension_semantics = [#tpu.dimension_semantics<core_parallel>, #tpu.dimension_semantics<subcore_parallel>], iteration_bounds = array<i64: 2, 16>, scalar_prefetch = 0 : i64, scratch_operands = 14 : i64, tpu.core_type = #tpu.core_type<sc_vector_subcore>, window_params = [{transform_indices = #map}, {transform_indices = #map}, {transform_indices = #map}, {transform_indices = #map}, {transform_indices = #map1}]} {
    %mul3A = arith.constant 640 : i32
    %mul3A_0 = arith.muli %arg1, %mul3A : i32
    %mul3A_1 = arith.constant 640 : i32
    %mul3A_2 = arith.muli %arg1, %mul3A_1 : i32
    "tpu.region"() ({
      %run_scoped3A = tpu.sem_alloc : memref<!tpu.dma_semaphore, #tpu.memory_space<semaphore_mem>>
      %dma_start3A = arith.constant 0 : i32
      %dma_start3A_21 = tpu.memref_slice %arg7[%mul3A_2, %dma_start3A] : memref<10240x32xf32, #tpu.memory_space<vmem_shared>> -> memref<640x32xf32, #tpu.memory_space<vmem_shared>>
      %dma_start3A_22 = arith.constant 0 : i32
      %dma_start3A_23 = tpu.memref_slice %arg2[%mul3A_0, %dma_start3A_22] : memref<10240x32xf32, #tpu.memory_space<hbm>> -> memref<640x32xf32, #tpu.memory_space<hbm>>
      tpu.enqueue_dma source(%dma_start3A_23 : memref<640x32xf32, #tpu.memory_space<hbm>>) target(%dma_start3A_21 : memref<640x32xf32, #tpu.memory_space<vmem_shared>>) target_semaphore(%run_scoped3A : memref<!tpu.dma_semaphore, #tpu.memory_space<semaphore_mem>>)
      %dma_wait3A = arith.constant 0 : i32
      %dma_wait3A_24 = tpu.memref_slice %arg7[%mul3A_2, %dma_wait3A] : memref<10240x32xf32, #tpu.memory_space<vmem_shared>> -> memref<640x32xf32, #tpu.memory_space<vmem_shared>>
      %dma_wait3A_25 = arith.constant 0 : i32
      %dma_wait3A_26 = tpu.memref_slice %arg2[%mul3A_0, %dma_wait3A_25] : memref<10240x32xf32, #tpu.memory_space<hbm>> -> memref<640x32xf32, #tpu.memory_space<hbm>>
      tpu.wait_dma2 semaphore(%run_scoped3A : memref<!tpu.dma_semaphore, #tpu.memory_space<semaphore_mem>>) src(%dma_wait3A_26 : memref<640x32xf32, #tpu.memory_space<hbm>>) dst(%dma_wait3A_24 : memref<640x32xf32, #tpu.memory_space<vmem_shared>>)
      tpu.yield
    }) : () -> ()
    %mul3A_3 = arith.constant 640 : i32
    %mul3A_4 = arith.muli %arg1, %mul3A_3 : i32
    %mul3A_5 = arith.constant 640 : i32
    %mul3A_6 = arith.muli %arg1, %mul3A_5 : i32
    "tpu.region"() ({
      %run_scoped3A = tpu.sem_alloc : memref<!tpu.dma_semaphore, #tpu.memory_space<semaphore_mem>>
      %dma_start3A = arith.constant 0 : i32
      %dma_start3A_21 = tpu.memref_slice %arg8[%mul3A_6, %dma_start3A] : memref<10240x32xf32, #tpu.memory_space<vmem_shared>> -> memref<640x32xf32, #tpu.memory_space<vmem_shared>>
      %dma_start3A_22 = arith.constant 0 : i32
      %dma_start3A_23 = tpu.memref_slice %arg5[%mul3A_4, %dma_start3A_22] : memref<10240x32xf32, #tpu.memory_space<hbm>> -> memref<640x32xf32, #tpu.memory_space<hbm>>
      tpu.enqueue_dma source(%dma_start3A_23 : memref<640x32xf32, #tpu.memory_space<hbm>>) target(%dma_start3A_21 : memref<640x32xf32, #tpu.memory_space<vmem_shared>>) target_semaphore(%run_scoped3A : memref<!tpu.dma_semaphore, #tpu.memory_space<semaphore_mem>>)
      %dma_wait3A = arith.constant 0 : i32
      %dma_wait3A_24 = tpu.memref_slice %arg8[%mul3A_6, %dma_wait3A] : memref<10240x32xf32, #tpu.memory_space<vmem_shared>> -> memref<640x32xf32, #tpu.memory_space<vmem_shared>>
      %dma_wait3A_25 = arith.constant 0 : i32
      %dma_wait3A_26 = tpu.memref_slice %arg5[%mul3A_4, %dma_wait3A_25] : memref<10240x32xf32, #tpu.memory_space<hbm>> -> memref<640x32xf32, #tpu.memory_space<hbm>>
      tpu.wait_dma2 semaphore(%run_scoped3A : memref<!tpu.dma_semaphore, #tpu.memory_space<semaphore_mem>>) src(%dma_wait3A_26 : memref<640x32xf32, #tpu.memory_space<hbm>>) dst(%dma_wait3A_24 : memref<640x32xf32, #tpu.memory_space<vmem_shared>>)
      tpu.yield
    }) : () -> ()
    %mul3A_7 = arith.constant 1280 : i32
    %mul3A_8 = arith.muli %arg0, %mul3A_7 : i32
    %mul3A_9 = arith.constant 80 : i32
    %mul3A_10 = arith.muli %arg1, %mul3A_9 : i32
    %add3A = arith.addi %mul3A_8, %mul3A_10 : i32
    %barrier3A = arith.constant 0 : index
    tpu.barrier barrier_id(%barrier3A)
    %scan3A = arith.constant 0 : i32
    %scan3A_11 = arith.constant 0 : i32
    %scan3A_12 = arith.constant 20 : i32
    %scan3A_13 = arith.addi %scan3A_11, %scan3A_12 : i32
    %scan3A_14 = arith.constant 1 : i32
    scf.for %scan3A_21 = %scan3A_11 to %scan3A_13 step %scan3A_14  : i32 {
      %mul3A_22 = arith.constant 4 : i32
      %mul3A_23 = arith.muli %scan3A_21, %mul3A_22 : i32
      %add3A_24 = arith.addi %add3A, %mul3A_23 : i32
      %add3A_25 = arith.constant 0 : i32
      %add3A_26 = arith.addi %add3A_24, %add3A_25 : i32
      %dma_start3A = arith.constant 0 : i32
      %dma_start3A_27 = tpu.memref_slice %arg3[%add3A_26, %dma_start3A] : memref<2560x128xi32, #tpu.memory_space<hbm>> -> memref<1x128xi32, #tpu.memory_space<hbm>>
      %dma_start3A_28 = tpu.memref_squeeze %dma_start3A_27 : memref<1x128xi32, #tpu.memory_space<hbm>> -> memref<128xi32, #tpu.memory_space<hbm>>
      %dma_start3A_29 = arith.constant 0 : i32
      %dma_start3A_30 = tpu.memref_slice %arg3[%add3A_26, %dma_start3A_29] : memref<2560x128xi32, #tpu.memory_space<hbm>> -> memref<1x128xi32, #tpu.memory_space<hbm>>
      %dma_start3A_31 = tpu.memref_squeeze %dma_start3A_30 : memref<1x128xi32, #tpu.memory_space<hbm>> -> memref<128xi32, #tpu.memory_space<hbm>>
      tpu.enqueue_dma source(%dma_start3A_31 : memref<128xi32, #tpu.memory_space<hbm>>) target(%arg9 : memref<128xi32, #tpu.memory_space<vmem>>) target_semaphore(%arg18 : memref<!tpu.dma_semaphore, #tpu.memory_space<semaphore_mem>>)
      %mul3A_32 = arith.constant 4 : i32
      %mul3A_33 = arith.muli %scan3A_21, %mul3A_32 : i32
      %add3A_34 = arith.addi %add3A, %mul3A_33 : i32
      %add3A_35 = arith.constant 1 : i32
      %add3A_36 = arith.addi %add3A_34, %add3A_35 : i32
      %dma_start3A_37 = arith.constant 0 : i32
      %dma_start3A_38 = tpu.memref_slice %arg3[%add3A_36, %dma_start3A_37] : memref<2560x128xi32, #tpu.memory_space<hbm>> -> memref<1x128xi32, #tpu.memory_space<hbm>>
      %dma_start3A_39 = tpu.memref_squeeze %dma_start3A_38 : memref<1x128xi32, #tpu.memory_space<hbm>> -> memref<128xi32, #tpu.memory_space<hbm>>
      %dma_start3A_40 = arith.constant 0 : i32
      %dma_start3A_41 = tpu.memref_slice %arg3[%add3A_36, %dma_start3A_40] : memref<2560x128xi32, #tpu.memory_space<hbm>> -> memref<1x128xi32, #tpu.memory_space<hbm>>
      %dma_start3A_42 = tpu.memref_squeeze %dma_start3A_41 : memref<1x128xi32, #tpu.memory_space<hbm>> -> memref<128xi32, #tpu.memory_space<hbm>>
      tpu.enqueue_dma source(%dma_start3A_42 : memref<128xi32, #tpu.memory_space<hbm>>) target(%arg10 : memref<128xi32, #tpu.memory_space<vmem>>) target_semaphore(%arg18 : memref<!tpu.dma_semaphore, #tpu.memory_space<semaphore_mem>>)
      %mul3A_43 = arith.constant 4 : i32
      %mul3A_44 = arith.muli %scan3A_21, %mul3A_43 : i32
      %add3A_45 = arith.addi %add3A, %mul3A_44 : i32
      %add3A_46 = arith.constant 2 : i32
      %add3A_47 = arith.addi %add3A_45, %add3A_46 : i32
      %dma_start3A_48 = arith.constant 0 : i32
      %dma_start3A_49 = tpu.memref_slice %arg3[%add3A_47, %dma_start3A_48] : memref<2560x128xi32, #tpu.memory_space<hbm>> -> memref<1x128xi32, #tpu.memory_space<hbm>>
      %dma_start3A_50 = tpu.memref_squeeze %dma_start3A_49 : memref<1x128xi32, #tpu.memory_space<hbm>> -> memref<128xi32, #tpu.memory_space<hbm>>
      %dma_start3A_51 = arith.constant 0 : i32
      %dma_start3A_52 = tpu.memref_slice %arg3[%add3A_47, %dma_start3A_51] : memref<2560x128xi32, #tpu.memory_space<hbm>> -> memref<1x128xi32, #tpu.memory_space<hbm>>
      %dma_start3A_53 = tpu.memref_squeeze %dma_start3A_52 : memref<1x128xi32, #tpu.memory_space<hbm>> -> memref<128xi32, #tpu.memory_space<hbm>>
      tpu.enqueue_dma source(%dma_start3A_53 : memref<128xi32, #tpu.memory_space<hbm>>) target(%arg11 : memref<128xi32, #tpu.memory_space<vmem>>) target_semaphore(%arg18 : memref<!tpu.dma_semaphore, #tpu.memory_space<semaphore_mem>>)
      %mul3A_54 = arith.constant 4 : i32
      %mul3A_55 = arith.muli %scan3A_21, %mul3A_54 : i32
      %add3A_56 = arith.addi %add3A, %mul3A_55 : i32
      %add3A_57 = arith.constant 3 : i32
      %add3A_58 = arith.addi %add3A_56, %add3A_57 : i32
      %dma_start3A_59 = arith.constant 0 : i32
      %dma_start3A_60 = tpu.memref_slice %arg3[%add3A_58, %dma_start3A_59] : memref<2560x128xi32, #tpu.memory_space<hbm>> -> memref<1x128xi32, #tpu.memory_space<hbm>>
      %dma_start3A_61 = tpu.memref_squeeze %dma_start3A_60 : memref<1x128xi32, #tpu.memory_space<hbm>> -> memref<128xi32, #tpu.memory_space<hbm>>
      %dma_start3A_62 = arith.constant 0 : i32
      %dma_start3A_63 = tpu.memref_slice %arg3[%add3A_58, %dma_start3A_62] : memref<2560x128xi32, #tpu.memory_space<hbm>> -> memref<1x128xi32, #tpu.memory_space<hbm>>
      %dma_start3A_64 = tpu.memref_squeeze %dma_start3A_63 : memref<1x128xi32, #tpu.memory_space<hbm>> -> memref<128xi32, #tpu.memory_space<hbm>>
      tpu.enqueue_dma source(%dma_start3A_64 : memref<128xi32, #tpu.memory_space<hbm>>) target(%arg12 : memref<128xi32, #tpu.memory_space<vmem>>) target_semaphore(%arg18 : memref<!tpu.dma_semaphore, #tpu.memory_space<semaphore_mem>>)
      %mul3A_65 = arith.constant 4 : i32
      %mul3A_66 = arith.muli %scan3A_21, %mul3A_65 : i32
      %add3A_67 = arith.addi %add3A, %mul3A_66 : i32
      %add3A_68 = arith.constant 0 : i32
      %add3A_69 = arith.addi %add3A_67, %add3A_68 : i32
      %dma_start3A_70 = arith.constant 0 : i32
      %dma_start3A_71 = tpu.memref_slice %arg4[%add3A_69, %dma_start3A_70] : memref<2560x128xi32, #tpu.memory_space<hbm>> -> memref<1x128xi32, #tpu.memory_space<hbm>>
      %dma_start3A_72 = tpu.memref_squeeze %dma_start3A_71 : memref<1x128xi32, #tpu.memory_space<hbm>> -> memref<128xi32, #tpu.memory_space<hbm>>
      %dma_start3A_73 = arith.constant 0 : i32
      %dma_start3A_74 = tpu.memref_slice %arg4[%add3A_69, %dma_start3A_73] : memref<2560x128xi32, #tpu.memory_space<hbm>> -> memref<1x128xi32, #tpu.memory_space<hbm>>
      %dma_start3A_75 = tpu.memref_squeeze %dma_start3A_74 : memref<1x128xi32, #tpu.memory_space<hbm>> -> memref<128xi32, #tpu.memory_space<hbm>>
      tpu.enqueue_dma source(%dma_start3A_75 : memref<128xi32, #tpu.memory_space<hbm>>) target(%arg13 : memref<128xi32, #tpu.memory_space<vmem>>) target_semaphore(%arg18 : memref<!tpu.dma_semaphore, #tpu.memory_space<semaphore_mem>>)
      %mul3A_76 = arith.constant 4 : i32
      %mul3A_77 = arith.muli %scan3A_21, %mul3A_76 : i32
      %add3A_78 = arith.addi %add3A, %mul3A_77 : i32
      %add3A_79 = arith.constant 1 : i32
      %add3A_80 = arith.addi %add3A_78, %add3A_79 : i32
      %dma_start3A_81 = arith.constant 0 : i32
      %dma_start3A_82 = tpu.memref_slice %arg4[%add3A_80, %dma_start3A_81] : memref<2560x128xi32, #tpu.memory_space<hbm>> -> memref<1x128xi32, #tpu.memory_space<hbm>>
      %dma_start3A_83 = tpu.memref_squeeze %dma_start3A_82 : memref<1x128xi32, #tpu.memory_space<hbm>> -> memref<128xi32, #tpu.memory_space<hbm>>
      %dma_start3A_84 = arith.constant 0 : i32
      %dma_start3A_85 = tpu.memref_slice %arg4[%add3A_80, %dma_start3A_84] : memref<2560x128xi32, #tpu.memory_space<hbm>> -> memref<1x128xi32, #tpu.memory_space<hbm>>
      %dma_start3A_86 = tpu.memref_squeeze %dma_start3A_85 : memref<1x128xi32, #tpu.memory_space<hbm>> -> memref<128xi32, #tpu.memory_space<hbm>>
      tpu.enqueue_dma source(%dma_start3A_86 : memref<128xi32, #tpu.memory_space<hbm>>) target(%arg14 : memref<128xi32, #tpu.memory_space<vmem>>) target_semaphore(%arg18 : memref<!tpu.dma_semaphore, #tpu.memory_space<semaphore_mem>>)
      %mul3A_87 = arith.constant 4 : i32
      %mul3A_88 = arith.muli %scan3A_21, %mul3A_87 : i32
      %add3A_89 = arith.addi %add3A, %mul3A_88 : i32
      %add3A_90 = arith.constant 2 : i32
      %add3A_91 = arith.addi %add3A_89, %add3A_90 : i32
      %dma_start3A_92 = arith.constant 0 : i32
      %dma_start3A_93 = tpu.memref_slice %arg4[%add3A_91, %dma_start3A_92] : memref<2560x128xi32, #tpu.memory_space<hbm>> -> memref<1x128xi32, #tpu.memory_space<hbm>>
      %dma_start3A_94 = tpu.memref_squeeze %dma_start3A_93 : memref<1x128xi32, #tpu.memory_space<hbm>> -> memref<128xi32, #tpu.memory_space<hbm>>
      %dma_start3A_95 = arith.constant 0 : i32
      %dma_start3A_96 = tpu.memref_slice %arg4[%add3A_91, %dma_start3A_95] : memref<2560x128xi32, #tpu.memory_space<hbm>> -> memref<1x128xi32, #tpu.memory_space<hbm>>
      %dma_start3A_97 = tpu.memref_squeeze %dma_start3A_96 : memref<1x128xi32, #tpu.memory_space<hbm>> -> memref<128xi32, #tpu.memory_space<hbm>>
      tpu.enqueue_dma source(%dma_start3A_97 : memref<128xi32, #tpu.memory_space<hbm>>) target(%arg15 : memref<128xi32, #tpu.memory_space<vmem>>) target_semaphore(%arg18 : memref<!tpu.dma_semaphore, #tpu.memory_space<semaphore_mem>>)
      %mul3A_98 = arith.constant 4 : i32
      %mul3A_99 = arith.muli %scan3A_21, %mul3A_98 : i32
      %add3A_100 = arith.addi %add3A, %mul3A_99 : i32
      %add3A_101 = arith.constant 3 : i32
      %add3A_102 = arith.addi %add3A_100, %add3A_101 : i32
      %dma_start3A_103 = arith.constant 0 : i32
      %dma_start3A_104 = tpu.memref_slice %arg4[%add3A_102, %dma_start3A_103] : memref<2560x128xi32, #tpu.memory_space<hbm>> -> memref<1x128xi32, #tpu.memory_space<hbm>>
      %dma_start3A_105 = tpu.memref_squeeze %dma_start3A_104 : memref<1x128xi32, #tpu.memory_space<hbm>> -> memref<128xi32, #tpu.memory_space<hbm>>
      %dma_start3A_106 = arith.constant 0 : i32
      %dma_start3A_107 = tpu.memref_slice %arg4[%add3A_102, %dma_start3A_106] : memref<2560x128xi32, #tpu.memory_space<hbm>> -> memref<1x128xi32, #tpu.memory_space<hbm>>
      %dma_start3A_108 = tpu.memref_squeeze %dma_start3A_107 : memref<1x128xi32, #tpu.memory_space<hbm>> -> memref<128xi32, #tpu.memory_space<hbm>>
      tpu.enqueue_dma source(%dma_start3A_108 : memref<128xi32, #tpu.memory_space<hbm>>) target(%arg16 : memref<128xi32, #tpu.memory_space<vmem>>) target_semaphore(%arg18 : memref<!tpu.dma_semaphore, #tpu.memory_space<semaphore_mem>>)
      %dma_wait3A = arith.constant 0 : i32
      %dma_wait3A_109 = tpu.memref_slice %arg3[%add3A_26, %dma_wait3A] : memref<2560x128xi32, #tpu.memory_space<hbm>> -> memref<1x128xi32, #tpu.memory_space<hbm>>
      %dma_wait3A_110 = tpu.memref_squeeze %dma_wait3A_109 : memref<1x128xi32, #tpu.memory_space<hbm>> -> memref<128xi32, #tpu.memory_space<hbm>>
      %dma_wait3A_111 = arith.constant 0 : i32
      %dma_wait3A_112 = tpu.memref_slice %arg3[%add3A_26, %dma_wait3A_111] : memref<2560x128xi32, #tpu.memory_space<hbm>> -> memref<1x128xi32, #tpu.memory_space<hbm>>
      %dma_wait3A_113 = tpu.memref_squeeze %dma_wait3A_112 : memref<1x128xi32, #tpu.memory_space<hbm>> -> memref<128xi32, #tpu.memory_space<hbm>>
      tpu.wait_dma2 semaphore(%arg18 : memref<!tpu.dma_semaphore, #tpu.memory_space<semaphore_mem>>) src(%dma_wait3A_113 : memref<128xi32, #tpu.memory_space<hbm>>) dst(%arg9 : memref<128xi32, #tpu.memory_space<vmem>>)
      %dma_wait3A_114 = arith.constant 0 : i32
      %dma_wait3A_115 = tpu.memref_slice %arg3[%add3A_36, %dma_wait3A_114] : memref<2560x128xi32, #tpu.memory_space<hbm>> -> memref<1x128xi32, #tpu.memory_space<hbm>>
      %dma_wait3A_116 = tpu.memref_squeeze %dma_wait3A_115 : memref<1x128xi32, #tpu.memory_space<hbm>> -> memref<128xi32, #tpu.memory_space<hbm>>
      %dma_wait3A_117 = arith.constant 0 : i32
      %dma_wait3A_118 = tpu.memref_slice %arg3[%add3A_36, %dma_wait3A_117] : memref<2560x128xi32, #tpu.memory_space<hbm>> -> memref<1x128xi32, #tpu.memory_space<hbm>>
      %dma_wait3A_119 = tpu.memref_squeeze %dma_wait3A_118 : memref<1x128xi32, #tpu.memory_space<hbm>> -> memref<128xi32, #tpu.memory_space<hbm>>
      tpu.wait_dma2 semaphore(%arg18 : memref<!tpu.dma_semaphore, #tpu.memory_space<semaphore_mem>>) src(%dma_wait3A_119 : memref<128xi32, #tpu.memory_space<hbm>>) dst(%arg10 : memref<128xi32, #tpu.memory_space<vmem>>)
      %dma_wait3A_120 = arith.constant 0 : i32
      %dma_wait3A_121 = tpu.memref_slice %arg3[%add3A_47, %dma_wait3A_120] : memref<2560x128xi32, #tpu.memory_space<hbm>> -> memref<1x128xi32, #tpu.memory_space<hbm>>
      %dma_wait3A_122 = tpu.memref_squeeze %dma_wait3A_121 : memref<1x128xi32, #tpu.memory_space<hbm>> -> memref<128xi32, #tpu.memory_space<hbm>>
      %dma_wait3A_123 = arith.constant 0 : i32
      %dma_wait3A_124 = tpu.memref_slice %arg3[%add3A_47, %dma_wait3A_123] : memref<2560x128xi32, #tpu.memory_space<hbm>> -> memref<1x128xi32, #tpu.memory_space<hbm>>
      %dma_wait3A_125 = tpu.memref_squeeze %dma_wait3A_124 : memref<1x128xi32, #tpu.memory_space<hbm>> -> memref<128xi32, #tpu.memory_space<hbm>>
      tpu.wait_dma2 semaphore(%arg18 : memref<!tpu.dma_semaphore, #tpu.memory_space<semaphore_mem>>) src(%dma_wait3A_125 : memref<128xi32, #tpu.memory_space<hbm>>) dst(%arg11 : memref<128xi32, #tpu.memory_space<vmem>>)
      %dma_wait3A_126 = arith.constant 0 : i32
      %dma_wait3A_127 = tpu.memref_slice %arg3[%add3A_58, %dma_wait3A_126] : memref<2560x128xi32, #tpu.memory_space<hbm>> -> memref<1x128xi32, #tpu.memory_space<hbm>>
      %dma_wait3A_128 = tpu.memref_squeeze %dma_wait3A_127 : memref<1x128xi32, #tpu.memory_space<hbm>> -> memref<128xi32, #tpu.memory_space<hbm>>
      %dma_wait3A_129 = arith.constant 0 : i32
      %dma_wait3A_130 = tpu.memref_slice %arg3[%add3A_58, %dma_wait3A_129] : memref<2560x128xi32, #tpu.memory_space<hbm>> -> memref<1x128xi32, #tpu.memory_space<hbm>>
      %dma_wait3A_131 = tpu.memref_squeeze %dma_wait3A_130 : memref<1x128xi32, #tpu.memory_space<hbm>> -> memref<128xi32, #tpu.memory_space<hbm>>
      tpu.wait_dma2 semaphore(%arg18 : memref<!tpu.dma_semaphore, #tpu.memory_space<semaphore_mem>>) src(%dma_wait3A_131 : memref<128xi32, #tpu.memory_space<hbm>>) dst(%arg12 : memref<128xi32, #tpu.memory_space<vmem>>)
      %dma_wait3A_132 = arith.constant 0 : i32
      %dma_wait3A_133 = tpu.memref_slice %arg4[%add3A_69, %dma_wait3A_132] : memref<2560x128xi32, #tpu.memory_space<hbm>> -> memref<1x128xi32, #tpu.memory_space<hbm>>
      %dma_wait3A_134 = tpu.memref_squeeze %dma_wait3A_133 : memref<1x128xi32, #tpu.memory_space<hbm>> -> memref<128xi32, #tpu.memory_space<hbm>>
      %dma_wait3A_135 = arith.constant 0 : i32
      %dma_wait3A_136 = tpu.memref_slice %arg4[%add3A_69, %dma_wait3A_135] : memref<2560x128xi32, #tpu.memory_space<hbm>> -> memref<1x128xi32, #tpu.memory_space<hbm>>
      %dma_wait3A_137 = tpu.memref_squeeze %dma_wait3A_136 : memref<1x128xi32, #tpu.memory_space<hbm>> -> memref<128xi32, #tpu.memory_space<hbm>>
      tpu.wait_dma2 semaphore(%arg18 : memref<!tpu.dma_semaphore, #tpu.memory_space<semaphore_mem>>) src(%dma_wait3A_137 : memref<128xi32, #tpu.memory_space<hbm>>) dst(%arg13 : memref<128xi32, #tpu.memory_space<vmem>>)
      %dma_wait3A_138 = arith.constant 0 : i32
      %dma_wait3A_139 = tpu.memref_slice %arg4[%add3A_80, %dma_wait3A_138] : memref<2560x128xi32, #tpu.memory_space<hbm>> -> memref<1x128xi32, #tpu.memory_space<hbm>>
      %dma_wait3A_140 = tpu.memref_squeeze %dma_wait3A_139 : memref<1x128xi32, #tpu.memory_space<hbm>> -> memref<128xi32, #tpu.memory_space<hbm>>
      %dma_wait3A_141 = arith.constant 0 : i32
      %dma_wait3A_142 = tpu.memref_slice %arg4[%add3A_80, %dma_wait3A_141] : memref<2560x128xi32, #tpu.memory_space<hbm>> -> memref<1x128xi32, #tpu.memory_space<hbm>>
      %dma_wait3A_143 = tpu.memref_squeeze %dma_wait3A_142 : memref<1x128xi32, #tpu.memory_space<hbm>> -> memref<128xi32, #tpu.memory_space<hbm>>
      tpu.wait_dma2 semaphore(%arg18 : memref<!tpu.dma_semaphore, #tpu.memory_space<semaphore_mem>>) src(%dma_wait3A_143 : memref<128xi32, #tpu.memory_space<hbm>>) dst(%arg14 : memref<128xi32, #tpu.memory_space<vmem>>)
      %dma_wait3A_144 = arith.constant 0 : i32
      %dma_wait3A_145 = tpu.memref_slice %arg4[%add3A_91, %dma_wait3A_144] : memref<2560x128xi32, #tpu.memory_space<hbm>> -> memref<1x128xi32, #tpu.memory_space<hbm>>
      %dma_wait3A_146 = tpu.memref_squeeze %dma_wait3A_145 : memref<1x128xi32, #tpu.memory_space<hbm>> -> memref<128xi32, #tpu.memory_space<hbm>>
      %dma_wait3A_147 = arith.constant 0 : i32
      %dma_wait3A_148 = tpu.memref_slice %arg4[%add3A_91, %dma_wait3A_147] : memref<2560x128xi32, #tpu.memory_space<hbm>> -> memref<1x128xi32, #tpu.memory_space<hbm>>
      %dma_wait3A_149 = tpu.memref_squeeze %dma_wait3A_148 : memref<1x128xi32, #tpu.memory_space<hbm>> -> memref<128xi32, #tpu.memory_space<hbm>>
      tpu.wait_dma2 semaphore(%arg18 : memref<!tpu.dma_semaphore, #tpu.memory_space<semaphore_mem>>) src(%dma_wait3A_149 : memref<128xi32, #tpu.memory_space<hbm>>) dst(%arg15 : memref<128xi32, #tpu.memory_space<vmem>>)
      %dma_wait3A_150 = arith.constant 0 : i32
      %dma_wait3A_151 = tpu.memref_slice %arg4[%add3A_102, %dma_wait3A_150] : memref<2560x128xi32, #tpu.memory_space<hbm>> -> memref<1x128xi32, #tpu.memory_space<hbm>>
      %dma_wait3A_152 = tpu.memref_squeeze %dma_wait3A_151 : memref<1x128xi32, #tpu.memory_space<hbm>> -> memref<128xi32, #tpu.memory_space<hbm>>
      %dma_wait3A_153 = arith.constant 0 : i32
      %dma_wait3A_154 = tpu.memref_slice %arg4[%add3A_102, %dma_wait3A_153] : memref<2560x128xi32, #tpu.memory_space<hbm>> -> memref<1x128xi32, #tpu.memory_space<hbm>>
      %dma_wait3A_155 = tpu.memref_squeeze %dma_wait3A_154 : memref<1x128xi32, #tpu.memory_space<hbm>> -> memref<128xi32, #tpu.memory_space<hbm>>
      tpu.wait_dma2 semaphore(%arg18 : memref<!tpu.dma_semaphore, #tpu.memory_space<semaphore_mem>>) src(%dma_wait3A_155 : memref<128xi32, #tpu.memory_space<hbm>>) dst(%arg16 : memref<128xi32, #tpu.memory_space<vmem>>)
      %dma_start3A_156 = arith.constant 0 : i32
      %dma_start3A_157 = arith.constant 0 : i32
      %dma_start3A_158 = arith.constant 0 : i32
      %dma_start3A_159 = tpu.memref_slice %arg17[%dma_start3A_156, %dma_start3A_157, %dma_start3A_158] : memref<4x128x32xf32, #tpu.memory_space<vmem>> -> memref<1x128x32xf32, #tpu.memory_space<vmem>>
      %dma_start3A_160 = tpu.memref_squeeze %dma_start3A_159 : memref<1x128x32xf32, #tpu.memory_space<vmem>> -> memref<128x32xf32, #tpu.memory_space<vmem>>
      %dma_start3A_161 = arith.constant 0 : i32
      %dma_start3A_162 = arith.constant 0 : i32
      %dma_start3A_163 = tpu.memref_slice %arg7[%dma_start3A_161, %dma_start3A_162] : memref<10240x32xf32, #tpu.memory_space<vmem_shared>> -> memref<10240x32xf32, #tpu.memory_space<vmem_shared>>
      tpu.enqueue_indirect_dma source(%dma_start3A_163 : memref<10240x32xf32, #tpu.memory_space<vmem_shared>>) target(%dma_start3A_160 : memref<128x32xf32, #tpu.memory_space<vmem>>) offsets(%arg9 : memref<128xi32, #tpu.memory_space<vmem>>) semaphore(%arg19 : memref<!tpu.dma_semaphore, #tpu.memory_space<semaphore_mem>>)
      %dma_start3A_164 = arith.constant 1 : i32
      %dma_start3A_165 = arith.constant 0 : i32
      %dma_start3A_166 = arith.constant 0 : i32
      %dma_start3A_167 = tpu.memref_slice %arg17[%dma_start3A_164, %dma_start3A_165, %dma_start3A_166] : memref<4x128x32xf32, #tpu.memory_space<vmem>> -> memref<1x128x32xf32, #tpu.memory_space<vmem>>
      %dma_start3A_168 = tpu.memref_squeeze %dma_start3A_167 : memref<1x128x32xf32, #tpu.memory_space<vmem>> -> memref<128x32xf32, #tpu.memory_space<vmem>>
      %dma_start3A_169 = arith.constant 0 : i32
      %dma_start3A_170 = arith.constant 0 : i32
      %dma_start3A_171 = tpu.memref_slice %arg7[%dma_start3A_169, %dma_start3A_170] : memref<10240x32xf32, #tpu.memory_space<vmem_shared>> -> memref<10240x32xf32, #tpu.memory_space<vmem_shared>>
      tpu.enqueue_indirect_dma source(%dma_start3A_171 : memref<10240x32xf32, #tpu.memory_space<vmem_shared>>) target(%dma_start3A_168 : memref<128x32xf32, #tpu.memory_space<vmem>>) offsets(%arg10 : memref<128xi32, #tpu.memory_space<vmem>>) semaphore(%arg19 : memref<!tpu.dma_semaphore, #tpu.memory_space<semaphore_mem>>)
      %dma_start3A_172 = arith.constant 2 : i32
      %dma_start3A_173 = arith.constant 0 : i32
      %dma_start3A_174 = arith.constant 0 : i32
      %dma_start3A_175 = tpu.memref_slice %arg17[%dma_start3A_172, %dma_start3A_173, %dma_start3A_174] : memref<4x128x32xf32, #tpu.memory_space<vmem>> -> memref<1x128x32xf32, #tpu.memory_space<vmem>>
      %dma_start3A_176 = tpu.memref_squeeze %dma_start3A_175 : memref<1x128x32xf32, #tpu.memory_space<vmem>> -> memref<128x32xf32, #tpu.memory_space<vmem>>
      %dma_start3A_177 = arith.constant 0 : i32
      %dma_start3A_178 = arith.constant 0 : i32
      %dma_start3A_179 = tpu.memref_slice %arg7[%dma_start3A_177, %dma_start3A_178] : memref<10240x32xf32, #tpu.memory_space<vmem_shared>> -> memref<10240x32xf32, #tpu.memory_space<vmem_shared>>
      tpu.enqueue_indirect_dma source(%dma_start3A_179 : memref<10240x32xf32, #tpu.memory_space<vmem_shared>>) target(%dma_start3A_176 : memref<128x32xf32, #tpu.memory_space<vmem>>) offsets(%arg11 : memref<128xi32, #tpu.memory_space<vmem>>) semaphore(%arg19 : memref<!tpu.dma_semaphore, #tpu.memory_space<semaphore_mem>>)
      %dma_start3A_180 = arith.constant 3 : i32
      %dma_start3A_181 = arith.constant 0 : i32
      %dma_start3A_182 = arith.constant 0 : i32
      %dma_start3A_183 = tpu.memref_slice %arg17[%dma_start3A_180, %dma_start3A_181, %dma_start3A_182] : memref<4x128x32xf32, #tpu.memory_space<vmem>> -> memref<1x128x32xf32, #tpu.memory_space<vmem>>
      %dma_start3A_184 = tpu.memref_squeeze %dma_start3A_183 : memref<1x128x32xf32, #tpu.memory_space<vmem>> -> memref<128x32xf32, #tpu.memory_space<vmem>>
      %dma_start3A_185 = arith.constant 0 : i32
      %dma_start3A_186 = arith.constant 0 : i32
      %dma_start3A_187 = tpu.memref_slice %arg7[%dma_start3A_185, %dma_start3A_186] : memref<10240x32xf32, #tpu.memory_space<vmem_shared>> -> memref<10240x32xf32, #tpu.memory_space<vmem_shared>>
      tpu.enqueue_indirect_dma source(%dma_start3A_187 : memref<10240x32xf32, #tpu.memory_space<vmem_shared>>) target(%dma_start3A_184 : memref<128x32xf32, #tpu.memory_space<vmem>>) offsets(%arg12 : memref<128xi32, #tpu.memory_space<vmem>>) semaphore(%arg19 : memref<!tpu.dma_semaphore, #tpu.memory_space<semaphore_mem>>)
      %dma_wait3A_188 = arith.constant 0 : i32
      %dma_wait3A_189 = arith.constant 0 : i32
      %dma_wait3A_190 = arith.constant 0 : i32
      %dma_wait3A_191 = tpu.memref_slice %arg17[%dma_wait3A_188, %dma_wait3A_189, %dma_wait3A_190] : memref<4x128x32xf32, #tpu.memory_space<vmem>> -> memref<1x128x32xf32, #tpu.memory_space<vmem>>
      %dma_wait3A_192 = tpu.memref_squeeze %dma_wait3A_191 : memref<1x128x32xf32, #tpu.memory_space<vmem>> -> memref<128x32xf32, #tpu.memory_space<vmem>>
      %dma_wait3A_193 = arith.constant 0 : i32
      %dma_wait3A_194 = arith.constant 0 : i32
      %dma_wait3A_195 = tpu.memref_slice %arg7[%dma_wait3A_193, %dma_wait3A_194] : memref<10240x32xf32, #tpu.memory_space<vmem_shared>> -> memref<10240x32xf32, #tpu.memory_space<vmem_shared>>
      tpu.wait_indirect_dma semaphore(%arg19 : memref<!tpu.dma_semaphore, #tpu.memory_space<semaphore_mem>>) src(%dma_wait3A_195 : memref<10240x32xf32, #tpu.memory_space<vmem_shared>>) dst(%dma_wait3A_192 : memref<128x32xf32, #tpu.memory_space<vmem>>)
      %dma_wait3A_196 = arith.constant 1 : i32
      %dma_wait3A_197 = arith.constant 0 : i32
      %dma_wait3A_198 = arith.constant 0 : i32
      %dma_wait3A_199 = tpu.memref_slice %arg17[%dma_wait3A_196, %dma_wait3A_197, %dma_wait3A_198] : memref<4x128x32xf32, #tpu.memory_space<vmem>> -> memref<1x128x32xf32, #tpu.memory_space<vmem>>
      %dma_wait3A_200 = tpu.memref_squeeze %dma_wait3A_199 : memref<1x128x32xf32, #tpu.memory_space<vmem>> -> memref<128x32xf32, #tpu.memory_space<vmem>>
      %dma_wait3A_201 = arith.constant 0 : i32
      %dma_wait3A_202 = arith.constant 0 : i32
      %dma_wait3A_203 = tpu.memref_slice %arg7[%dma_wait3A_201, %dma_wait3A_202] : memref<10240x32xf32, #tpu.memory_space<vmem_shared>> -> memref<10240x32xf32, #tpu.memory_space<vmem_shared>>
      tpu.wait_indirect_dma semaphore(%arg19 : memref<!tpu.dma_semaphore, #tpu.memory_space<semaphore_mem>>) src(%dma_wait3A_203 : memref<10240x32xf32, #tpu.memory_space<vmem_shared>>) dst(%dma_wait3A_200 : memref<128x32xf32, #tpu.memory_space<vmem>>)
      %dma_wait3A_204 = arith.constant 2 : i32
      %dma_wait3A_205 = arith.constant 0 : i32
      %dma_wait3A_206 = arith.constant 0 : i32
      %dma_wait3A_207 = tpu.memref_slice %arg17[%dma_wait3A_204, %dma_wait3A_205, %dma_wait3A_206] : memref<4x128x32xf32, #tpu.memory_space<vmem>> -> memref<1x128x32xf32, #tpu.memory_space<vmem>>
      %dma_wait3A_208 = tpu.memref_squeeze %dma_wait3A_207 : memref<1x128x32xf32, #tpu.memory_space<vmem>> -> memref<128x32xf32, #tpu.memory_space<vmem>>
      %dma_wait3A_209 = arith.constant 0 : i32
      %dma_wait3A_210 = arith.constant 0 : i32
      %dma_wait3A_211 = tpu.memref_slice %arg7[%dma_wait3A_209, %dma_wait3A_210] : memref<10240x32xf32, #tpu.memory_space<vmem_shared>> -> memref<10240x32xf32, #tpu.memory_space<vmem_shared>>
      tpu.wait_indirect_dma semaphore(%arg19 : memref<!tpu.dma_semaphore, #tpu.memory_space<semaphore_mem>>) src(%dma_wait3A_211 : memref<10240x32xf32, #tpu.memory_space<vmem_shared>>) dst(%dma_wait3A_208 : memref<128x32xf32, #tpu.memory_space<vmem>>)
      %dma_wait3A_212 = arith.constant 3 : i32
      %dma_wait3A_213 = arith.constant 0 : i32
      %dma_wait3A_214 = arith.constant 0 : i32
      %dma_wait3A_215 = tpu.memref_slice %arg17[%dma_wait3A_212, %dma_wait3A_213, %dma_wait3A_214] : memref<4x128x32xf32, #tpu.memory_space<vmem>> -> memref<1x128x32xf32, #tpu.memory_space<vmem>>
      %dma_wait3A_216 = tpu.memref_squeeze %dma_wait3A_215 : memref<1x128x32xf32, #tpu.memory_space<vmem>> -> memref<128x32xf32, #tpu.memory_space<vmem>>
      %dma_wait3A_217 = arith.constant 0 : i32
      %dma_wait3A_218 = arith.constant 0 : i32
      %dma_wait3A_219 = tpu.memref_slice %arg7[%dma_wait3A_217, %dma_wait3A_218] : memref<10240x32xf32, #tpu.memory_space<vmem_shared>> -> memref<10240x32xf32, #tpu.memory_space<vmem_shared>>
      tpu.wait_indirect_dma semaphore(%arg19 : memref<!tpu.dma_semaphore, #tpu.memory_space<semaphore_mem>>) src(%dma_wait3A_219 : memref<10240x32xf32, #tpu.memory_space<vmem_shared>>) dst(%dma_wait3A_216 : memref<128x32xf32, #tpu.memory_space<vmem>>)
      %dma_start3A_220 = arith.constant 0 : i32
      %dma_start3A_221 = arith.constant 0 : i32
      %dma_start3A_222 = arith.constant 0 : i32
      %dma_start3A_223 = tpu.memref_slice %arg17[%dma_start3A_220, %dma_start3A_221, %dma_start3A_222] : memref<4x128x32xf32, #tpu.memory_space<vmem>> -> memref<1x128x32xf32, #tpu.memory_space<vmem>>
      %dma_start3A_224 = tpu.memref_squeeze %dma_start3A_223 : memref<1x128x32xf32, #tpu.memory_space<vmem>> -> memref<128x32xf32, #tpu.memory_space<vmem>>
      %dma_start3A_225 = arith.constant 0 : i32
      %dma_start3A_226 = arith.constant 0 : i32
      %dma_start3A_227 = tpu.memref_slice %arg8[%dma_start3A_225, %dma_start3A_226] : memref<10240x32xf32, #tpu.memory_space<vmem_shared>> -> memref<10240x32xf32, #tpu.memory_space<vmem_shared>>
      tpu.enqueue_indirect_dma source(%dma_start3A_224 : memref<128x32xf32, #tpu.memory_space<vmem>>) target(%dma_start3A_227 : memref<10240x32xf32, #tpu.memory_space<vmem_shared>>) offsets(%arg13 : memref<128xi32, #tpu.memory_space<vmem>>) semaphore(%arg20 : memref<!tpu.dma_semaphore, #tpu.memory_space<semaphore_mem>>) {add = true}
      %dma_start3A_228 = arith.constant 1 : i32
      %dma_start3A_229 = arith.constant 0 : i32
      %dma_start3A_230 = arith.constant 0 : i32
      %dma_start3A_231 = tpu.memref_slice %arg17[%dma_start3A_228, %dma_start3A_229, %dma_start3A_230] : memref<4x128x32xf32, #tpu.memory_space<vmem>> -> memref<1x128x32xf32, #tpu.memory_space<vmem>>
      %dma_start3A_232 = tpu.memref_squeeze %dma_start3A_231 : memref<1x128x32xf32, #tpu.memory_space<vmem>> -> memref<128x32xf32, #tpu.memory_space<vmem>>
      %dma_start3A_233 = arith.constant 0 : i32
      %dma_start3A_234 = arith.constant 0 : i32
      %dma_start3A_235 = tpu.memref_slice %arg8[%dma_start3A_233, %dma_start3A_234] : memref<10240x32xf32, #tpu.memory_space<vmem_shared>> -> memref<10240x32xf32, #tpu.memory_space<vmem_shared>>
      tpu.enqueue_indirect_dma source(%dma_start3A_232 : memref<128x32xf32, #tpu.memory_space<vmem>>) target(%dma_start3A_235 : memref<10240x32xf32, #tpu.memory_space<vmem_shared>>) offsets(%arg14 : memref<128xi32, #tpu.memory_space<vmem>>) semaphore(%arg20 : memref<!tpu.dma_semaphore, #tpu.memory_space<semaphore_mem>>) {add = true}
      %dma_start3A_236 = arith.constant 2 : i32
      %dma_start3A_237 = arith.constant 0 : i32
      %dma_start3A_238 = arith.constant 0 : i32
      %dma_start3A_239 = tpu.memref_slice %arg17[%dma_start3A_236, %dma_start3A_237, %dma_start3A_238] : memref<4x128x32xf32, #tpu.memory_space<vmem>> -> memref<1x128x32xf32, #tpu.memory_space<vmem>>
      %dma_start3A_240 = tpu.memref_squeeze %dma_start3A_239 : memref<1x128x32xf32, #tpu.memory_space<vmem>> -> memref<128x32xf32, #tpu.memory_space<vmem>>
      %dma_start3A_241 = arith.constant 0 : i32
      %dma_start3A_242 = arith.constant 0 : i32
      %dma_start3A_243 = tpu.memref_slice %arg8[%dma_start3A_241, %dma_start3A_242] : memref<10240x32xf32, #tpu.memory_space<vmem_shared>> -> memref<10240x32xf32, #tpu.memory_space<vmem_shared>>
      tpu.enqueue_indirect_dma source(%dma_start3A_240 : memref<128x32xf32, #tpu.memory_space<vmem>>) target(%dma_start3A_243 : memref<10240x32xf32, #tpu.memory_space<vmem_shared>>) offsets(%arg15 : memref<128xi32, #tpu.memory_space<vmem>>) semaphore(%arg20 : memref<!tpu.dma_semaphore, #tpu.memory_space<semaphore_mem>>) {add = true}
      %dma_start3A_244 = arith.constant 3 : i32
      %dma_start3A_245 = arith.constant 0 : i32
      %dma_start3A_246 = arith.constant 0 : i32
      %dma_start3A_247 = tpu.memref_slice %arg17[%dma_start3A_244, %dma_start3A_245, %dma_start3A_246] : memref<4x128x32xf32, #tpu.memory_space<vmem>> -> memref<1x128x32xf32, #tpu.memory_space<vmem>>
      %dma_start3A_248 = tpu.memref_squeeze %dma_start3A_247 : memref<1x128x32xf32, #tpu.memory_space<vmem>> -> memref<128x32xf32, #tpu.memory_space<vmem>>
      %dma_start3A_249 = arith.constant 0 : i32
      %dma_start3A_250 = arith.constant 0 : i32
      %dma_start3A_251 = tpu.memref_slice %arg8[%dma_start3A_249, %dma_start3A_250] : memref<10240x32xf32, #tpu.memory_space<vmem_shared>> -> memref<10240x32xf32, #tpu.memory_space<vmem_shared>>
      tpu.enqueue_indirect_dma source(%dma_start3A_248 : memref<128x32xf32, #tpu.memory_space<vmem>>) target(%dma_start3A_251 : memref<10240x32xf32, #tpu.memory_space<vmem_shared>>) offsets(%arg16 : memref<128xi32, #tpu.memory_space<vmem>>) semaphore(%arg20 : memref<!tpu.dma_semaphore, #tpu.memory_space<semaphore_mem>>) {add = true}
      %dma_wait3A_252 = arith.constant 0 : i32
      %dma_wait3A_253 = arith.constant 0 : i32
      %dma_wait3A_254 = arith.constant 0 : i32
      %dma_wait3A_255 = tpu.memref_slice %arg17[%dma_wait3A_252, %dma_wait3A_253, %dma_wait3A_254] : memref<4x128x32xf32, #tpu.memory_space<vmem>> -> memref<1x128x32xf32, #tpu.memory_space<vmem>>
      %dma_wait3A_256 = tpu.memref_squeeze %dma_wait3A_255 : memref<1x128x32xf32, #tpu.memory_space<vmem>> -> memref<128x32xf32, #tpu.memory_space<vmem>>
      %dma_wait3A_257 = arith.constant 0 : i32
      %dma_wait3A_258 = arith.constant 0 : i32
      %dma_wait3A_259 = tpu.memref_slice %arg8[%dma_wait3A_257, %dma_wait3A_258] : memref<10240x32xf32, #tpu.memory_space<vmem_shared>> -> memref<10240x32xf32, #tpu.memory_space<vmem_shared>>
      tpu.wait_indirect_dma semaphore(%arg20 : memref<!tpu.dma_semaphore, #tpu.memory_space<semaphore_mem>>) src(%dma_wait3A_256 : memref<128x32xf32, #tpu.memory_space<vmem>>) dst(%dma_wait3A_259 : memref<10240x32xf32, #tpu.memory_space<vmem_shared>>)
      %dma_wait3A_260 = arith.constant 1 : i32
      %dma_wait3A_261 = arith.constant 0 : i32
      %dma_wait3A_262 = arith.constant 0 : i32
      %dma_wait3A_263 = tpu.memref_slice %arg17[%dma_wait3A_260, %dma_wait3A_261, %dma_wait3A_262] : memref<4x128x32xf32, #tpu.memory_space<vmem>> -> memref<1x128x32xf32, #tpu.memory_space<vmem>>
      %dma_wait3A_264 = tpu.memref_squeeze %dma_wait3A_263 : memref<1x128x32xf32, #tpu.memory_space<vmem>> -> memref<128x32xf32, #tpu.memory_space<vmem>>
      %dma_wait3A_265 = arith.constant 0 : i32
      %dma_wait3A_266 = arith.constant 0 : i32
      %dma_wait3A_267 = tpu.memref_slice %arg8[%dma_wait3A_265, %dma_wait3A_266] : memref<10240x32xf32, #tpu.memory_space<vmem_shared>> -> memref<10240x32xf32, #tpu.memory_space<vmem_shared>>
      tpu.wait_indirect_dma semaphore(%arg20 : memref<!tpu.dma_semaphore, #tpu.memory_space<semaphore_mem>>) src(%dma_wait3A_264 : memref<128x32xf32, #tpu.memory_space<vmem>>) dst(%dma_wait3A_267 : memref<10240x32xf32, #tpu.memory_space<vmem_shared>>)
      %dma_wait3A_268 = arith.constant 2 : i32
      %dma_wait3A_269 = arith.constant 0 : i32
      %dma_wait3A_270 = arith.constant 0 : i32
      %dma_wait3A_271 = tpu.memref_slice %arg17[%dma_wait3A_268, %dma_wait3A_269, %dma_wait3A_270] : memref<4x128x32xf32, #tpu.memory_space<vmem>> -> memref<1x128x32xf32, #tpu.memory_space<vmem>>
      %dma_wait3A_272 = tpu.memref_squeeze %dma_wait3A_271 : memref<1x128x32xf32, #tpu.memory_space<vmem>> -> memref<128x32xf32, #tpu.memory_space<vmem>>
      %dma_wait3A_273 = arith.constant 0 : i32
      %dma_wait3A_274 = arith.constant 0 : i32
      %dma_wait3A_275 = tpu.memref_slice %arg8[%dma_wait3A_273, %dma_wait3A_274] : memref<10240x32xf32, #tpu.memory_space<vmem_shared>> -> memref<10240x32xf32, #tpu.memory_space<vmem_shared>>
      tpu.wait_indirect_dma semaphore(%arg20 : memref<!tpu.dma_semaphore, #tpu.memory_space<semaphore_mem>>) src(%dma_wait3A_272 : memref<128x32xf32, #tpu.memory_space<vmem>>) dst(%dma_wait3A_275 : memref<10240x32xf32, #tpu.memory_space<vmem_shared>>)
      %dma_wait3A_276 = arith.constant 3 : i32
      %dma_wait3A_277 = arith.constant 0 : i32
      %dma_wait3A_278 = arith.constant 0 : i32
      %dma_wait3A_279 = tpu.memref_slice %arg17[%dma_wait3A_276, %dma_wait3A_277, %dma_wait3A_278] : memref<4x128x32xf32, #tpu.memory_space<vmem>> -> memref<1x128x32xf32, #tpu.memory_space<vmem>>
      %dma_wait3A_280 = tpu.memref_squeeze %dma_wait3A_279 : memref<1x128x32xf32, #tpu.memory_space<vmem>> -> memref<128x32xf32, #tpu.memory_space<vmem>>
      %dma_wait3A_281 = arith.constant 0 : i32
      %dma_wait3A_282 = arith.constant 0 : i32
      %dma_wait3A_283 = tpu.memref_slice %arg8[%dma_wait3A_281, %dma_wait3A_282] : memref<10240x32xf32, #tpu.memory_space<vmem_shared>> -> memref<10240x32xf32, #tpu.memory_space<vmem_shared>>
      tpu.wait_indirect_dma semaphore(%arg20 : memref<!tpu.dma_semaphore, #tpu.memory_space<semaphore_mem>>) src(%dma_wait3A_280 : memref<128x32xf32, #tpu.memory_space<vmem>>) dst(%dma_wait3A_283 : memref<10240x32xf32, #tpu.memory_space<vmem_shared>>)
    }
    %scan3A_15 = arith.constant 20 : i32
    %barrier3A_16 = arith.constant 0 : index
    tpu.barrier barrier_id(%barrier3A_16)
    %mul3A_17 = arith.constant 640 : i32
    %mul3A_18 = arith.muli %arg1, %mul3A_17 : i32
    %mul3A_19 = arith.constant 640 : i32
    %mul3A_20 = arith.muli %arg1, %mul3A_19 : i32
    "tpu.region"() ({
      %run_scoped3A = tpu.sem_alloc : memref<!tpu.dma_semaphore, #tpu.memory_space<semaphore_mem>>
      %dma_start3A = arith.constant 0 : i32
      %dma_start3A_21 = tpu.memref_slice %arg6[%arg0, %mul3A_20, %dma_start3A] : memref<2x10240x32xf32, #tpu.memory_space<hbm>> -> memref<1x640x32xf32, #tpu.memory_space<hbm>>
      %dma_start3A_22 = tpu.memref_squeeze %dma_start3A_21 : memref<1x640x32xf32, #tpu.memory_space<hbm>> -> memref<640x32xf32, #tpu.memory_space<hbm>>
      %dma_start3A_23 = arith.constant 0 : i32
      %dma_start3A_24 = tpu.memref_slice %arg8[%mul3A_18, %dma_start3A_23] : memref<10240x32xf32, #tpu.memory_space<vmem_shared>> -> memref<640x32xf32, #tpu.memory_space<vmem_shared>>
      tpu.enqueue_dma source(%dma_start3A_24 : memref<640x32xf32, #tpu.memory_space<vmem_shared>>) target(%dma_start3A_22 : memref<640x32xf32, #tpu.memory_space<hbm>>) target_semaphore(%run_scoped3A : memref<!tpu.dma_semaphore, #tpu.memory_space<semaphore_mem>>)
      %dma_wait3A = arith.constant 0 : i32
      %dma_wait3A_25 = tpu.memref_slice %arg6[%arg0, %mul3A_20, %dma_wait3A] : memref<2x10240x32xf32, #tpu.memory_space<hbm>> -> memref<1x640x32xf32, #tpu.memory_space<hbm>>
      %dma_wait3A_26 = tpu.memref_squeeze %dma_wait3A_25 : memref<1x640x32xf32, #tpu.memory_space<hbm>> -> memref<640x32xf32, #tpu.memory_space<hbm>>
      %dma_wait3A_27 = arith.constant 0 : i32
      %dma_wait3A_28 = tpu.memref_slice %arg8[%mul3A_18, %dma_wait3A_27] : memref<10240x32xf32, #tpu.memory_space<vmem_shared>> -> memref<640x32xf32, #tpu.memory_space<vmem_shared>>
      tpu.wait_dma2 semaphore(%run_scoped3A : memref<!tpu.dma_semaphore, #tpu.memory_space<semaphore_mem>>) src(%dma_wait3A_28 : memref<640x32xf32, #tpu.memory_space<vmem_shared>>) dst(%dma_wait3A_26 : memref<640x32xf32, #tpu.memory_space<hbm>>)
      tpu.yield
    }) : () -> ()
    return
  }
}

#map = affine_map<(d0, d1) -> (0, 0)>
#map1 = affine_map<(d0, d1) -> (0, 0, 0)>
module attributes {stable_mosaic.version = 14 : i64} {
  func.func @_agg_body(%arg0: i32, %arg1: i32, %arg2: memref<10240x8xf32, #tpu.memory_space<hbm>>, %arg3: memref<2560x128xi32, #tpu.memory_space<hbm>>, %arg4: memref<2560x128xi32, #tpu.memory_space<hbm>>, %arg5: memref<10240x8xf32, #tpu.memory_space<hbm>>, %arg6: memref<2x10240x8xf32, #tpu.memory_space<hbm>>, %arg7: memref<10240x8xf32, #tpu.memory_space<vmem_shared>>, %arg8: memref<10240x8xf32, #tpu.memory_space<vmem_shared>>, %arg9: memref<128xi32, #tpu.memory_space<vmem>>, %arg10: memref<128xi32, #tpu.memory_space<vmem>>, %arg11: memref<128xi32, #tpu.memory_space<vmem>>, %arg12: memref<128xi32, #tpu.memory_space<vmem>>, %arg13: memref<128xi32, #tpu.memory_space<vmem>>, %arg14: memref<128xi32, #tpu.memory_space<vmem>>, %arg15: memref<128xi32, #tpu.memory_space<vmem>>, %arg16: memref<128xi32, #tpu.memory_space<vmem>>, %arg17: memref<4x128x8xf32, #tpu.memory_space<vmem>>, %arg18: memref<!tpu.dma_semaphore, #tpu.memory_space<semaphore_mem>>, %arg19: memref<!tpu.dma_semaphore, #tpu.memory_space<semaphore_mem>>, %arg20: memref<!tpu.dma_semaphore, #tpu.memory_space<semaphore_mem>>) attributes {dimension_semantics = [#tpu.dimension_semantics<core_parallel>, #tpu.dimension_semantics<subcore_parallel>], iteration_bounds = array<i64: 2, 16>, scalar_prefetch = 0 : i64, scratch_operands = 14 : i64, tpu.core_type = #tpu.core_type<sc_vector_subcore>, window_params = [{transform_indices = #map}, {transform_indices = #map}, {transform_indices = #map}, {transform_indices = #map}, {transform_indices = #map1}]} {
    %mul3A = arith.constant 640 : i32
    %mul3A_0 = arith.muli %arg1, %mul3A : i32
    %mul3A_1 = arith.constant 640 : i32
    %mul3A_2 = arith.muli %arg1, %mul3A_1 : i32
    "tpu.region"() ({
      %run_scoped3A = tpu.sem_alloc : memref<!tpu.dma_semaphore, #tpu.memory_space<semaphore_mem>>
      %dma_start3A = arith.constant 0 : i32
      %dma_start3A_21 = tpu.memref_slice %arg7[%mul3A_2, %dma_start3A] : memref<10240x8xf32, #tpu.memory_space<vmem_shared>> -> memref<640x8xf32, #tpu.memory_space<vmem_shared>>
      %dma_start3A_22 = arith.constant 0 : i32
      %dma_start3A_23 = tpu.memref_slice %arg2[%mul3A_0, %dma_start3A_22] : memref<10240x8xf32, #tpu.memory_space<hbm>> -> memref<640x8xf32, #tpu.memory_space<hbm>>
      tpu.enqueue_dma source(%dma_start3A_23 : memref<640x8xf32, #tpu.memory_space<hbm>>) target(%dma_start3A_21 : memref<640x8xf32, #tpu.memory_space<vmem_shared>>) target_semaphore(%run_scoped3A : memref<!tpu.dma_semaphore, #tpu.memory_space<semaphore_mem>>)
      %dma_wait3A = arith.constant 0 : i32
      %dma_wait3A_24 = tpu.memref_slice %arg7[%mul3A_2, %dma_wait3A] : memref<10240x8xf32, #tpu.memory_space<vmem_shared>> -> memref<640x8xf32, #tpu.memory_space<vmem_shared>>
      %dma_wait3A_25 = arith.constant 0 : i32
      %dma_wait3A_26 = tpu.memref_slice %arg2[%mul3A_0, %dma_wait3A_25] : memref<10240x8xf32, #tpu.memory_space<hbm>> -> memref<640x8xf32, #tpu.memory_space<hbm>>
      tpu.wait_dma2 semaphore(%run_scoped3A : memref<!tpu.dma_semaphore, #tpu.memory_space<semaphore_mem>>) src(%dma_wait3A_26 : memref<640x8xf32, #tpu.memory_space<hbm>>) dst(%dma_wait3A_24 : memref<640x8xf32, #tpu.memory_space<vmem_shared>>)
      tpu.yield
    }) : () -> ()
    %mul3A_3 = arith.constant 640 : i32
    %mul3A_4 = arith.muli %arg1, %mul3A_3 : i32
    %mul3A_5 = arith.constant 640 : i32
    %mul3A_6 = arith.muli %arg1, %mul3A_5 : i32
    "tpu.region"() ({
      %run_scoped3A = tpu.sem_alloc : memref<!tpu.dma_semaphore, #tpu.memory_space<semaphore_mem>>
      %dma_start3A = arith.constant 0 : i32
      %dma_start3A_21 = tpu.memref_slice %arg8[%mul3A_6, %dma_start3A] : memref<10240x8xf32, #tpu.memory_space<vmem_shared>> -> memref<640x8xf32, #tpu.memory_space<vmem_shared>>
      %dma_start3A_22 = arith.constant 0 : i32
      %dma_start3A_23 = tpu.memref_slice %arg5[%mul3A_4, %dma_start3A_22] : memref<10240x8xf32, #tpu.memory_space<hbm>> -> memref<640x8xf32, #tpu.memory_space<hbm>>
      tpu.enqueue_dma source(%dma_start3A_23 : memref<640x8xf32, #tpu.memory_space<hbm>>) target(%dma_start3A_21 : memref<640x8xf32, #tpu.memory_space<vmem_shared>>) target_semaphore(%run_scoped3A : memref<!tpu.dma_semaphore, #tpu.memory_space<semaphore_mem>>)
      %dma_wait3A = arith.constant 0 : i32
      %dma_wait3A_24 = tpu.memref_slice %arg8[%mul3A_6, %dma_wait3A] : memref<10240x8xf32, #tpu.memory_space<vmem_shared>> -> memref<640x8xf32, #tpu.memory_space<vmem_shared>>
      %dma_wait3A_25 = arith.constant 0 : i32
      %dma_wait3A_26 = tpu.memref_slice %arg5[%mul3A_4, %dma_wait3A_25] : memref<10240x8xf32, #tpu.memory_space<hbm>> -> memref<640x8xf32, #tpu.memory_space<hbm>>
      tpu.wait_dma2 semaphore(%run_scoped3A : memref<!tpu.dma_semaphore, #tpu.memory_space<semaphore_mem>>) src(%dma_wait3A_26 : memref<640x8xf32, #tpu.memory_space<hbm>>) dst(%dma_wait3A_24 : memref<640x8xf32, #tpu.memory_space<vmem_shared>>)
      tpu.yield
    }) : () -> ()
    %mul3A_7 = arith.constant 1280 : i32
    %mul3A_8 = arith.muli %arg0, %mul3A_7 : i32
    %mul3A_9 = arith.constant 80 : i32
    %mul3A_10 = arith.muli %arg1, %mul3A_9 : i32
    %add3A = arith.addi %mul3A_8, %mul3A_10 : i32
    %barrier3A = arith.constant 0 : index
    tpu.barrier barrier_id(%barrier3A)
    %scan3A = arith.constant 0 : i32
    %scan3A_11 = arith.constant 0 : i32
    %scan3A_12 = arith.constant 20 : i32
    %scan3A_13 = arith.addi %scan3A_11, %scan3A_12 : i32
    %scan3A_14 = arith.constant 1 : i32
    scf.for %scan3A_21 = %scan3A_11 to %scan3A_13 step %scan3A_14  : i32 {
      %mul3A_22 = arith.constant 4 : i32
      %mul3A_23 = arith.muli %scan3A_21, %mul3A_22 : i32
      %add3A_24 = arith.addi %add3A, %mul3A_23 : i32
      %add3A_25 = arith.constant 0 : i32
      %add3A_26 = arith.addi %add3A_24, %add3A_25 : i32
      %dma_start3A = arith.constant 0 : i32
      %dma_start3A_27 = tpu.memref_slice %arg3[%add3A_26, %dma_start3A] : memref<2560x128xi32, #tpu.memory_space<hbm>> -> memref<1x128xi32, #tpu.memory_space<hbm>>
      %dma_start3A_28 = tpu.memref_squeeze %dma_start3A_27 : memref<1x128xi32, #tpu.memory_space<hbm>> -> memref<128xi32, #tpu.memory_space<hbm>>
      %dma_start3A_29 = arith.constant 0 : i32
      %dma_start3A_30 = tpu.memref_slice %arg3[%add3A_26, %dma_start3A_29] : memref<2560x128xi32, #tpu.memory_space<hbm>> -> memref<1x128xi32, #tpu.memory_space<hbm>>
      %dma_start3A_31 = tpu.memref_squeeze %dma_start3A_30 : memref<1x128xi32, #tpu.memory_space<hbm>> -> memref<128xi32, #tpu.memory_space<hbm>>
      tpu.enqueue_dma source(%dma_start3A_31 : memref<128xi32, #tpu.memory_space<hbm>>) target(%arg9 : memref<128xi32, #tpu.memory_space<vmem>>) target_semaphore(%arg18 : memref<!tpu.dma_semaphore, #tpu.memory_space<semaphore_mem>>)
      %mul3A_32 = arith.constant 4 : i32
      %mul3A_33 = arith.muli %scan3A_21, %mul3A_32 : i32
      %add3A_34 = arith.addi %add3A, %mul3A_33 : i32
      %add3A_35 = arith.constant 1 : i32
      %add3A_36 = arith.addi %add3A_34, %add3A_35 : i32
      %dma_start3A_37 = arith.constant 0 : i32
      %dma_start3A_38 = tpu.memref_slice %arg3[%add3A_36, %dma_start3A_37] : memref<2560x128xi32, #tpu.memory_space<hbm>> -> memref<1x128xi32, #tpu.memory_space<hbm>>
      %dma_start3A_39 = tpu.memref_squeeze %dma_start3A_38 : memref<1x128xi32, #tpu.memory_space<hbm>> -> memref<128xi32, #tpu.memory_space<hbm>>
      %dma_start3A_40 = arith.constant 0 : i32
      %dma_start3A_41 = tpu.memref_slice %arg3[%add3A_36, %dma_start3A_40] : memref<2560x128xi32, #tpu.memory_space<hbm>> -> memref<1x128xi32, #tpu.memory_space<hbm>>
      %dma_start3A_42 = tpu.memref_squeeze %dma_start3A_41 : memref<1x128xi32, #tpu.memory_space<hbm>> -> memref<128xi32, #tpu.memory_space<hbm>>
      tpu.enqueue_dma source(%dma_start3A_42 : memref<128xi32, #tpu.memory_space<hbm>>) target(%arg10 : memref<128xi32, #tpu.memory_space<vmem>>) target_semaphore(%arg18 : memref<!tpu.dma_semaphore, #tpu.memory_space<semaphore_mem>>)
      %mul3A_43 = arith.constant 4 : i32
      %mul3A_44 = arith.muli %scan3A_21, %mul3A_43 : i32
      %add3A_45 = arith.addi %add3A, %mul3A_44 : i32
      %add3A_46 = arith.constant 2 : i32
      %add3A_47 = arith.addi %add3A_45, %add3A_46 : i32
      %dma_start3A_48 = arith.constant 0 : i32
      %dma_start3A_49 = tpu.memref_slice %arg3[%add3A_47, %dma_start3A_48] : memref<2560x128xi32, #tpu.memory_space<hbm>> -> memref<1x128xi32, #tpu.memory_space<hbm>>
      %dma_start3A_50 = tpu.memref_squeeze %dma_start3A_49 : memref<1x128xi32, #tpu.memory_space<hbm>> -> memref<128xi32, #tpu.memory_space<hbm>>
      %dma_start3A_51 = arith.constant 0 : i32
      %dma_start3A_52 = tpu.memref_slice %arg3[%add3A_47, %dma_start3A_51] : memref<2560x128xi32, #tpu.memory_space<hbm>> -> memref<1x128xi32, #tpu.memory_space<hbm>>
      %dma_start3A_53 = tpu.memref_squeeze %dma_start3A_52 : memref<1x128xi32, #tpu.memory_space<hbm>> -> memref<128xi32, #tpu.memory_space<hbm>>
      tpu.enqueue_dma source(%dma_start3A_53 : memref<128xi32, #tpu.memory_space<hbm>>) target(%arg11 : memref<128xi32, #tpu.memory_space<vmem>>) target_semaphore(%arg18 : memref<!tpu.dma_semaphore, #tpu.memory_space<semaphore_mem>>)
      %mul3A_54 = arith.constant 4 : i32
      %mul3A_55 = arith.muli %scan3A_21, %mul3A_54 : i32
      %add3A_56 = arith.addi %add3A, %mul3A_55 : i32
      %add3A_57 = arith.constant 3 : i32
      %add3A_58 = arith.addi %add3A_56, %add3A_57 : i32
      %dma_start3A_59 = arith.constant 0 : i32
      %dma_start3A_60 = tpu.memref_slice %arg3[%add3A_58, %dma_start3A_59] : memref<2560x128xi32, #tpu.memory_space<hbm>> -> memref<1x128xi32, #tpu.memory_space<hbm>>
      %dma_start3A_61 = tpu.memref_squeeze %dma_start3A_60 : memref<1x128xi32, #tpu.memory_space<hbm>> -> memref<128xi32, #tpu.memory_space<hbm>>
      %dma_start3A_62 = arith.constant 0 : i32
      %dma_start3A_63 = tpu.memref_slice %arg3[%add3A_58, %dma_start3A_62] : memref<2560x128xi32, #tpu.memory_space<hbm>> -> memref<1x128xi32, #tpu.memory_space<hbm>>
      %dma_start3A_64 = tpu.memref_squeeze %dma_start3A_63 : memref<1x128xi32, #tpu.memory_space<hbm>> -> memref<128xi32, #tpu.memory_space<hbm>>
      tpu.enqueue_dma source(%dma_start3A_64 : memref<128xi32, #tpu.memory_space<hbm>>) target(%arg12 : memref<128xi32, #tpu.memory_space<vmem>>) target_semaphore(%arg18 : memref<!tpu.dma_semaphore, #tpu.memory_space<semaphore_mem>>)
      %mul3A_65 = arith.constant 4 : i32
      %mul3A_66 = arith.muli %scan3A_21, %mul3A_65 : i32
      %add3A_67 = arith.addi %add3A, %mul3A_66 : i32
      %add3A_68 = arith.constant 0 : i32
      %add3A_69 = arith.addi %add3A_67, %add3A_68 : i32
      %dma_start3A_70 = arith.constant 0 : i32
      %dma_start3A_71 = tpu.memref_slice %arg4[%add3A_69, %dma_start3A_70] : memref<2560x128xi32, #tpu.memory_space<hbm>> -> memref<1x128xi32, #tpu.memory_space<hbm>>
      %dma_start3A_72 = tpu.memref_squeeze %dma_start3A_71 : memref<1x128xi32, #tpu.memory_space<hbm>> -> memref<128xi32, #tpu.memory_space<hbm>>
      %dma_start3A_73 = arith.constant 0 : i32
      %dma_start3A_74 = tpu.memref_slice %arg4[%add3A_69, %dma_start3A_73] : memref<2560x128xi32, #tpu.memory_space<hbm>> -> memref<1x128xi32, #tpu.memory_space<hbm>>
      %dma_start3A_75 = tpu.memref_squeeze %dma_start3A_74 : memref<1x128xi32, #tpu.memory_space<hbm>> -> memref<128xi32, #tpu.memory_space<hbm>>
      tpu.enqueue_dma source(%dma_start3A_75 : memref<128xi32, #tpu.memory_space<hbm>>) target(%arg13 : memref<128xi32, #tpu.memory_space<vmem>>) target_semaphore(%arg18 : memref<!tpu.dma_semaphore, #tpu.memory_space<semaphore_mem>>)
      %mul3A_76 = arith.constant 4 : i32
      %mul3A_77 = arith.muli %scan3A_21, %mul3A_76 : i32
      %add3A_78 = arith.addi %add3A, %mul3A_77 : i32
      %add3A_79 = arith.constant 1 : i32
      %add3A_80 = arith.addi %add3A_78, %add3A_79 : i32
      %dma_start3A_81 = arith.constant 0 : i32
      %dma_start3A_82 = tpu.memref_slice %arg4[%add3A_80, %dma_start3A_81] : memref<2560x128xi32, #tpu.memory_space<hbm>> -> memref<1x128xi32, #tpu.memory_space<hbm>>
      %dma_start3A_83 = tpu.memref_squeeze %dma_start3A_82 : memref<1x128xi32, #tpu.memory_space<hbm>> -> memref<128xi32, #tpu.memory_space<hbm>>
      %dma_start3A_84 = arith.constant 0 : i32
      %dma_start3A_85 = tpu.memref_slice %arg4[%add3A_80, %dma_start3A_84] : memref<2560x128xi32, #tpu.memory_space<hbm>> -> memref<1x128xi32, #tpu.memory_space<hbm>>
      %dma_start3A_86 = tpu.memref_squeeze %dma_start3A_85 : memref<1x128xi32, #tpu.memory_space<hbm>> -> memref<128xi32, #tpu.memory_space<hbm>>
      tpu.enqueue_dma source(%dma_start3A_86 : memref<128xi32, #tpu.memory_space<hbm>>) target(%arg14 : memref<128xi32, #tpu.memory_space<vmem>>) target_semaphore(%arg18 : memref<!tpu.dma_semaphore, #tpu.memory_space<semaphore_mem>>)
      %mul3A_87 = arith.constant 4 : i32
      %mul3A_88 = arith.muli %scan3A_21, %mul3A_87 : i32
      %add3A_89 = arith.addi %add3A, %mul3A_88 : i32
      %add3A_90 = arith.constant 2 : i32
      %add3A_91 = arith.addi %add3A_89, %add3A_90 : i32
      %dma_start3A_92 = arith.constant 0 : i32
      %dma_start3A_93 = tpu.memref_slice %arg4[%add3A_91, %dma_start3A_92] : memref<2560x128xi32, #tpu.memory_space<hbm>> -> memref<1x128xi32, #tpu.memory_space<hbm>>
      %dma_start3A_94 = tpu.memref_squeeze %dma_start3A_93 : memref<1x128xi32, #tpu.memory_space<hbm>> -> memref<128xi32, #tpu.memory_space<hbm>>
      %dma_start3A_95 = arith.constant 0 : i32
      %dma_start3A_96 = tpu.memref_slice %arg4[%add3A_91, %dma_start3A_95] : memref<2560x128xi32, #tpu.memory_space<hbm>> -> memref<1x128xi32, #tpu.memory_space<hbm>>
      %dma_start3A_97 = tpu.memref_squeeze %dma_start3A_96 : memref<1x128xi32, #tpu.memory_space<hbm>> -> memref<128xi32, #tpu.memory_space<hbm>>
      tpu.enqueue_dma source(%dma_start3A_97 : memref<128xi32, #tpu.memory_space<hbm>>) target(%arg15 : memref<128xi32, #tpu.memory_space<vmem>>) target_semaphore(%arg18 : memref<!tpu.dma_semaphore, #tpu.memory_space<semaphore_mem>>)
      %mul3A_98 = arith.constant 4 : i32
      %mul3A_99 = arith.muli %scan3A_21, %mul3A_98 : i32
      %add3A_100 = arith.addi %add3A, %mul3A_99 : i32
      %add3A_101 = arith.constant 3 : i32
      %add3A_102 = arith.addi %add3A_100, %add3A_101 : i32
      %dma_start3A_103 = arith.constant 0 : i32
      %dma_start3A_104 = tpu.memref_slice %arg4[%add3A_102, %dma_start3A_103] : memref<2560x128xi32, #tpu.memory_space<hbm>> -> memref<1x128xi32, #tpu.memory_space<hbm>>
      %dma_start3A_105 = tpu.memref_squeeze %dma_start3A_104 : memref<1x128xi32, #tpu.memory_space<hbm>> -> memref<128xi32, #tpu.memory_space<hbm>>
      %dma_start3A_106 = arith.constant 0 : i32
      %dma_start3A_107 = tpu.memref_slice %arg4[%add3A_102, %dma_start3A_106] : memref<2560x128xi32, #tpu.memory_space<hbm>> -> memref<1x128xi32, #tpu.memory_space<hbm>>
      %dma_start3A_108 = tpu.memref_squeeze %dma_start3A_107 : memref<1x128xi32, #tpu.memory_space<hbm>> -> memref<128xi32, #tpu.memory_space<hbm>>
      tpu.enqueue_dma source(%dma_start3A_108 : memref<128xi32, #tpu.memory_space<hbm>>) target(%arg16 : memref<128xi32, #tpu.memory_space<vmem>>) target_semaphore(%arg18 : memref<!tpu.dma_semaphore, #tpu.memory_space<semaphore_mem>>)
      %dma_wait3A = arith.constant 0 : i32
      %dma_wait3A_109 = tpu.memref_slice %arg3[%add3A_26, %dma_wait3A] : memref<2560x128xi32, #tpu.memory_space<hbm>> -> memref<1x128xi32, #tpu.memory_space<hbm>>
      %dma_wait3A_110 = tpu.memref_squeeze %dma_wait3A_109 : memref<1x128xi32, #tpu.memory_space<hbm>> -> memref<128xi32, #tpu.memory_space<hbm>>
      %dma_wait3A_111 = arith.constant 0 : i32
      %dma_wait3A_112 = tpu.memref_slice %arg3[%add3A_26, %dma_wait3A_111] : memref<2560x128xi32, #tpu.memory_space<hbm>> -> memref<1x128xi32, #tpu.memory_space<hbm>>
      %dma_wait3A_113 = tpu.memref_squeeze %dma_wait3A_112 : memref<1x128xi32, #tpu.memory_space<hbm>> -> memref<128xi32, #tpu.memory_space<hbm>>
      tpu.wait_dma2 semaphore(%arg18 : memref<!tpu.dma_semaphore, #tpu.memory_space<semaphore_mem>>) src(%dma_wait3A_113 : memref<128xi32, #tpu.memory_space<hbm>>) dst(%arg9 : memref<128xi32, #tpu.memory_space<vmem>>)
      %dma_wait3A_114 = arith.constant 0 : i32
      %dma_wait3A_115 = tpu.memref_slice %arg3[%add3A_36, %dma_wait3A_114] : memref<2560x128xi32, #tpu.memory_space<hbm>> -> memref<1x128xi32, #tpu.memory_space<hbm>>
      %dma_wait3A_116 = tpu.memref_squeeze %dma_wait3A_115 : memref<1x128xi32, #tpu.memory_space<hbm>> -> memref<128xi32, #tpu.memory_space<hbm>>
      %dma_wait3A_117 = arith.constant 0 : i32
      %dma_wait3A_118 = tpu.memref_slice %arg3[%add3A_36, %dma_wait3A_117] : memref<2560x128xi32, #tpu.memory_space<hbm>> -> memref<1x128xi32, #tpu.memory_space<hbm>>
      %dma_wait3A_119 = tpu.memref_squeeze %dma_wait3A_118 : memref<1x128xi32, #tpu.memory_space<hbm>> -> memref<128xi32, #tpu.memory_space<hbm>>
      tpu.wait_dma2 semaphore(%arg18 : memref<!tpu.dma_semaphore, #tpu.memory_space<semaphore_mem>>) src(%dma_wait3A_119 : memref<128xi32, #tpu.memory_space<hbm>>) dst(%arg10 : memref<128xi32, #tpu.memory_space<vmem>>)
      %dma_wait3A_120 = arith.constant 0 : i32
      %dma_wait3A_121 = tpu.memref_slice %arg3[%add3A_47, %dma_wait3A_120] : memref<2560x128xi32, #tpu.memory_space<hbm>> -> memref<1x128xi32, #tpu.memory_space<hbm>>
      %dma_wait3A_122 = tpu.memref_squeeze %dma_wait3A_121 : memref<1x128xi32, #tpu.memory_space<hbm>> -> memref<128xi32, #tpu.memory_space<hbm>>
      %dma_wait3A_123 = arith.constant 0 : i32
      %dma_wait3A_124 = tpu.memref_slice %arg3[%add3A_47, %dma_wait3A_123] : memref<2560x128xi32, #tpu.memory_space<hbm>> -> memref<1x128xi32, #tpu.memory_space<hbm>>
      %dma_wait3A_125 = tpu.memref_squeeze %dma_wait3A_124 : memref<1x128xi32, #tpu.memory_space<hbm>> -> memref<128xi32, #tpu.memory_space<hbm>>
      tpu.wait_dma2 semaphore(%arg18 : memref<!tpu.dma_semaphore, #tpu.memory_space<semaphore_mem>>) src(%dma_wait3A_125 : memref<128xi32, #tpu.memory_space<hbm>>) dst(%arg11 : memref<128xi32, #tpu.memory_space<vmem>>)
      %dma_wait3A_126 = arith.constant 0 : i32
      %dma_wait3A_127 = tpu.memref_slice %arg3[%add3A_58, %dma_wait3A_126] : memref<2560x128xi32, #tpu.memory_space<hbm>> -> memref<1x128xi32, #tpu.memory_space<hbm>>
      %dma_wait3A_128 = tpu.memref_squeeze %dma_wait3A_127 : memref<1x128xi32, #tpu.memory_space<hbm>> -> memref<128xi32, #tpu.memory_space<hbm>>
      %dma_wait3A_129 = arith.constant 0 : i32
      %dma_wait3A_130 = tpu.memref_slice %arg3[%add3A_58, %dma_wait3A_129] : memref<2560x128xi32, #tpu.memory_space<hbm>> -> memref<1x128xi32, #tpu.memory_space<hbm>>
      %dma_wait3A_131 = tpu.memref_squeeze %dma_wait3A_130 : memref<1x128xi32, #tpu.memory_space<hbm>> -> memref<128xi32, #tpu.memory_space<hbm>>
      tpu.wait_dma2 semaphore(%arg18 : memref<!tpu.dma_semaphore, #tpu.memory_space<semaphore_mem>>) src(%dma_wait3A_131 : memref<128xi32, #tpu.memory_space<hbm>>) dst(%arg12 : memref<128xi32, #tpu.memory_space<vmem>>)
      %dma_wait3A_132 = arith.constant 0 : i32
      %dma_wait3A_133 = tpu.memref_slice %arg4[%add3A_69, %dma_wait3A_132] : memref<2560x128xi32, #tpu.memory_space<hbm>> -> memref<1x128xi32, #tpu.memory_space<hbm>>
      %dma_wait3A_134 = tpu.memref_squeeze %dma_wait3A_133 : memref<1x128xi32, #tpu.memory_space<hbm>> -> memref<128xi32, #tpu.memory_space<hbm>>
      %dma_wait3A_135 = arith.constant 0 : i32
      %dma_wait3A_136 = tpu.memref_slice %arg4[%add3A_69, %dma_wait3A_135] : memref<2560x128xi32, #tpu.memory_space<hbm>> -> memref<1x128xi32, #tpu.memory_space<hbm>>
      %dma_wait3A_137 = tpu.memref_squeeze %dma_wait3A_136 : memref<1x128xi32, #tpu.memory_space<hbm>> -> memref<128xi32, #tpu.memory_space<hbm>>
      tpu.wait_dma2 semaphore(%arg18 : memref<!tpu.dma_semaphore, #tpu.memory_space<semaphore_mem>>) src(%dma_wait3A_137 : memref<128xi32, #tpu.memory_space<hbm>>) dst(%arg13 : memref<128xi32, #tpu.memory_space<vmem>>)
      %dma_wait3A_138 = arith.constant 0 : i32
      %dma_wait3A_139 = tpu.memref_slice %arg4[%add3A_80, %dma_wait3A_138] : memref<2560x128xi32, #tpu.memory_space<hbm>> -> memref<1x128xi32, #tpu.memory_space<hbm>>
      %dma_wait3A_140 = tpu.memref_squeeze %dma_wait3A_139 : memref<1x128xi32, #tpu.memory_space<hbm>> -> memref<128xi32, #tpu.memory_space<hbm>>
      %dma_wait3A_141 = arith.constant 0 : i32
      %dma_wait3A_142 = tpu.memref_slice %arg4[%add3A_80, %dma_wait3A_141] : memref<2560x128xi32, #tpu.memory_space<hbm>> -> memref<1x128xi32, #tpu.memory_space<hbm>>
      %dma_wait3A_143 = tpu.memref_squeeze %dma_wait3A_142 : memref<1x128xi32, #tpu.memory_space<hbm>> -> memref<128xi32, #tpu.memory_space<hbm>>
      tpu.wait_dma2 semaphore(%arg18 : memref<!tpu.dma_semaphore, #tpu.memory_space<semaphore_mem>>) src(%dma_wait3A_143 : memref<128xi32, #tpu.memory_space<hbm>>) dst(%arg14 : memref<128xi32, #tpu.memory_space<vmem>>)
      %dma_wait3A_144 = arith.constant 0 : i32
      %dma_wait3A_145 = tpu.memref_slice %arg4[%add3A_91, %dma_wait3A_144] : memref<2560x128xi32, #tpu.memory_space<hbm>> -> memref<1x128xi32, #tpu.memory_space<hbm>>
      %dma_wait3A_146 = tpu.memref_squeeze %dma_wait3A_145 : memref<1x128xi32, #tpu.memory_space<hbm>> -> memref<128xi32, #tpu.memory_space<hbm>>
      %dma_wait3A_147 = arith.constant 0 : i32
      %dma_wait3A_148 = tpu.memref_slice %arg4[%add3A_91, %dma_wait3A_147] : memref<2560x128xi32, #tpu.memory_space<hbm>> -> memref<1x128xi32, #tpu.memory_space<hbm>>
      %dma_wait3A_149 = tpu.memref_squeeze %dma_wait3A_148 : memref<1x128xi32, #tpu.memory_space<hbm>> -> memref<128xi32, #tpu.memory_space<hbm>>
      tpu.wait_dma2 semaphore(%arg18 : memref<!tpu.dma_semaphore, #tpu.memory_space<semaphore_mem>>) src(%dma_wait3A_149 : memref<128xi32, #tpu.memory_space<hbm>>) dst(%arg15 : memref<128xi32, #tpu.memory_space<vmem>>)
      %dma_wait3A_150 = arith.constant 0 : i32
      %dma_wait3A_151 = tpu.memref_slice %arg4[%add3A_102, %dma_wait3A_150] : memref<2560x128xi32, #tpu.memory_space<hbm>> -> memref<1x128xi32, #tpu.memory_space<hbm>>
      %dma_wait3A_152 = tpu.memref_squeeze %dma_wait3A_151 : memref<1x128xi32, #tpu.memory_space<hbm>> -> memref<128xi32, #tpu.memory_space<hbm>>
      %dma_wait3A_153 = arith.constant 0 : i32
      %dma_wait3A_154 = tpu.memref_slice %arg4[%add3A_102, %dma_wait3A_153] : memref<2560x128xi32, #tpu.memory_space<hbm>> -> memref<1x128xi32, #tpu.memory_space<hbm>>
      %dma_wait3A_155 = tpu.memref_squeeze %dma_wait3A_154 : memref<1x128xi32, #tpu.memory_space<hbm>> -> memref<128xi32, #tpu.memory_space<hbm>>
      tpu.wait_dma2 semaphore(%arg18 : memref<!tpu.dma_semaphore, #tpu.memory_space<semaphore_mem>>) src(%dma_wait3A_155 : memref<128xi32, #tpu.memory_space<hbm>>) dst(%arg16 : memref<128xi32, #tpu.memory_space<vmem>>)
      %dma_start3A_156 = arith.constant 0 : i32
      %dma_start3A_157 = arith.constant 0 : i32
      %dma_start3A_158 = arith.constant 0 : i32
      %dma_start3A_159 = tpu.memref_slice %arg17[%dma_start3A_156, %dma_start3A_157, %dma_start3A_158] : memref<4x128x8xf32, #tpu.memory_space<vmem>> -> memref<1x128x8xf32, #tpu.memory_space<vmem>>
      %dma_start3A_160 = tpu.memref_squeeze %dma_start3A_159 : memref<1x128x8xf32, #tpu.memory_space<vmem>> -> memref<128x8xf32, #tpu.memory_space<vmem>>
      %dma_start3A_161 = arith.constant 0 : i32
      %dma_start3A_162 = arith.constant 0 : i32
      %dma_start3A_163 = tpu.memref_slice %arg7[%dma_start3A_161, %dma_start3A_162] : memref<10240x8xf32, #tpu.memory_space<vmem_shared>> -> memref<10240x8xf32, #tpu.memory_space<vmem_shared>>
      tpu.enqueue_indirect_dma source(%dma_start3A_163 : memref<10240x8xf32, #tpu.memory_space<vmem_shared>>) target(%dma_start3A_160 : memref<128x8xf32, #tpu.memory_space<vmem>>) offsets(%arg9 : memref<128xi32, #tpu.memory_space<vmem>>) semaphore(%arg19 : memref<!tpu.dma_semaphore, #tpu.memory_space<semaphore_mem>>)
      %dma_start3A_164 = arith.constant 1 : i32
      %dma_start3A_165 = arith.constant 0 : i32
      %dma_start3A_166 = arith.constant 0 : i32
      %dma_start3A_167 = tpu.memref_slice %arg17[%dma_start3A_164, %dma_start3A_165, %dma_start3A_166] : memref<4x128x8xf32, #tpu.memory_space<vmem>> -> memref<1x128x8xf32, #tpu.memory_space<vmem>>
      %dma_start3A_168 = tpu.memref_squeeze %dma_start3A_167 : memref<1x128x8xf32, #tpu.memory_space<vmem>> -> memref<128x8xf32, #tpu.memory_space<vmem>>
      %dma_start3A_169 = arith.constant 0 : i32
      %dma_start3A_170 = arith.constant 0 : i32
      %dma_start3A_171 = tpu.memref_slice %arg7[%dma_start3A_169, %dma_start3A_170] : memref<10240x8xf32, #tpu.memory_space<vmem_shared>> -> memref<10240x8xf32, #tpu.memory_space<vmem_shared>>
      tpu.enqueue_indirect_dma source(%dma_start3A_171 : memref<10240x8xf32, #tpu.memory_space<vmem_shared>>) target(%dma_start3A_168 : memref<128x8xf32, #tpu.memory_space<vmem>>) offsets(%arg10 : memref<128xi32, #tpu.memory_space<vmem>>) semaphore(%arg19 : memref<!tpu.dma_semaphore, #tpu.memory_space<semaphore_mem>>)
      %dma_start3A_172 = arith.constant 2 : i32
      %dma_start3A_173 = arith.constant 0 : i32
      %dma_start3A_174 = arith.constant 0 : i32
      %dma_start3A_175 = tpu.memref_slice %arg17[%dma_start3A_172, %dma_start3A_173, %dma_start3A_174] : memref<4x128x8xf32, #tpu.memory_space<vmem>> -> memref<1x128x8xf32, #tpu.memory_space<vmem>>
      %dma_start3A_176 = tpu.memref_squeeze %dma_start3A_175 : memref<1x128x8xf32, #tpu.memory_space<vmem>> -> memref<128x8xf32, #tpu.memory_space<vmem>>
      %dma_start3A_177 = arith.constant 0 : i32
      %dma_start3A_178 = arith.constant 0 : i32
      %dma_start3A_179 = tpu.memref_slice %arg7[%dma_start3A_177, %dma_start3A_178] : memref<10240x8xf32, #tpu.memory_space<vmem_shared>> -> memref<10240x8xf32, #tpu.memory_space<vmem_shared>>
      tpu.enqueue_indirect_dma source(%dma_start3A_179 : memref<10240x8xf32, #tpu.memory_space<vmem_shared>>) target(%dma_start3A_176 : memref<128x8xf32, #tpu.memory_space<vmem>>) offsets(%arg11 : memref<128xi32, #tpu.memory_space<vmem>>) semaphore(%arg19 : memref<!tpu.dma_semaphore, #tpu.memory_space<semaphore_mem>>)
      %dma_start3A_180 = arith.constant 3 : i32
      %dma_start3A_181 = arith.constant 0 : i32
      %dma_start3A_182 = arith.constant 0 : i32
      %dma_start3A_183 = tpu.memref_slice %arg17[%dma_start3A_180, %dma_start3A_181, %dma_start3A_182] : memref<4x128x8xf32, #tpu.memory_space<vmem>> -> memref<1x128x8xf32, #tpu.memory_space<vmem>>
      %dma_start3A_184 = tpu.memref_squeeze %dma_start3A_183 : memref<1x128x8xf32, #tpu.memory_space<vmem>> -> memref<128x8xf32, #tpu.memory_space<vmem>>
      %dma_start3A_185 = arith.constant 0 : i32
      %dma_start3A_186 = arith.constant 0 : i32
      %dma_start3A_187 = tpu.memref_slice %arg7[%dma_start3A_185, %dma_start3A_186] : memref<10240x8xf32, #tpu.memory_space<vmem_shared>> -> memref<10240x8xf32, #tpu.memory_space<vmem_shared>>
      tpu.enqueue_indirect_dma source(%dma_start3A_187 : memref<10240x8xf32, #tpu.memory_space<vmem_shared>>) target(%dma_start3A_184 : memref<128x8xf32, #tpu.memory_space<vmem>>) offsets(%arg12 : memref<128xi32, #tpu.memory_space<vmem>>) semaphore(%arg19 : memref<!tpu.dma_semaphore, #tpu.memory_space<semaphore_mem>>)
      %dma_wait3A_188 = arith.constant 0 : i32
      %dma_wait3A_189 = arith.constant 0 : i32
      %dma_wait3A_190 = arith.constant 0 : i32
      %dma_wait3A_191 = tpu.memref_slice %arg17[%dma_wait3A_188, %dma_wait3A_189, %dma_wait3A_190] : memref<4x128x8xf32, #tpu.memory_space<vmem>> -> memref<1x128x8xf32, #tpu.memory_space<vmem>>
      %dma_wait3A_192 = tpu.memref_squeeze %dma_wait3A_191 : memref<1x128x8xf32, #tpu.memory_space<vmem>> -> memref<128x8xf32, #tpu.memory_space<vmem>>
      %dma_wait3A_193 = arith.constant 0 : i32
      %dma_wait3A_194 = arith.constant 0 : i32
      %dma_wait3A_195 = tpu.memref_slice %arg7[%dma_wait3A_193, %dma_wait3A_194] : memref<10240x8xf32, #tpu.memory_space<vmem_shared>> -> memref<10240x8xf32, #tpu.memory_space<vmem_shared>>
      tpu.wait_indirect_dma semaphore(%arg19 : memref<!tpu.dma_semaphore, #tpu.memory_space<semaphore_mem>>) src(%dma_wait3A_195 : memref<10240x8xf32, #tpu.memory_space<vmem_shared>>) dst(%dma_wait3A_192 : memref<128x8xf32, #tpu.memory_space<vmem>>)
      %dma_wait3A_196 = arith.constant 1 : i32
      %dma_wait3A_197 = arith.constant 0 : i32
      %dma_wait3A_198 = arith.constant 0 : i32
      %dma_wait3A_199 = tpu.memref_slice %arg17[%dma_wait3A_196, %dma_wait3A_197, %dma_wait3A_198] : memref<4x128x8xf32, #tpu.memory_space<vmem>> -> memref<1x128x8xf32, #tpu.memory_space<vmem>>
      %dma_wait3A_200 = tpu.memref_squeeze %dma_wait3A_199 : memref<1x128x8xf32, #tpu.memory_space<vmem>> -> memref<128x8xf32, #tpu.memory_space<vmem>>
      %dma_wait3A_201 = arith.constant 0 : i32
      %dma_wait3A_202 = arith.constant 0 : i32
      %dma_wait3A_203 = tpu.memref_slice %arg7[%dma_wait3A_201, %dma_wait3A_202] : memref<10240x8xf32, #tpu.memory_space<vmem_shared>> -> memref<10240x8xf32, #tpu.memory_space<vmem_shared>>
      tpu.wait_indirect_dma semaphore(%arg19 : memref<!tpu.dma_semaphore, #tpu.memory_space<semaphore_mem>>) src(%dma_wait3A_203 : memref<10240x8xf32, #tpu.memory_space<vmem_shared>>) dst(%dma_wait3A_200 : memref<128x8xf32, #tpu.memory_space<vmem>>)
      %dma_wait3A_204 = arith.constant 2 : i32
      %dma_wait3A_205 = arith.constant 0 : i32
      %dma_wait3A_206 = arith.constant 0 : i32
      %dma_wait3A_207 = tpu.memref_slice %arg17[%dma_wait3A_204, %dma_wait3A_205, %dma_wait3A_206] : memref<4x128x8xf32, #tpu.memory_space<vmem>> -> memref<1x128x8xf32, #tpu.memory_space<vmem>>
      %dma_wait3A_208 = tpu.memref_squeeze %dma_wait3A_207 : memref<1x128x8xf32, #tpu.memory_space<vmem>> -> memref<128x8xf32, #tpu.memory_space<vmem>>
      %dma_wait3A_209 = arith.constant 0 : i32
      %dma_wait3A_210 = arith.constant 0 : i32
      %dma_wait3A_211 = tpu.memref_slice %arg7[%dma_wait3A_209, %dma_wait3A_210] : memref<10240x8xf32, #tpu.memory_space<vmem_shared>> -> memref<10240x8xf32, #tpu.memory_space<vmem_shared>>
      tpu.wait_indirect_dma semaphore(%arg19 : memref<!tpu.dma_semaphore, #tpu.memory_space<semaphore_mem>>) src(%dma_wait3A_211 : memref<10240x8xf32, #tpu.memory_space<vmem_shared>>) dst(%dma_wait3A_208 : memref<128x8xf32, #tpu.memory_space<vmem>>)
      %dma_wait3A_212 = arith.constant 3 : i32
      %dma_wait3A_213 = arith.constant 0 : i32
      %dma_wait3A_214 = arith.constant 0 : i32
      %dma_wait3A_215 = tpu.memref_slice %arg17[%dma_wait3A_212, %dma_wait3A_213, %dma_wait3A_214] : memref<4x128x8xf32, #tpu.memory_space<vmem>> -> memref<1x128x8xf32, #tpu.memory_space<vmem>>
      %dma_wait3A_216 = tpu.memref_squeeze %dma_wait3A_215 : memref<1x128x8xf32, #tpu.memory_space<vmem>> -> memref<128x8xf32, #tpu.memory_space<vmem>>
      %dma_wait3A_217 = arith.constant 0 : i32
      %dma_wait3A_218 = arith.constant 0 : i32
      %dma_wait3A_219 = tpu.memref_slice %arg7[%dma_wait3A_217, %dma_wait3A_218] : memref<10240x8xf32, #tpu.memory_space<vmem_shared>> -> memref<10240x8xf32, #tpu.memory_space<vmem_shared>>
      tpu.wait_indirect_dma semaphore(%arg19 : memref<!tpu.dma_semaphore, #tpu.memory_space<semaphore_mem>>) src(%dma_wait3A_219 : memref<10240x8xf32, #tpu.memory_space<vmem_shared>>) dst(%dma_wait3A_216 : memref<128x8xf32, #tpu.memory_space<vmem>>)
      %dma_start3A_220 = arith.constant 0 : i32
      %dma_start3A_221 = arith.constant 0 : i32
      %dma_start3A_222 = arith.constant 0 : i32
      %dma_start3A_223 = tpu.memref_slice %arg17[%dma_start3A_220, %dma_start3A_221, %dma_start3A_222] : memref<4x128x8xf32, #tpu.memory_space<vmem>> -> memref<1x128x8xf32, #tpu.memory_space<vmem>>
      %dma_start3A_224 = tpu.memref_squeeze %dma_start3A_223 : memref<1x128x8xf32, #tpu.memory_space<vmem>> -> memref<128x8xf32, #tpu.memory_space<vmem>>
      %dma_start3A_225 = arith.constant 0 : i32
      %dma_start3A_226 = arith.constant 0 : i32
      %dma_start3A_227 = tpu.memref_slice %arg8[%dma_start3A_225, %dma_start3A_226] : memref<10240x8xf32, #tpu.memory_space<vmem_shared>> -> memref<10240x8xf32, #tpu.memory_space<vmem_shared>>
      tpu.enqueue_indirect_dma source(%dma_start3A_224 : memref<128x8xf32, #tpu.memory_space<vmem>>) target(%dma_start3A_227 : memref<10240x8xf32, #tpu.memory_space<vmem_shared>>) offsets(%arg13 : memref<128xi32, #tpu.memory_space<vmem>>) semaphore(%arg20 : memref<!tpu.dma_semaphore, #tpu.memory_space<semaphore_mem>>) {add = true}
      %dma_start3A_228 = arith.constant 1 : i32
      %dma_start3A_229 = arith.constant 0 : i32
      %dma_start3A_230 = arith.constant 0 : i32
      %dma_start3A_231 = tpu.memref_slice %arg17[%dma_start3A_228, %dma_start3A_229, %dma_start3A_230] : memref<4x128x8xf32, #tpu.memory_space<vmem>> -> memref<1x128x8xf32, #tpu.memory_space<vmem>>
      %dma_start3A_232 = tpu.memref_squeeze %dma_start3A_231 : memref<1x128x8xf32, #tpu.memory_space<vmem>> -> memref<128x8xf32, #tpu.memory_space<vmem>>
      %dma_start3A_233 = arith.constant 0 : i32
      %dma_start3A_234 = arith.constant 0 : i32
      %dma_start3A_235 = tpu.memref_slice %arg8[%dma_start3A_233, %dma_start3A_234] : memref<10240x8xf32, #tpu.memory_space<vmem_shared>> -> memref<10240x8xf32, #tpu.memory_space<vmem_shared>>
      tpu.enqueue_indirect_dma source(%dma_start3A_232 : memref<128x8xf32, #tpu.memory_space<vmem>>) target(%dma_start3A_235 : memref<10240x8xf32, #tpu.memory_space<vmem_shared>>) offsets(%arg14 : memref<128xi32, #tpu.memory_space<vmem>>) semaphore(%arg20 : memref<!tpu.dma_semaphore, #tpu.memory_space<semaphore_mem>>) {add = true}
      %dma_start3A_236 = arith.constant 2 : i32
      %dma_start3A_237 = arith.constant 0 : i32
      %dma_start3A_238 = arith.constant 0 : i32
      %dma_start3A_239 = tpu.memref_slice %arg17[%dma_start3A_236, %dma_start3A_237, %dma_start3A_238] : memref<4x128x8xf32, #tpu.memory_space<vmem>> -> memref<1x128x8xf32, #tpu.memory_space<vmem>>
      %dma_start3A_240 = tpu.memref_squeeze %dma_start3A_239 : memref<1x128x8xf32, #tpu.memory_space<vmem>> -> memref<128x8xf32, #tpu.memory_space<vmem>>
      %dma_start3A_241 = arith.constant 0 : i32
      %dma_start3A_242 = arith.constant 0 : i32
      %dma_start3A_243 = tpu.memref_slice %arg8[%dma_start3A_241, %dma_start3A_242] : memref<10240x8xf32, #tpu.memory_space<vmem_shared>> -> memref<10240x8xf32, #tpu.memory_space<vmem_shared>>
      tpu.enqueue_indirect_dma source(%dma_start3A_240 : memref<128x8xf32, #tpu.memory_space<vmem>>) target(%dma_start3A_243 : memref<10240x8xf32, #tpu.memory_space<vmem_shared>>) offsets(%arg15 : memref<128xi32, #tpu.memory_space<vmem>>) semaphore(%arg20 : memref<!tpu.dma_semaphore, #tpu.memory_space<semaphore_mem>>) {add = true}
      %dma_start3A_244 = arith.constant 3 : i32
      %dma_start3A_245 = arith.constant 0 : i32
      %dma_start3A_246 = arith.constant 0 : i32
      %dma_start3A_247 = tpu.memref_slice %arg17[%dma_start3A_244, %dma_start3A_245, %dma_start3A_246] : memref<4x128x8xf32, #tpu.memory_space<vmem>> -> memref<1x128x8xf32, #tpu.memory_space<vmem>>
      %dma_start3A_248 = tpu.memref_squeeze %dma_start3A_247 : memref<1x128x8xf32, #tpu.memory_space<vmem>> -> memref<128x8xf32, #tpu.memory_space<vmem>>
      %dma_start3A_249 = arith.constant 0 : i32
      %dma_start3A_250 = arith.constant 0 : i32
      %dma_start3A_251 = tpu.memref_slice %arg8[%dma_start3A_249, %dma_start3A_250] : memref<10240x8xf32, #tpu.memory_space<vmem_shared>> -> memref<10240x8xf32, #tpu.memory_space<vmem_shared>>
      tpu.enqueue_indirect_dma source(%dma_start3A_248 : memref<128x8xf32, #tpu.memory_space<vmem>>) target(%dma_start3A_251 : memref<10240x8xf32, #tpu.memory_space<vmem_shared>>) offsets(%arg16 : memref<128xi32, #tpu.memory_space<vmem>>) semaphore(%arg20 : memref<!tpu.dma_semaphore, #tpu.memory_space<semaphore_mem>>) {add = true}
      %dma_wait3A_252 = arith.constant 0 : i32
      %dma_wait3A_253 = arith.constant 0 : i32
      %dma_wait3A_254 = arith.constant 0 : i32
      %dma_wait3A_255 = tpu.memref_slice %arg17[%dma_wait3A_252, %dma_wait3A_253, %dma_wait3A_254] : memref<4x128x8xf32, #tpu.memory_space<vmem>> -> memref<1x128x8xf32, #tpu.memory_space<vmem>>
      %dma_wait3A_256 = tpu.memref_squeeze %dma_wait3A_255 : memref<1x128x8xf32, #tpu.memory_space<vmem>> -> memref<128x8xf32, #tpu.memory_space<vmem>>
      %dma_wait3A_257 = arith.constant 0 : i32
      %dma_wait3A_258 = arith.constant 0 : i32
      %dma_wait3A_259 = tpu.memref_slice %arg8[%dma_wait3A_257, %dma_wait3A_258] : memref<10240x8xf32, #tpu.memory_space<vmem_shared>> -> memref<10240x8xf32, #tpu.memory_space<vmem_shared>>
      tpu.wait_indirect_dma semaphore(%arg20 : memref<!tpu.dma_semaphore, #tpu.memory_space<semaphore_mem>>) src(%dma_wait3A_256 : memref<128x8xf32, #tpu.memory_space<vmem>>) dst(%dma_wait3A_259 : memref<10240x8xf32, #tpu.memory_space<vmem_shared>>)
      %dma_wait3A_260 = arith.constant 1 : i32
      %dma_wait3A_261 = arith.constant 0 : i32
      %dma_wait3A_262 = arith.constant 0 : i32
      %dma_wait3A_263 = tpu.memref_slice %arg17[%dma_wait3A_260, %dma_wait3A_261, %dma_wait3A_262] : memref<4x128x8xf32, #tpu.memory_space<vmem>> -> memref<1x128x8xf32, #tpu.memory_space<vmem>>
      %dma_wait3A_264 = tpu.memref_squeeze %dma_wait3A_263 : memref<1x128x8xf32, #tpu.memory_space<vmem>> -> memref<128x8xf32, #tpu.memory_space<vmem>>
      %dma_wait3A_265 = arith.constant 0 : i32
      %dma_wait3A_266 = arith.constant 0 : i32
      %dma_wait3A_267 = tpu.memref_slice %arg8[%dma_wait3A_265, %dma_wait3A_266] : memref<10240x8xf32, #tpu.memory_space<vmem_shared>> -> memref<10240x8xf32, #tpu.memory_space<vmem_shared>>
      tpu.wait_indirect_dma semaphore(%arg20 : memref<!tpu.dma_semaphore, #tpu.memory_space<semaphore_mem>>) src(%dma_wait3A_264 : memref<128x8xf32, #tpu.memory_space<vmem>>) dst(%dma_wait3A_267 : memref<10240x8xf32, #tpu.memory_space<vmem_shared>>)
      %dma_wait3A_268 = arith.constant 2 : i32
      %dma_wait3A_269 = arith.constant 0 : i32
      %dma_wait3A_270 = arith.constant 0 : i32
      %dma_wait3A_271 = tpu.memref_slice %arg17[%dma_wait3A_268, %dma_wait3A_269, %dma_wait3A_270] : memref<4x128x8xf32, #tpu.memory_space<vmem>> -> memref<1x128x8xf32, #tpu.memory_space<vmem>>
      %dma_wait3A_272 = tpu.memref_squeeze %dma_wait3A_271 : memref<1x128x8xf32, #tpu.memory_space<vmem>> -> memref<128x8xf32, #tpu.memory_space<vmem>>
      %dma_wait3A_273 = arith.constant 0 : i32
      %dma_wait3A_274 = arith.constant 0 : i32
      %dma_wait3A_275 = tpu.memref_slice %arg8[%dma_wait3A_273, %dma_wait3A_274] : memref<10240x8xf32, #tpu.memory_space<vmem_shared>> -> memref<10240x8xf32, #tpu.memory_space<vmem_shared>>
      tpu.wait_indirect_dma semaphore(%arg20 : memref<!tpu.dma_semaphore, #tpu.memory_space<semaphore_mem>>) src(%dma_wait3A_272 : memref<128x8xf32, #tpu.memory_space<vmem>>) dst(%dma_wait3A_275 : memref<10240x8xf32, #tpu.memory_space<vmem_shared>>)
      %dma_wait3A_276 = arith.constant 3 : i32
      %dma_wait3A_277 = arith.constant 0 : i32
      %dma_wait3A_278 = arith.constant 0 : i32
      %dma_wait3A_279 = tpu.memref_slice %arg17[%dma_wait3A_276, %dma_wait3A_277, %dma_wait3A_278] : memref<4x128x8xf32, #tpu.memory_space<vmem>> -> memref<1x128x8xf32, #tpu.memory_space<vmem>>
      %dma_wait3A_280 = tpu.memref_squeeze %dma_wait3A_279 : memref<1x128x8xf32, #tpu.memory_space<vmem>> -> memref<128x8xf32, #tpu.memory_space<vmem>>
      %dma_wait3A_281 = arith.constant 0 : i32
      %dma_wait3A_282 = arith.constant 0 : i32
      %dma_wait3A_283 = tpu.memref_slice %arg8[%dma_wait3A_281, %dma_wait3A_282] : memref<10240x8xf32, #tpu.memory_space<vmem_shared>> -> memref<10240x8xf32, #tpu.memory_space<vmem_shared>>
      tpu.wait_indirect_dma semaphore(%arg20 : memref<!tpu.dma_semaphore, #tpu.memory_space<semaphore_mem>>) src(%dma_wait3A_280 : memref<128x8xf32, #tpu.memory_space<vmem>>) dst(%dma_wait3A_283 : memref<10240x8xf32, #tpu.memory_space<vmem_shared>>)
    }
    %scan3A_15 = arith.constant 20 : i32
    %barrier3A_16 = arith.constant 0 : index
    tpu.barrier barrier_id(%barrier3A_16)
    %mul3A_17 = arith.constant 640 : i32
    %mul3A_18 = arith.muli %arg1, %mul3A_17 : i32
    %mul3A_19 = arith.constant 640 : i32
    %mul3A_20 = arith.muli %arg1, %mul3A_19 : i32
    "tpu.region"() ({
      %run_scoped3A = tpu.sem_alloc : memref<!tpu.dma_semaphore, #tpu.memory_space<semaphore_mem>>
      %dma_start3A = arith.constant 0 : i32
      %dma_start3A_21 = tpu.memref_slice %arg6[%arg0, %mul3A_20, %dma_start3A] : memref<2x10240x8xf32, #tpu.memory_space<hbm>> -> memref<1x640x8xf32, #tpu.memory_space<hbm>>
      %dma_start3A_22 = tpu.memref_squeeze %dma_start3A_21 : memref<1x640x8xf32, #tpu.memory_space<hbm>> -> memref<640x8xf32, #tpu.memory_space<hbm>>
      %dma_start3A_23 = arith.constant 0 : i32
      %dma_start3A_24 = tpu.memref_slice %arg8[%mul3A_18, %dma_start3A_23] : memref<10240x8xf32, #tpu.memory_space<vmem_shared>> -> memref<640x8xf32, #tpu.memory_space<vmem_shared>>
      tpu.enqueue_dma source(%dma_start3A_24 : memref<640x8xf32, #tpu.memory_space<vmem_shared>>) target(%dma_start3A_22 : memref<640x8xf32, #tpu.memory_space<hbm>>) target_semaphore(%run_scoped3A : memref<!tpu.dma_semaphore, #tpu.memory_space<semaphore_mem>>)
      %dma_wait3A = arith.constant 0 : i32
      %dma_wait3A_25 = tpu.memref_slice %arg6[%arg0, %mul3A_20, %dma_wait3A] : memref<2x10240x8xf32, #tpu.memory_space<hbm>> -> memref<1x640x8xf32, #tpu.memory_space<hbm>>
      %dma_wait3A_26 = tpu.memref_squeeze %dma_wait3A_25 : memref<1x640x8xf32, #tpu.memory_space<hbm>> -> memref<640x8xf32, #tpu.memory_space<hbm>>
      %dma_wait3A_27 = arith.constant 0 : i32
      %dma_wait3A_28 = tpu.memref_slice %arg8[%mul3A_18, %dma_wait3A_27] : memref<10240x8xf32, #tpu.memory_space<vmem_shared>> -> memref<640x8xf32, #tpu.memory_space<vmem_shared>>
      tpu.wait_dma2 semaphore(%run_scoped3A : memref<!tpu.dma_semaphore, #tpu.memory_space<semaphore_mem>>) src(%dma_wait3A_28 : memref<640x8xf32, #tpu.memory_space<vmem_shared>>) dst(%dma_wait3A_26 : memref<640x8xf32, #tpu.memory_space<hbm>>)
      tpu.yield
    }) : () -> ()
    return
  }
}

module attributes {stable_mosaic.version = 14 : i64} {
  func.func @_mm_body(%arg0: i32, %arg1: memref<2048x128xf32, #tpu.memory_space<vmem>>, %arg2: memref<128x32xf32, #tpu.memory_space<vmem>>, %arg3: memref<2048x32xf32, #tpu.memory_space<vmem>>) attributes {dimension_semantics = [#tpu.dimension_semantics<arbitrary>], iteration_bounds = array<i64: 5>, scalar_prefetch = 0 : i64, scratch_operands = 0 : i64, tpu.core_type = #tpu.core_type<tc>, window_params = [{transform_indices = @transform_0, window_bounds = array<i64: 2048, 128>}, {pipeline_mode = #tpu.pipeline_mode<synchronous>, transform_indices = @transform_1, window_bounds = array<i64: 128, 32>}, {transform_indices = @transform_2, window_bounds = array<i64: 2048, 32>}]} {
    %get3A = arith.constant 0 : index
    %get3A_0 = arith.constant 0 : index
    %get3A_1 = vector.load %arg1[%get3A, %get3A_0] : memref<2048x128xf32, #tpu.memory_space<vmem>>, vector<2048x128xf32>
    %get3A_2 = arith.constant 0 : index
    %get3A_3 = arith.constant 0 : index
    %get3A_4 = vector.load %arg2[%get3A_2, %get3A_3] : memref<128x32xf32, #tpu.memory_space<vmem>>, vector<128x32xf32>
    %dot_general3A = arith.constant dense<0.000000e+00> : vector<2048x32xf32>
    %dot_general3A_5 = tpu.matmul %get3A_1, %get3A_4, %dot_general3A {dimension_numbers = #tpu.dot_dimension_numbers<[1], [0], [0], [1], [0, 0, 1, 1], [], []>, transpose_lhs_hint = false} : vector<2048x128xf32>, vector<128x32xf32>, vector<2048x32xf32> -> vector<2048x32xf32>
    %swap3A = arith.constant 0 : index
    %swap3A_6 = arith.constant 0 : index
    %swap3A_7 = vector.load %arg3[%swap3A, %swap3A_6] : memref<2048x32xf32, #tpu.memory_space<vmem>>, vector<2048x32xf32>
    tpu.vector_store %arg3[%swap3A, %swap3A_6], %dot_general3A_5 {strides = array<i32>} : memref<2048x32xf32, #tpu.memory_space<vmem>>, vector<2048x32xf32>,
    return
  }
  func.func @transform_0(%arg0: i32) -> (i32, i32) {
    %c0_i32 = arith.constant 0 : i32
    %c0_i32_0 = arith.constant 0 : i32
    return %arg0, %c0_i32 : i32, i32
  }
  func.func @transform_1(%arg0: i32) -> (i32, i32) {
    %c0_i32 = arith.constant 0 : i32
    %c0_i32_0 = arith.constant 0 : i32
    %c0_i32_1 = arith.constant 0 : i32
    return %c0_i32, %c0_i32_0 : i32, i32
  }
  func.func @transform_2(%arg0: i32) -> (i32, i32) {
    %c0_i32 = arith.constant 0 : i32
    %c0_i32_0 = arith.constant 0 : i32
    return %arg0, %c0_i32 : i32, i32
  }
}

module attributes {stable_mosaic.version = 14 : i64} {
  func.func @_k2_body(%arg0: memref<2x10240x1xf32, #tpu.memory_space<vmem>>, %arg1: memref<10240x32xf32, #tpu.memory_space<vmem>>, %arg2: memref<10240x32xf32, #tpu.memory_space<vmem>>, %arg3: memref<10240x1xi32, #tpu.memory_space<vmem>>, %arg4: memref<10240x1xf32, #tpu.memory_space<vmem>>, %arg5: memref<10240x32xf32, #tpu.memory_space<vmem>>) attributes {dimension_semantics = [], scalar_prefetch = 0 : i64, scratch_operands = 0 : i64, tpu.core_type = #tpu.core_type<tc>} {
    %get3A = arith.constant 0 : index
    %get3A_0 = arith.constant 0 : index
    %get3A_1 = arith.constant 0 : index
    %get3A_2 = vector.load %arg0[%get3A, %get3A_0, %get3A_1] : memref<2x10240x1xf32, #tpu.memory_space<vmem>>, vector<1x10240x1xf32>
    %get3A_3 = vector.shape_cast %get3A_2 : vector<1x10240x1xf32> to vector<10240x1xf32>
    %get3A_4 = arith.constant 1 : index
    %get3A_5 = arith.constant 0 : index
    %get3A_6 = arith.constant 0 : index
    %get3A_7 = vector.load %arg0[%get3A_4, %get3A_5, %get3A_6] : memref<2x10240x1xf32, #tpu.memory_space<vmem>>, vector<1x10240x1xf32>
    %get3A_8 = vector.shape_cast %get3A_7 : vector<1x10240x1xf32> to vector<10240x1xf32>
    %add3A = arith.addf %get3A_3, %get3A_8 : vector<10240x1xf32>
    %add3A_9 = arith.constant 1.000000e+00 : f32
    %add3A_10 = vector.broadcast %add3A_9 : f32 to vector<10240x1xf32>
    %add3A_11 = arith.addf %add3A, %add3A_10 : vector<10240x1xf32>
    %rsqrt3A = math.rsqrt %add3A_11 : vector<10240x1xf32>
    %swap3A = arith.constant 0 : index
    %swap3A_12 = arith.constant 0 : index
    %swap3A_13 = vector.load %arg4[%swap3A, %swap3A_12] : memref<10240x1xf32, #tpu.memory_space<vmem>>, vector<10240x1xf32>
    tpu.vector_store %arg4[%swap3A, %swap3A_12], %rsqrt3A {strides = array<i32>} : memref<10240x1xf32, #tpu.memory_space<vmem>>, vector<10240x1xf32>,
    %get3A_14 = arith.constant 10000 : index
    %get3A_15 = arith.constant 0 : index
    %get3A_16 = vector.load %arg2[%get3A_14, %get3A_15] : memref<10240x32xf32, #tpu.memory_space<vmem>>, vector<1x32xf32>
    %get3A_17 = vector.shape_cast %get3A_16 : vector<1x32xf32> to vector<32xf32>
    %get3A_18 = arith.constant 10001 : index
    %get3A_19 = arith.constant 0 : index
    %get3A_20 = vector.load %arg2[%get3A_18, %get3A_19] : memref<10240x32xf32, #tpu.memory_space<vmem>>, vector<1x32xf32>
    %get3A_21 = vector.shape_cast %get3A_20 : vector<1x32xf32> to vector<32xf32>
    %get3A_22 = arith.constant 0 : index
    %get3A_23 = arith.constant 0 : index
    %get3A_24 = vector.load %arg3[%get3A_22, %get3A_23] : memref<10240x1xi32, #tpu.memory_space<vmem>>, vector<10240x1xi32>
    %eq3A = arith.constant 1 : i32
    %eq3A_25 = vector.broadcast %eq3A : i32 to vector<10240x1xi32>
    %eq3A_26 = arith.cmpi eq, %get3A_24, %eq3A_25 : vector<10240x1xi32>
    %broadcast_in_dim3A = vector.shape_cast %get3A_21 : vector<32xf32> to vector<1x32xf32>
    %broadcast_in_dim3A_27 = vector.shape_cast %get3A_17 : vector<32xf32> to vector<1x32xf32>
    %broadcast_in_dim3A_28 = vector.shape_cast %eq3A_26 : vector<10240x1xi1> to vector<10240x1xi1>
    %broadcast_in_dim3A_29 = vector.broadcast %broadcast_in_dim3A_28 : vector<10240x1xi1> to vector<10240x32xi1>
    %broadcast_in_dim3A_30 = vector.shape_cast %broadcast_in_dim3A : vector<1x32xf32> to vector<1x32xf32>
    %broadcast_in_dim3A_31 = vector.broadcast %broadcast_in_dim3A_30 : vector<1x32xf32> to vector<10240x32xf32>
    %broadcast_in_dim3A_32 = vector.shape_cast %broadcast_in_dim3A_27 : vector<1x32xf32> to vector<1x32xf32>
    %broadcast_in_dim3A_33 = vector.broadcast %broadcast_in_dim3A_32 : vector<1x32xf32> to vector<10240x32xf32>
    %select_n3A = arith.select %broadcast_in_dim3A_29, %broadcast_in_dim3A_31, %broadcast_in_dim3A_33 : vector<10240x32xi1>, vector<10240x32xf32>
    %get3A_34 = arith.constant 0 : index
    %get3A_35 = arith.constant 0 : index
    %get3A_36 = vector.load %arg1[%get3A_34, %get3A_35] : memref<10240x32xf32, #tpu.memory_space<vmem>>, vector<10240x32xf32>
    %add3A_37 = arith.addf %get3A_36, %select_n3A : vector<10240x32xf32>
    %mul3A = vector.broadcast %rsqrt3A : vector<10240x1xf32> to vector<10240x32xf32>
    %mul3A_38 = arith.mulf %add3A_37, %mul3A : vector<10240x32xf32>
    %swap3A_39 = arith.constant 0 : index
    %swap3A_40 = arith.constant 0 : index
    %swap3A_41 = vector.load %arg5[%swap3A_39, %swap3A_40] : memref<10240x32xf32, #tpu.memory_space<vmem>>, vector<10240x32xf32>
    tpu.vector_store %arg5[%swap3A_39, %swap3A_40], %mul3A_38 {strides = array<i32>} : memref<10240x32xf32, #tpu.memory_space<vmem>>, vector<10240x32xf32>,
    return
  }
}

module attributes {stable_mosaic.version = 14 : i64} {
  func.func @_k3_body(%arg0: memref<2x10240x32xf32, #tpu.memory_space<vmem>>, %arg1: memref<10240x32xf32, #tpu.memory_space<vmem>>, %arg2: memref<10240x1xf32, #tpu.memory_space<vmem>>, %arg3: memref<1x32xf32, #tpu.memory_space<vmem>>, %arg4: memref<32x8xf32, #tpu.memory_space<vmem>>, %arg5: memref<10240x8xf32, #tpu.memory_space<vmem>>) attributes {dimension_semantics = [], scalar_prefetch = 0 : i64, scratch_operands = 0 : i64, tpu.core_type = #tpu.core_type<tc>} {
    %get3A = arith.constant 0 : index
    %get3A_0 = arith.constant 0 : index
    %get3A_1 = vector.load %arg2[%get3A, %get3A_0] : memref<10240x1xf32, #tpu.memory_space<vmem>>, vector<10240x1xf32>
    %get3A_2 = arith.constant 0 : index
    %get3A_3 = arith.constant 0 : index
    %get3A_4 = arith.constant 0 : index
    %get3A_5 = vector.load %arg0[%get3A_2, %get3A_3, %get3A_4] : memref<2x10240x32xf32, #tpu.memory_space<vmem>>, vector<1x10240x32xf32>
    %get3A_6 = vector.shape_cast %get3A_5 : vector<1x10240x32xf32> to vector<10240x32xf32>
    %get3A_7 = arith.constant 1 : index
    %get3A_8 = arith.constant 0 : index
    %get3A_9 = arith.constant 0 : index
    %get3A_10 = vector.load %arg0[%get3A_7, %get3A_8, %get3A_9] : memref<2x10240x32xf32, #tpu.memory_space<vmem>>, vector<1x10240x32xf32>
    %get3A_11 = vector.shape_cast %get3A_10 : vector<1x10240x32xf32> to vector<10240x32xf32>
    %add3A = arith.addf %get3A_6, %get3A_11 : vector<10240x32xf32>
    %get3A_12 = arith.constant 0 : index
    %get3A_13 = arith.constant 0 : index
    %get3A_14 = vector.load %arg1[%get3A_12, %get3A_13] : memref<10240x32xf32, #tpu.memory_space<vmem>>, vector<10240x32xf32>
    %add3A_15 = arith.addf %add3A, %get3A_14 : vector<10240x32xf32>
    %mul3A = vector.broadcast %get3A_1 : vector<10240x1xf32> to vector<10240x32xf32>
    %mul3A_16 = arith.mulf %mul3A, %add3A_15 : vector<10240x32xf32>
    %get3A_17 = arith.constant 0 : index
    %get3A_18 = arith.constant 0 : index
    %get3A_19 = vector.load %arg3[%get3A_17, %get3A_18] : memref<1x32xf32, #tpu.memory_space<vmem>>, vector<1x32xf32>
    %add3A_20 = vector.broadcast %get3A_19 : vector<1x32xf32> to vector<10240x32xf32>
    %add3A_21 = arith.addf %mul3A_16, %add3A_20 : vector<10240x32xf32>
    %max3A = arith.constant 0.000000e+00 : f32
    %max3A_22 = vector.broadcast %max3A : f32 to vector<10240x32xf32>
    %max3A_23 = arith.maximumf %add3A_21, %max3A_22 : vector<10240x32xf32>
    %get3A_24 = arith.constant 0 : index
    %get3A_25 = arith.constant 0 : index
    %get3A_26 = vector.load %arg4[%get3A_24, %get3A_25] : memref<32x8xf32, #tpu.memory_space<vmem>>, vector<32x8xf32>
    %dot_general3A = arith.constant dense<0.000000e+00> : vector<10240x8xf32>
    %dot_general3A_27 = tpu.matmul %max3A_23, %get3A_26, %dot_general3A {dimension_numbers = #tpu.dot_dimension_numbers<[1], [0], [0], [1], [0, 0, 1, 1], [], []>, transpose_lhs_hint = false} : vector<10240x32xf32>, vector<32x8xf32>, vector<10240x8xf32> -> vector<10240x8xf32>
    %mul3A_28 = vector.broadcast %get3A_1 : vector<10240x1xf32> to vector<10240x8xf32>
    %mul3A_29 = arith.mulf %dot_general3A_27, %mul3A_28 : vector<10240x8xf32>
    %swap3A = arith.constant 0 : index
    %swap3A_30 = arith.constant 0 : index
    %swap3A_31 = vector.load %arg5[%swap3A, %swap3A_30] : memref<10240x8xf32, #tpu.memory_space<vmem>>, vector<10240x8xf32>
    tpu.vector_store %arg5[%swap3A, %swap3A_30], %mul3A_29 {strides = array<i32>} : memref<10240x8xf32, #tpu.memory_space<vmem>>, vector<10240x8xf32>,
    return
  }
}

module attributes {stable_mosaic.version = 14 : i64} {
  func.func @_k4_body(%arg0: memref<2x10240x8xf32, #tpu.memory_space<vmem>>, %arg1: memref<10240x8xf32, #tpu.memory_space<vmem>>, %arg2: memref<10240x1xf32, #tpu.memory_space<vmem>>, %arg3: memref<1x8xf32, #tpu.memory_space<vmem>>, %arg4: memref<10240x8xf32, #tpu.memory_space<vmem>>) attributes {dimension_semantics = [], scalar_prefetch = 0 : i64, scratch_operands = 0 : i64, tpu.core_type = #tpu.core_type<tc>} {
    %get3A = arith.constant 0 : index
    %get3A_0 = arith.constant 0 : index
    %get3A_1 = vector.load %arg2[%get3A, %get3A_0] : memref<10240x1xf32, #tpu.memory_space<vmem>>, vector<10240x1xf32>
    %get3A_2 = arith.constant 0 : index
    %get3A_3 = arith.constant 0 : index
    %get3A_4 = arith.constant 0 : index
    %get3A_5 = vector.load %arg0[%get3A_2, %get3A_3, %get3A_4] : memref<2x10240x8xf32, #tpu.memory_space<vmem>>, vector<1x10240x8xf32>
    %get3A_6 = vector.shape_cast %get3A_5 : vector<1x10240x8xf32> to vector<10240x8xf32>
    %get3A_7 = arith.constant 1 : index
    %get3A_8 = arith.constant 0 : index
    %get3A_9 = arith.constant 0 : index
    %get3A_10 = vector.load %arg0[%get3A_7, %get3A_8, %get3A_9] : memref<2x10240x8xf32, #tpu.memory_space<vmem>>, vector<1x10240x8xf32>
    %get3A_11 = vector.shape_cast %get3A_10 : vector<1x10240x8xf32> to vector<10240x8xf32>
    %add3A = arith.addf %get3A_6, %get3A_11 : vector<10240x8xf32>
    %get3A_12 = arith.constant 0 : index
    %get3A_13 = arith.constant 0 : index
    %get3A_14 = vector.load %arg1[%get3A_12, %get3A_13] : memref<10240x8xf32, #tpu.memory_space<vmem>>, vector<10240x8xf32>
    %add3A_15 = arith.addf %add3A, %get3A_14 : vector<10240x8xf32>
    %mul3A = vector.broadcast %get3A_1 : vector<10240x1xf32> to vector<10240x8xf32>
    %mul3A_16 = arith.mulf %mul3A, %add3A_15 : vector<10240x8xf32>
    %get3A_17 = arith.constant 0 : index
    %get3A_18 = arith.constant 0 : index
    %get3A_19 = vector.load %arg3[%get3A_17, %get3A_18] : memref<1x8xf32, #tpu.memory_space<vmem>>, vector<1x8xf32>
    %add3A_20 = vector.broadcast %get3A_19 : vector<1x8xf32> to vector<10240x8xf32>
    %add3A_21 = arith.addf %mul3A_16, %add3A_20 : vector<10240x8xf32>
    %swap3A = arith.constant 0 : index
    %swap3A_22 = arith.constant 0 : index
    %swap3A_23 = vector.load %arg4[%swap3A, %swap3A_22] : memref<10240x8xf32, #tpu.memory_space<vmem>>, vector<10240x8xf32>
    tpu.vector_store %arg4[%swap3A, %swap3A_22], %add3A_21 {strides = array<i32>} : memref<10240x8xf32, #tpu.memory_space<vmem>>, vector<10240x8xf32>,
    return
  }
}

</mosaic_0001>

<sc_bundles>
// kernel: kernel.12.cloned.1.call-start
scs
__scs_entry_jumppad:
0x0: {  	(pc) =	sbr.rel $0x88, $3  }
0x1: {  	(tag) =	ssettag $0x0;
	lr =	simm.s32 $0x1  }
0x2: {  	[smem:$0x3F99] =	sst lr;
	_ =	strace $0xD0000000  }
0x3: {  	_ = 	snop  }
0x4: {  	_ = 	snop  }
0x5: {  	_ = 	snop  }
0x6: {  	_ = 	snop  }
0x7: {  	_ = 	snop  }
__scs_overlays_trampoline_lowered:
0x8: {  	[smem:$0x3FA8] =	sst s0  }
0x9: {  	[smem:$0x3FA9] =	sst s1  }
0xa: {  	[smem:$0x3FAA] =	sst s2  }
0xb: {  	[smem:$0x3FAB] =	sst s3  }
0xc: {  	[smem:$0x3FAC] =	sst s4  }
0xd: {  	[smem:$0x3FAD] =	sst s5  }
0xe: {  	[smem:$0x3FAE] =	sst s6  }
0xf: {  	[smem:$0x3FAF] =	sst s7  }
0x10: {  	[smem:$0x3FB0] =	sst s8  }
0x11: {  	[smem:$0x3FB1] =	sst s9;
	s0 =	simm.s32 @!p0 $0x0  }
0x12: {  	s1 =	sld [smem:$0x3F97];
	s0 =	simm.s32 @p0 $0x1  }
0x13: {  	[smem:$0x3FB2] =	sst s0;
	s0 =	simm.s32 @!p1 $0x0  }
0x14: {  	s2 =	sld [smem:$0x3F96];
	s0 =	simm.s32 @p1 $0x1  }
0x15: {  	[smem:$0x3FB3] =	sst s0;
	s0 =	simm.s32 @!p2 $0x0  }
0x16: {  	s3 =	sld [smem:$0x3FDB];
	s0 =	simm.s32 @p2 $0x1  }
0x17: {  	s4 =	simm.s32 $0x1BF5;
	[smem:$0x3FB5] =	sst s0  }
0x18: {  	s0 =	sld [smem:$0x3F98];
	_ =	swait.ge [sflag:s4], $0x0  }
0x19: {  	s7 =	sld [smem:$0x3F99]  }
0x1a: {  	s8 =	sadd.s32 $0xFFFFE003, lr  }
0x1b: {  	s9 =	sadd.s32 $0xFFFFFEF7, lr;
	s5 =	simm.s32 $0xFFFFFFFF;
	p2 =	slt.u32 s8, $0xFFFFF086  }
0x1c: {  	p1 =	slt.u32 s9, $0xF7A;
	s5 =	simm.s32 @!p2 $0x0  }
0x1d: {  	s5 =	simm.s32 @p1 $0x1;
	p0 =	seq.s32 s7, s2  }
0x1e: {  	s7 =	smul.u32 @!p0 $0xF7A, s2;
	p2 =	seq.s32 @!p0 s5, $0x0  }
0x1f: {  	s9 =	smul.u32 $0xF7A, s1;
	s8 =	simm.s32 @!p0 $0x1BF5;
	p2 =	por !p2, p0  }
0x20: {  	[sflag:s8] =	ssyncset.s32 @!p0 $0xFFFFF086;
	s6 =	sadd.s32 @!p0 s3, s7;
	s7 =	simm.s32 @!p0 $0x108  }
0x21: {  	s3 =	sadd.s32 s3, s9;
	s6 =	sadd.s32 @!p0 $0x88, s6;
	s7 =	simm.s32 @p2 $0x1082  }
0x22: {  	[simem:s7], [sflag:s8] =	dma.local @!p0 [hbm:s6], $0xF7A  }
0x23: {  	s9 =	sor.u32 $0xD0000000, s2;
	s6 =	simm.s32 $0x108;
	_ =	swait.ge @!p0 [sflag:s8], $0x0  }
0x24: {  	s3 =	sadd.s32 $0x88, s3;
	s6 =	simm.s32 @!p1 $0x1082;
	[sflag:s4] =	ssyncset.s32 $0xFFFFF086  }
0x25: {  	[simem:s6], [sflag:s4] =	dma.local [hbm:s3], $0xF7A  }
0x26: {  	[smem:$0x3F99] =	sst s1;
	(tag) =	ssettag s2;
	_ =	strace s9  }
0x27: {  	s1 =	sld [smem:$0x3FA9]  }
0x28: {  	s2 =	sld [smem:$0x3FAA]  }
0x29: {  	s4 =	sld [smem:$0x3FAC]  }
0x2a: {  	p0 =	seq.s32 s5, $0x0;
	s5 =	sld [smem:$0x3FAD]  }
0x2b: {  	s6 =	sld [smem:$0x3FAE]  }
0x2c: {  	s7 =	sld [smem:$0x3FAF]  }
0x2d: {  	s3 =	simm.s32 $0x108;
	s8 =	sld [smem:$0x3FB0]  }
0x2e: {  	s3 =	simm.s32 @!p0 $0x1082;
	s9 =	sld [smem:$0x3FB1]  }
0x2f: {  	lr =	sadd.s32 s0, s3;
	s0 =	sld [smem:$0x3FA8]  }
0x30: {  	s3 =	sld [smem:$0x3FAB]  }
0x31: {  	[smem:$0x3FB4] =	sst s10  }
0x32: {  	s10 =	sld [smem:$0x3FB2];
	_ =	sdelay $0x3  }
0x33: {  	p0 =	seq.s32 s10, $0x1;
	s10 =	sld [smem:$0x3FB4];
	_ =	sdelay $0x3  }
0x34: {  	[smem:$0x3FB4] =	sst s10  }
0x35: {  	s10 =	sld [smem:$0x3FB3];
	_ =	sdelay $0x3  }
0x36: {  	p1 =	seq.s32 s10, $0x1;
	s10 =	sld [smem:$0x3FB4];
	_ =	sdelay $0x3  }
0x37: {  	[smem:$0x3FB4] =	sst s10  }
0x38: {  	s10 =	sld [smem:$0x3FB5]  }
0x39: {  	_ = 	snop;
	(pc) =	sbr.ind lr, $3  }
0x3a: {  	_ = 	snop  }
0x3b: {  	_ = 	snop  }
0x3c: {  	p2 =	seq.s32 s10, $0x1;
	s10 =	sld [smem:$0x3FB4]  }
0x3d: {  	_ =	shalt  }
0x3e: {  	_ =	shalt  }
0x3f: {  	_ =	shalt  }
0x40: {  	_ =	shalt  }
0x41: {  	_ =	shalt  }
0x42: {  	_ =	shalt  }
0x43: {  	_ =	shalt  }
0x44: {  	_ =	shalt  }
0x45: {  	_ =	shalt  }
0x46: {  	_ =	shalt  }
0x47: {  	_ =	shalt  }
0x48: {  	_ =	shalt  }
0x49: {  	_ =	shalt  }
0x4a: {  	_ =	shalt  }
0x4b: {  	_ =	shalt  }
0x4c: {  	_ =	shalt  }
0x4d: {  	_ =	shalt  }
0x4e: {  	_ =	shalt  }
0x4f: {  	_ =	shalt  }
0x50: {  	_ =	shalt  }
0x51: {  	_ =	shalt  }
0x52: {  	_ =	shalt  }
0x53: {  	_ =	shalt  }
0x54: {  	_ =	shalt  }
0x55: {  	_ =	shalt  }
0x56: {  	_ =	shalt  }
0x57: {  	_ =	shalt  }
0x58: {  	_ =	shalt  }
0x59: {  	_ =	shalt  }
0x5a: {  	_ =	shalt  }
0x5b: {  	_ =	shalt  }
0x5c: {  	_ =	shalt  }
0x5d: {  	_ =	shalt  }
0x5e: {  	_ =	shalt  }
0x5f: {  	_ =	shalt  }
0x60: {  	_ =	shalt  }
0x61: {  	_ =	shalt  }
0x62: {  	_ =	shalt  }
0x63: {  	_ =	shalt  }
0x64: {  	_ =	shalt  }
0x65: {  	_ =	shalt  }
0x66: {  	_ =	shalt  }
0x67: {  	_ =	shalt  }
0x68: {  	_ =	shalt  }
0x69: {  	_ =	shalt  }
0x6a: {  	_ =	shalt  }
0x6b: {  	_ =	shalt  }
0x6c: {  	_ =	shalt  }
0x6d: {  	_ =	shalt  }
0x6e: {  	_ =	shalt  }
0x6f: {  	_ =	shalt  }
0x70: {  	_ =	shalt  }
0x71: {  	_ =	shalt  }
0x72: {  	_ =	shalt  }
0x73: {  	_ =	shalt  }
0x74: {  	_ =	shalt  }
0x75: {  	_ =	shalt  }
0x76: {  	_ =	shalt  }
0x77: {  	_ =	shalt  }
0x78: {  	_ =	shalt  }
0x79: {  	_ =	shalt  }
0x7a: {  	_ =	shalt  }
0x7b: {  	_ =	shalt  }
0x7c: {  	_ =	shalt  }
0x7d: {  	_ =	shalt  }
0x7e: {  	_ =	shalt  }
0x7f: {  	_ =	shalt  }
0x80: {  	_ =	shalt  }
0x81: {  	_ =	shalt  }
0x82: {  	_ =	shalt  }
0x83: {  	_ =	shalt  }
0x84: {  	_ =	shalt  }
0x85: {  	_ =	shalt  }
0x86: {  	_ =	shalt  }
0x87: {  	_ =	shalt  }
.Lfunc_end0:
.L_simem_size_0:
called_computation.1_lowered:
.L_overlay_start_0:
0x88: {  	s2 =	sld [smem:$0x3FD9]  }
0x89: {  	s3 =	sld [smem:$0x3FFE];
	_ =	sdelay $0x1  }
0x8a: {  	s1 =	srdreg.scid  }
0x8b: {  	s0 =	sand.u32 $0x1, s1  }
0x8c: {  	s16 =	sshll.u32 s0, $0xA;
	s2 =	sadd.s32 s3, s2  }
0x8d: {  	s2 =	sadd.s32 s2, s16  }
0x8e: {  	[smem:$0x3FC0] =	sst s2  }
0x8f: {  	_ = 	snop  }
0x90: {  	(tm) =	ssettm $0x1  }
0x91: {  	s17 =	sld [smem:$0x3FFB];
	_ =	sdelay $0x3  }
0x92: {  	_ =	strace s17  }
0x93: {  	s2 =	sld [smem:$0x3FFC];
	_ =	sdelay $0x3  }
0x94: {  	_ =	strace s2  }
0x95: {  	s2 =	sld [smem:$0x3FFD];
	_ =	sdelay $0x3  }
0x96: {  	_ =	strace s2  }
0x97: {  	_ =	strace $0x8FFFFFFF  }
0x98: {  	s18 =	sld [smem:$0x3FDB];
	_ =	sdelay $0x1  }
0x99: {  	s19 =	simm.s32 $_scs_section_size  }
0x9a: {  	s4 =	simm.s32 $_size__tile_overlayer_lowered;
	s5 =	simm.s32 $_tile_overlayer_lowered  }
0x9b: {  	s22 =	simm.s32 $0x1BFF;
	s21 =	sshll.u32 s5, $0x1;
	s2 =	sadd.s32 s19, s18  }
0x9c: {  	s6 =	simm.s32 $0x0;
	s20 =	sshll.u32 s4, $0x1;
	s4 =	sadd.s32 s21, s2  }
0x9d: {  	[timem:s6], [sflag:s22] =	dma.local [hbm:s4], s20  }
0x9e: {  	_ =	swait.ge [sflag:s22], s20  }
0x9f: {  	s3 =	ssub.s32 $0x0, s20;
	[sflag:s22] =	ssyncset.done $0x0  }
0xa0: {  	[sflag:s22] =	ssyncadd.s32 s3;
	_ =	sdelay $0x1  }
0xa1: {  	s23 =	simm.s32 $0x1B8B  }
0xa2: {  	_ =	swait.ge [sflag:s23], $0x1  }
0xa3: {  	[sflag:s23] =	ssyncset.done $0x0  }
0xa4: {  	s25 =	simm.s32 $0x1B8E;
	s24 =	sld [smem:$0x3FFE];
	[sflag:s23] =	ssyncadd.s32 $0xFFFFFFFF  }
0xa5: {  	s26 =	simm.s32 $execute0_lowered;
	[smem:$0x3FD2] =	sst s25  }
0xa6: {  	s4 =	sshll.u32 s26, $0x1;
	_ =	strace $0x80000049;
	[dreg:$0x1] =	wrdreg $0xFFFFFFFF  }
0xa7: {  	s28 =	simm.s32 $_size_execute0_lowered;
	s2 =	sadd.s32 s2, s4;
	[dreg:$0x0] =	wrdreg $0x0  }
0xa8: {  	s4 =	sshll.u32 s28, $0x1;
	[dreg:$0x2] =	wrdreg s2  }
0xa9: {  	[dreg:$0x3] =	wrdreg s4  }
0xaa: {  	[dreg:$0x4] =	wrdreg $0xC0  }
0xab: {  	_ =	task [dreg:s6], $0x5FFFF  }
0xac: {  	[dreg:$0x1] =	wrdreg $0xFFFFFFFF  }
0xad: {  	[dreg:$0x0] =	wrdreg $0x60  }
0xae: {  	[dreg:$0x2] =	wrdreg s24  }
0xaf: {  	[dreg:$0x3] =	wrdreg $0x0  }
0xb0: {  	[dreg:$0x4] =	wrdreg $0x50000  }
0xb1: {  	[dreg:$0x5] =	wrdreg $0x9  }
0xb2: {  	_ =	task.clear_ibuf [dreg:s6], $0x6FFFF;
	_ =	strace $0x90000049  }
0xb3: {  	s29 =	simm.s32 $0x9;
	_ =	strace $0x8000004B  }
0xb4: {  	_ =	swait.ge [sflag:s29], $0x1  }
0xb5: {  	[sflag:s29] =	ssyncadd.s32 $0xFFFFFFFF  }
0xb6: {  	_ =	strace $0x9000004B  }
0xb7: {  	_ =	sfence  }
0xb8: {  	s30 =	sld [smem:$0x0];
	_ =	sdelay $0x2  }
0xb9: {  	s31 =	sshll.u32 s1, $0xD;
	s1 =	sshrl.u32 s1, $0x2  }
0xba: {  	s3 =	sand.u32 $0x4000, s31;
	s1 =	sadd.s32 s1, s30  }
0xbb: {  	s0 =	sor.u32 s3, s0;
	s1 =	sshll.u32 s1, $0x11  }
0xbc: {  	s0 =	sor.u32 s1, s0  }
0xbd: {  	s0 =	sadd.s32 $0x8F2B, s0  }
0xbe: {  	[sflag:s0] =	ssyncadd.remote.s32 $0x1  }
0xbf: {  	_ =	sfence.sel $0xFFFF  }
0xc0: {  	[dreg:$0x0] =	wrdreg $0xFFFFFFFF;
	(pc) =	sbr.abs _section_cstart, $3  }
0xc1: {  	[dreg:$0x1] =	wrdreg $0xFFFFFFFF  }
0xc2: {  	_ =	task.clear_ibuf [dreg:s6], $0x2FFFF;
	_ =	strace $0x9FFFFFFF  }
0xc3: {  	(tm) =	ssettm $0x7FFFFFFF  }
tec
execute0_lowered:
.L_overlay_start_1:
0x0: {  	(tag) =	ssettag $0x1  }
0x1: {  	s0 =	rddreg [dreg:$0x0]  }
0x2: {  	s2 =	rddreg [dreg:$0x1]  }
0x3: {  	s3 =	rddreg [dreg:$0x2];
	s4 =	simm.s32 $0x0;
	s13 =	stileid.u32  }
0x4: {  	s1 =	srdreg.scid;
	s15 =	simm.s32 $0xA000;
	s16 =	simm.s32 $0xA080  }
0x5: {  	s17 =	simm.s32 $0xA100;
	s18 =	simm.s32 $0xA180;
	s19 =	simm.s32 $0xA200  }
0x6: {  	s20 =	simm.s32 $0xA280;
	s21 =	simm.s32 $0xA300;
	s28 =	simm.s32 $0x12400  }
0x7: {  	s29 =	simm.s32 $0x16400;
	s30 =	simm.s32 $0x2;
	s31 =	simm.s32 $0x3  }
0x8: {  	[smem:$0x7FF] =	sst s4;
	s7 =	smul.u32 $0x14000, s13;
	s1 =	sand.u32 $0x1, s1  }
0x9: {  	s5 =	sadd.s32 $0x2AC00, s0;
	s6 =	sadd.s32 $0x34C00, s0;
	s22 =	smul.u32 $0x500, s13  }
0xa: {  	s24 =	sshll.u32 s13, $0x6;
	s13 =	simm.s32 $0x4;
	s8 =	smul.u32 $0x140000, s1  }
0xb: {  	_ =	strace $0x8000004A;
	s10 =	ssub.s32 $0x2, s1;
	s1 =	smul.u32 $0x5000, s1  }
0xc: {  	s9 =	sshrl.u32 s7, $0x3;
	s11 =	sshrl.u32 s10, $0x1;
	s12 =	sadd.s32 s7, s2  }
0xd: {  	s9 =	sadd.s32 s9, s0;
	s8 =	sadd.s32 s7, s8;
	s11 =	ssub.s32 s10, s11  }
0xe: {  	s7 =	sadd.s32 s7, s3;
	s1 =	sadd.s32 s22, s1;
	s26 =	sshrl.u32 s12, $0x3  }
0xf: {  	s22 =	simm.s32 $0xA380;
	s8 =	sshrl.u32 s8, $0x3;
	[dreg:$0x4] =	wrdreg s1  }
0x10: {  	s23 =	sadd.s32 $0x2200, s9;
	s9 =	sadd.s32 $0x3EC00, s9;
	[dreg:$0x9] =	wrdreg s26  }
0x11: {  	s25 =	smax.u32 s11, $0x1;
	s26 =	simm.s32 $0xE400;
	[dreg:$0x5] =	wrdreg s23  }
0x12: {  	s0 =	sadd.s32 s8, s0;
	s8 =	sor.u32 $0x1C04, s24;
	[dreg:$0x6] =	wrdreg s9  }
0x13: {  	[dreg:$0x8] =	wrdreg s25;
	s9 =	sshrl.u32 s7, $0x3;
	s23 =	simm.s32 $0x1  }
0x14: {  	s24 =	simm.s32 $0x80;
	s0 =	sadd.s32 $0x66C00, s0;
	[dreg:$0xa] =	wrdreg s9  }
0x15: {  	s25 =	simm.s32 $0xA400;
	[dreg:$0x7] =	wrdreg s0;
	s0 =	simm.s32 $0x0  }
.LBB2_1:
0x16: {  	s1 =	rddreg [dreg:$0x5]  }
0x17: {  	s7 =	rddreg [dreg:$0x9]  }
0x18: {  	[spmem:s7], [sflag:s8] =	dma.local [hbm:s1], $0x2800  }
0x19: {  	_ =	swait.ge [sflag:s13], $0x2800  }
0x1a: {  	[sflag:s13] =	ssyncset.done $0x0  }
0x1b: {  	s7 =	rddreg [dreg:$0x6];
	[sflag:s13] =	ssyncadd.s32 $0xFFFFD800  }
0x1c: {  	[spmem:s9], [sflag:s8] =	dma.local [hbm:s7], $0x2800  }
0x1d: {  	_ =	swait.ge [sflag:s13], $0x2800  }
0x1e: {  	[sflag:s13] =	ssyncset.done $0x0  }
0x1f: {  	[sflag:s13] =	ssyncadd.s32 $0xFFFFD800  }
0x20: {  	[bflag:$0x0] =	sbarrier.arrive $0xFFFF  }
0x21: {  	s10 =	rddreg [dreg:$0x4]  }
0x22: {  	s1 =	sadd.s32 $0x0, s10  }
0x23: {  	s11 =	sand.u32 $0x40, s4;
	s1 =	sand.u32 $0x1FF80, s1  }
0x24: {  	s1 =	sor.u32 s11, s1  }
0x25: {  	s7 =	sadd.s32 s5, s1;
	s9 =	sor.u32 $0x10, s1  }
0x26: {  	[tilespmem:s15], [sflag:$0x1] =	stream.linear.gather [hbm4b:s7+s4], $0x80, $0x38;
	[tilespmem:$0x1A400] =	vst v63  }
0x27: {  	s12 =	sor.u32 $0x20, s1;
	s10 =	sadd.s32 s5, s9  }
0x28: {  	[tilespmem:s16], [sflag:$0x1] =	stream.linear.gather [hbm4b:s10+s4], $0x80, $0x38;
	[tilespmem:$0x1A400] =	vst v63  }
0x29: {  	s11 =	sadd.s32 s5, s12;
	s10 =	sor.u32 $0x30, s1  }
0x2a: {  	[tilespmem:s17], [sflag:$0x1] =	stream.linear.gather [hbm4b:s11+s4], $0x80, $0x38;
	[tilespmem:$0x1A400] =	vst v63  }
0x2b: {  	s14 =	sadd.s32 s5, s10  }
0x2c: {  	[tilespmem:s18], [sflag:$0x1] =	stream.linear.gather [hbm4b:s14+s4], $0x80, $0x38;
	[tilespmem:$0x1A400] =	vst v63  }
0x2d: {  	s1 =	sadd.s32 s6, s1  }
0x2e: {  	[tilespmem:s19], [sflag:$0x1] =	stream.linear.gather [hbm4b:s1+s4], $0x80, $0x38;
	[tilespmem:$0x1A400] =	vst v63  }
0x2f: {  	s11 =	sadd.s32 s6, s9  }
0x30: {  	[tilespmem:s20], [sflag:$0x1] =	stream.linear.gather [hbm4b:s11+s4], $0x80, $0x38;
	[tilespmem:$0x1A400] =	vst v63  }
0x31: {  	s12 =	sadd.s32 s6, s12  }
0x32: {  	[tilespmem:s21], [sflag:$0x1] =	stream.linear.gather [hbm4b:s12+s4], $0x80, $0x38;
	[tilespmem:$0x1A400] =	vst v63  }
0x33: {  	s14 =	sadd.s32 s6, s10  }
0x34: {  	[tilespmem:s22], [sflag:$0x1] =	stream.linear.gather [hbm4b:s14+s4], $0x80, $0x38;
	[tilespmem:$0x1A400] =	vst v63  }
0x35: {  	_ =	swait.ge [sflag:s23], $0x80  }
0x36: {  	[sflag:s23] =	ssyncset.done $0x0  }
0x37: {  	[sflag:s23] =	ssyncadd.s32 $0xFFFFFF80  }
0x38: {  	_ =	swait.ge [sflag:s23], $0x80  }
0x39: {  	[sflag:s23] =	ssyncset.done $0x0  }
0x3a: {  	[sflag:s23] =	ssyncadd.s32 $0xFFFFFF80  }
0x3b: {  	_ =	swait.ge [sflag:s23], $0x80  }
0x3c: {  	[sflag:s23] =	ssyncset.done $0x0  }
0x3d: {  	[sflag:s23] =	ssyncadd.s32 $0xFFFFFF80  }
0x3e: {  	_ =	swait.ge [sflag:s23], $0x80  }
0x3f: {  	[sflag:s23] =	ssyncset.done $0x0  }
0x40: {  	[sflag:s23] =	ssyncadd.s32 $0xFFFFFF80  }
0x41: {  	_ =	swait.ge [sflag:s23], $0x80  }
0x42: {  	[sflag:s23] =	ssyncset.done $0x0  }
0x43: {  	[sflag:s23] =	ssyncadd.s32 $0xFFFFFF80  }
0x44: {  	_ =	swait.ge [sflag:s23], $0x80  }
0x45: {  	[sflag:s23] =	ssyncset.done $0x0  }
0x46: {  	[sflag:s23] =	ssyncadd.s32 $0xFFFFFF80  }
0x47: {  	_ =	swait.ge [sflag:s23], $0x80  }
0x48: {  	[sflag:s23] =	ssyncset.done $0x0  }
0x49: {  	[sflag:s23] =	ssyncadd.s32 $0xFFFFFF80  }
0x4a: {  	_ =	swait.ge [sflag:s23], $0x80  }
0x4b: {  	[sflag:s23] =	ssyncset.done $0x0  }
0x4c: {  	[sflag:s23] =	ssyncadd.s32 $0xFFFFFF80  }
0x4d: {  	[tilespmem:s25], [sflag:$0x2] =	stream.indirect.gather [spmem:s2], $0x20, s15, s24, $0xb8;
	[tilespmem:$0x1A400] =	vst v63  }
0x4e: {  	_ = 	snop  }
0x4f: {  	[tilespmem:s26], [sflag:$0x2] =	stream.indirect.gather [spmem:s2], $0x20, s16, s24, $0xb8;
	[tilespmem:$0x1A400] =	vst v63  }
0x50: {  	_ = 	snop  }
0x51: {  	[tilespmem:s28], [sflag:$0x2] =	stream.indirect.gather [spmem:s2], $0x20, s17, s24, $0xb8;
	[tilespmem:$0x1A400] =	vst v63  }
0x52: {  	_ = 	snop  }
0x53: {  	[tilespmem:s29], [sflag:$0x2] =	stream.indirect.gather [spmem:s2], $0x20, s18, s24, $0xb8;
	[tilespmem:$0x1A400] =	vst v63  }
0x54: {  	_ =	swait.ge [sflag:s30], $0x1000  }
0x55: {  	[sflag:s30] =	ssyncset.done $0x0  }
0x56: {  	[sflag:s30] =	ssyncadd.s32 $0xFFFFF000  }
0x57: {  	_ =	swait.ge [sflag:s30], $0x1000  }
0x58: {  	[sflag:s30] =	ssyncset.done $0x0  }
0x59: {  	[sflag:s30] =	ssyncadd.s32 $0xFFFFF000  }
0x5a: {  	_ =	swait.ge [sflag:s30], $0x1000  }
0x5b: {  	[sflag:s30] =	ssyncset.done $0x0  }
0x5c: {  	[sflag:s30] =	ssyncadd.s32 $0xFFFFF000  }
0x5d: {  	_ =	swait.ge [sflag:s30], $0x1000  }
0x5e: {  	[sflag:s30] =	ssyncset.done $0x0  }
0x5f: {  	[sflag:s30] =	ssyncadd.s32 $0xFFFFF000  }
0x60: {  	[spmem:s3] =	stream.indirect.scatter.add.f32 [tilespmem:s25], [sflag:$0x3], $0x20, s19, s24, $0xb8;
	[tilespmem:$0x1A400] =	vst v63  }
0x61: {  	_ = 	snop  }
0x62: {  	[spmem:s3] =	stream.indirect.scatter.add.f32 [tilespmem:s26], [sflag:$0x3], $0x20, s20, s24, $0xb8;
	[tilespmem:$0x1A400] =	vst v63  }
0x63: {  	_ = 	snop  }
0x64: {  	[spmem:s3] =	stream.indirect.scatter.add.f32 [tilespmem:s28], [sflag:$0x3], $0x20, s21, s24, $0xb8;
	[tilespmem:$0x1A400] =	vst v63  }
0x65: {  	_ = 	snop  }
0x66: {  	[spmem:s3] =	stream.indirect.scatter.add.f32 [tilespmem:s29], [sflag:$0x3], $0x20, s22, s24, $0xb8;
	[tilespmem:$0x1A400] =	vst v63  }
0x67: {  	_ =	swait.ge [sflag:s31], $0x1000  }
0x68: {  	[sflag:s31] =	ssyncset.done $0x0  }
0x69: {  	[sflag:s31] =	ssyncadd.s32 $0xFFFFF000  }
0x6a: {  	_ =	swait.ge [sflag:s31], $0x1000  }
0x6b: {  	[sflag:s31] =	ssyncset.done $0x0  }
0x6c: {  	[sflag:s31] =	ssyncadd.s32 $0xFFFFF000  }
0x6d: {  	_ =	swait.ge [sflag:s31], $0x1000  }
0x6e: {  	[sflag:s31] =	ssyncset.done $0x0  }
0x6f: {  	[sflag:s31] =	ssyncadd.s32 $0xFFFFF000  }
0x70: {  	s7 =	simm.s32 $0x80;
	_ =	swait.ge [sflag:s31], $0x1000  }
0x71: {  	s1 =	simm.s32 $0x40;
	s9 =	rddreg [dreg:$0x4];
	[sflag:s31] =	ssyncset.done $0x0  }
.LBB2_2:
0x72: {  	s9 =	sadd.s32 s1, s9  }
0x73: {  	s11 =	sand.u32 $0x40, s1;
	s9 =	sand.u32 $0x1FF80, s9  }
0x74: {  	[sflag:s31] =	ssyncadd.s32 $0xFFFFF000;
	s9 =	sor.u32 s11, s9  }
0x75: {  	s10 =	smov.u32 s7;
	s14 =	sadd.s32 s5, s9;
	s11 =	sor.u32 $0x10, s9  }
0x76: {  	[tilespmem:s15], [sflag:$0x1] =	stream.linear.gather [hbm4b:s14+s4], $0x80, $0x38;
	[tilespmem:$0x1A400] =	vst v63  }
0x77: {  	s1 =	smov.u32 s10;
	s12 =	sor.u32 $0x20, s9;
	s10 =	sadd.s32 s5, s11  }
0x78: {  	[tilespmem:s16], [sflag:$0x1] =	stream.linear.gather [hbm4b:s10+s4], $0x80, $0x38;
	[tilespmem:$0x1A400] =	vst v63  }
0x79: {  	s14 =	sor.u32 $0x30, s9;
	s10 =	sadd.s32 s5, s12  }
0x7a: {  	[tilespmem:s17], [sflag:$0x1] =	stream.linear.gather [hbm4b:s10+s4], $0x80, $0x38;
	[tilespmem:$0x1A400] =	vst v63  }
0x7b: {  	s10 =	sadd.s32 s5, s14  }
0x7c: {  	[tilespmem:s18], [sflag:$0x1] =	stream.linear.gather [hbm4b:s10+s4], $0x80, $0x38;
	[tilespmem:$0x1A400] =	vst v63  }
0x7d: {  	s9 =	sadd.s32 s6, s9  }
0x7e: {  	[tilespmem:s19], [sflag:$0x1] =	stream.linear.gather [hbm4b:s9+s4], $0x80, $0x38;
	[tilespmem:$0x1A400] =	vst v63  }
0x7f: {  	s11 =	sadd.s32 s6, s11  }
0x80: {  	[tilespmem:s20], [sflag:$0x1] =	stream.linear.gather [hbm4b:s11+s4], $0x80, $0x38;
	[tilespmem:$0x1A400] =	vst v63  }
0x81: {  	s12 =	sadd.s32 s6, s12  }
0x82: {  	[tilespmem:s21], [sflag:$0x1] =	stream.linear.gather [hbm4b:s12+s4], $0x80, $0x38;
	[tilespmem:$0x1A400] =	vst v63  }
0x83: {  	s14 =	sadd.s32 s6, s14  }
0x84: {  	[tilespmem:s22], [sflag:$0x1] =	stream.linear.gather [hbm4b:s14+s4], $0x80, $0x38;
	[tilespmem:$0x1A400] =	vst v63  }
0x85: {  	_ =	swait.ge [sflag:s23], $0x80  }
0x86: {  	[sflag:s23] =	ssyncset.done $0x0  }
0x87: {  	[sflag:s23] =	ssyncadd.s32 $0xFFFFFF80  }
0x88: {  	_ =	swait.ge [sflag:s23], $0x80  }
0x89: {  	[sflag:s23] =	ssyncset.done $0x0  }
0x8a: {  	[sflag:s23] =	ssyncadd.s32 $0xFFFFFF80  }
0x8b: {  	_ =	swait.ge [sflag:s23], $0x80  }
0x8c: {  	[sflag:s23] =	ssyncset.done $0x0  }
0x8d: {  	[sflag:s23] =	ssyncadd.s32 $0xFFFFFF80  }
0x8e: {  	_ =	swait.ge [sflag:s23], $0x80  }
0x8f: {  	[sflag:s23] =	ssyncset.done $0x0  }
0x90: {  	[sflag:s23] =	ssyncadd.s32 $0xFFFFFF80  }
0x91: {  	_ =	swait.ge [sflag:s23], $0x80  }
0x92: {  	[sflag:s23] =	ssyncset.done $0x0  }
0x93: {  	[sflag:s23] =	ssyncadd.s32 $0xFFFFFF80  }
0x94: {  	_ =	swait.ge [sflag:s23], $0x80  }
0x95: {  	[sflag:s23] =	ssyncset.done $0x0  }
0x96: {  	[sflag:s23] =	ssyncadd.s32 $0xFFFFFF80  }
0x97: {  	_ =	swait.ge [sflag:s23], $0x80  }
0x98: {  	[sflag:s23] =	ssyncset.done $0x0  }
0x99: {  	[sflag:s23] =	ssyncadd.s32 $0xFFFFFF80  }
0x9a: {  	_ =	swait.ge [sflag:s23], $0x80  }
0x9b: {  	[sflag:s23] =	ssyncset.done $0x0  }
0x9c: {  	[sflag:s23] =	ssyncadd.s32 $0xFFFFFF80  }
0x9d: {  	[tilespmem:s25], [sflag:$0x2] =	stream.indirect.gather [spmem:s2], $0x20, s15, s24, $0xb8;
	[tilespmem:$0x1A400] =	vst v63  }
0x9e: {  	_ = 	snop  }
0x9f: {  	[tilespmem:s26], [sflag:$0x2] =	stream.indirect.gather [spmem:s2], $0x20, s16, s24, $0xb8;
	[tilespmem:$0x1A400] =	vst v63  }
0xa0: {  	_ = 	snop  }
0xa1: {  	[tilespmem:s28], [sflag:$0x2] =	stream.indirect.gather [spmem:s2], $0x20, s17, s24, $0xb8;
	[tilespmem:$0x1A400] =	vst v63  }
0xa2: {  	_ = 	snop  }
0xa3: {  	[tilespmem:s29], [sflag:$0x2] =	stream.indirect.gather [spmem:s2], $0x20, s18, s24, $0xb8;
	[tilespmem:$0x1A400] =	vst v63  }
0xa4: {  	_ =	swait.ge [sflag:s30], $0x1000  }
0xa5: {  	[sflag:s30] =	ssyncset.done $0x0  }
0xa6: {  	[sflag:s30] =	ssyncadd.s32 $0xFFFFF000  }
0xa7: {  	_ =	swait.ge [sflag:s30], $0x1000  }
0xa8: {  	[sflag:s30] =	ssyncset.done $0x0  }
0xa9: {  	[sflag:s30] =	ssyncadd.s32 $0xFFFFF000  }
0xaa: {  	_ =	swait.ge [sflag:s30], $0x1000  }
0xab: {  	[sflag:s30] =	ssyncset.done $0x0  }
0xac: {  	[sflag:s30] =	ssyncadd.s32 $0xFFFFF000  }
0xad: {  	_ =	swait.ge [sflag:s30], $0x1000  }
0xae: {  	[sflag:s30] =	ssyncset.done $0x0  }
0xaf: {  	[sflag:s30] =	ssyncadd.s32 $0xFFFFF000  }
0xb0: {  	[spmem:s3] =	stream.indirect.scatter.add.f32 [tilespmem:s25], [sflag:$0x3], $0x20, s19, s24, $0xb8;
	[tilespmem:$0x1A400] =	vst v63  }
0xb1: {  	_ = 	snop  }
0xb2: {  	[spmem:s3] =	stream.indirect.scatter.add.f32 [tilespmem:s26], [sflag:$0x3], $0x20, s20, s24, $0xb8;
	[tilespmem:$0x1A400] =	vst v63  }
0xb3: {  	_ = 	snop  }
0xb4: {  	[spmem:s3] =	stream.indirect.scatter.add.f32 [tilespmem:s28], [sflag:$0x3], $0x20, s21, s24, $0xb8;
	[tilespmem:$0x1A400] =	vst v63  }
0xb5: {  	_ = 	snop  }
0xb6: {  	[spmem:s3] =	stream.indirect.scatter.add.f32 [tilespmem:s29], [sflag:$0x3], $0x20, s22, s24, $0xb8;
	[tilespmem:$0x1A400] =	vst v63  }
0xb7: {  	_ =	swait.ge [sflag:s31], $0x1000  }
0xb8: {  	[sflag:s31] =	ssyncset.done $0x0  }
0xb9: {  	[sflag:s31] =	ssyncadd.s32 $0xFFFFF000  }
0xba: {  	_ =	swait.ge [sflag:s31], $0x1000  }
0xbb: {  	[sflag:s31] =	ssyncset.done $0x0  }
0xbc: {  	p0 =	sne.s32 s7, $0x4C0;
	[sflag:s31] =	ssyncadd.s32 $0xFFFFF000  }
.Ltmp0:
0xbd: {  	_ =	swait.ge [sflag:s31], $0x1000;
	(pc) =	sbr.rel @p0 .LBB2_2-.Ltmp0, $4  }
0xbe: {  	[sflag:s31] =	ssyncset.done $0x0  }
0xbf: {  	[sflag:s31] =	ssyncadd.s32 $0xFFFFF000  }
0xc0: {  	_ =	swait.ge [sflag:s31], $0x1000  }
0xc1: {  	s7 =	sadd.s32 $0x40, s7;
	s9 =	rddreg [dreg:$0x4];
	[sflag:s31] =	ssyncset.done $0x0  }
0xc2: {  	s7 =	sadd.s32 s1, s9  }
0xc3: {  	s12 =	sand.u32 $0x40, s1;
	s7 =	sand.u32 $0x1FF80, s7  }
0xc4: {  	s1 =	sor.u32 s12, s7  }
0xc5: {  	[sflag:s31] =	ssyncadd.s32 $0xFFFFF000;
	s7 =	sadd.s32 s5, s1;
	s14 =	sor.u32 $0x10, s1  }
0xc6: {  	[tilespmem:s15], [sflag:$0x1] =	stream.linear.gather [hbm4b:s7+s4], $0x80, $0x38;
	[tilespmem:$0x1A400] =	vst v63  }
0xc7: {  	s7 =	sor.u32 $0x20, s1;
	s10 =	sadd.s32 s5, s14  }
0xc8: {  	[tilespmem:s16], [sflag:$0x1] =	stream.linear.gather [hbm4b:s10+s4], $0x80, $0x38;
	[tilespmem:$0x1A400] =	vst v63  }
0xc9: {  	s11 =	sadd.s32 s5, s7;
	s10 =	sor.u32 $0x30, s1  }
0xca: {  	[tilespmem:s17], [sflag:$0x1] =	stream.linear.gather [hbm4b:s11+s4], $0x80, $0x38;
	[tilespmem:$0x1A400] =	vst v63  }
0xcb: {  	s12 =	sadd.s32 s5, s10  }
0xcc: {  	[tilespmem:s18], [sflag:$0x1] =	stream.linear.gather [hbm4b:s12+s4], $0x80, $0x38;
	[tilespmem:$0x1A400] =	vst v63  }
0xcd: {  	s1 =	sadd.s32 s6, s1  }
0xce: {  	[tilespmem:s19], [sflag:$0x1] =	stream.linear.gather [hbm4b:s1+s4], $0x80, $0x38;
	[tilespmem:$0x1A400] =	vst v63  }
0xcf: {  	s14 =	sadd.s32 s6, s14  }
0xd0: {  	[tilespmem:s20], [sflag:$0x1] =	stream.linear.gather [hbm4b:s14+s4], $0x80, $0x38;
	[tilespmem:$0x1A400] =	vst v63  }
0xd1: {  	s9 =	sadd.s32 s6, s7  }
0xd2: {  	[tilespmem:s21], [sflag:$0x1] =	stream.linear.gather [hbm4b:s9+s4], $0x80, $0x38;
	[tilespmem:$0x1A400] =	vst v63  }
0xd3: {  	s11 =	sadd.s32 s6, s10  }
0xd4: {  	[tilespmem:s22], [sflag:$0x1] =	stream.linear.gather [hbm4b:s11+s4], $0x80, $0x38;
	[tilespmem:$0x1A400] =	vst v63  }
0xd5: {  	_ =	swait.ge [sflag:s23], $0x80  }
0xd6: {  	[sflag:s23] =	ssyncset.done $0x0  }
0xd7: {  	[sflag:s23] =	ssyncadd.s32 $0xFFFFFF80  }
0xd8: {  	_ =	swait.ge [sflag:s23], $0x80  }
0xd9: {  	[sflag:s23] =	ssyncset.done $0x0  }
0xda: {  	[sflag:s23] =	ssyncadd.s32 $0xFFFFFF80  }
0xdb: {  	_ =	swait.ge [sflag:s23], $0x80  }
0xdc: {  	[sflag:s23] =	ssyncset.done $0x0  }
0xdd: {  	[sflag:s23] =	ssyncadd.s32 $0xFFFFFF80  }
0xde: {  	_ =	swait.ge [sflag:s23], $0x80  }
0xdf: {  	[sflag:s23] =	ssyncset.done $0x0  }
0xe0: {  	[sflag:s23] =	ssyncadd.s32 $0xFFFFFF80  }
0xe1: {  	_ =	swait.ge [sflag:s23], $0x80  }
0xe2: {  	[sflag:s23] =	ssyncset.done $0x0  }
0xe3: {  	[sflag:s23] =	ssyncadd.s32 $0xFFFFFF80  }
0xe4: {  	_ =	swait.ge [sflag:s23], $0x80  }
0xe5: {  	[sflag:s23] =	ssyncset.done $0x0  }
0xe6: {  	[sflag:s23] =	ssyncadd.s32 $0xFFFFFF80  }
0xe7: {  	_ =	swait.ge [sflag:s23], $0x80  }
0xe8: {  	[sflag:s23] =	ssyncset.done $0x0  }
0xe9: {  	[sflag:s23] =	ssyncadd.s32 $0xFFFFFF80  }
0xea: {  	_ =	swait.ge [sflag:s23], $0x80  }
0xeb: {  	[sflag:s23] =	ssyncset.done $0x0  }
0xec: {  	[sflag:s23] =	ssyncadd.s32 $0xFFFFFF80  }
0xed: {  	[tilespmem:s25], [sflag:$0x2] =	stream.indirect.gather [spmem:s2], $0x20, s15, s24, $0xb8;
	[tilespmem:$0x1A400] =	vst v63  }
0xee: {  	_ = 	snop  }
0xef: {  	[tilespmem:s26], [sflag:$0x2] =	stream.indirect.gather [spmem:s2], $0x20, s16, s24, $0xb8;
	[tilespmem:$0x1A400] =	vst v63  }
0xf0: {  	_ = 	snop  }
0xf1: {  	[tilespmem:s28], [sflag:$0x2] =	stream.indirect.gather [spmem:s2], $0x20, s17, s24, $0xb8;
	[tilespmem:$0x1A400] =	vst v63  }
0xf2: {  	_ = 	snop  }
0xf3: {  	[tilespmem:s29], [sflag:$0x2] =	stream.indirect.gather [spmem:s2], $0x20, s18, s24, $0xb8;
	[tilespmem:$0x1A400] =	vst v63  }
0xf4: {  	_ =	swait.ge [sflag:s30], $0x1000  }
0xf5: {  	[sflag:s30] =	ssyncset.done $0x0  }
0xf6: {  	[sflag:s30] =	ssyncadd.s32 $0xFFFFF000  }
0xf7: {  	_ =	swait.ge [sflag:s30], $0x1000  }
0xf8: {  	[sflag:s30] =	ssyncset.done $0x0  }
0xf9: {  	[sflag:s30] =	ssyncadd.s32 $0xFFFFF000  }
0xfa: {  	_ =	swait.ge [sflag:s30], $0x1000  }
0xfb: {  	[sflag:s30] =	ssyncset.done $0x0  }
0xfc: {  	[sflag:s30] =	ssyncadd.s32 $0xFFFFF000  }
0xfd: {  	_ =	swait.ge [sflag:s30], $0x1000  }
0xfe: {  	[sflag:s30] =	ssyncset.done $0x0  }
0xff: {  	[sflag:s30] =	ssyncadd.s32 $0xFFFFF000  }
0x100: {  	[spmem:s3] =	stream.indirect.scatter.add.f32 [tilespmem:s25], [sflag:$0x3], $0x20, s19, s24, $0xb8;
	[tilespmem:$0x1A400] =	vst v63  }
0x101: {  	_ = 	snop  }
0x102: {  	[spmem:s3] =	stream.indirect.scatter.add.f32 [tilespmem:s26], [sflag:$0x3], $0x20, s20, s24, $0xb8;
	[tilespmem:$0x1A400] =	vst v63  }
0x103: {  	_ = 	snop  }
0x104: {  	[spmem:s3] =	stream.indirect.scatter.add.f32 [tilespmem:s28], [sflag:$0x3], $0x20, s21, s24, $0xb8;
	[tilespmem:$0x1A400] =	vst v63  }
0x105: {  	_ = 	snop  }
0x106: {  	[spmem:s3] =	stream.indirect.scatter.add.f32 [tilespmem:s29], [sflag:$0x3], $0x20, s22, s24, $0xb8;
	[tilespmem:$0x1A400] =	vst v63  }
0x107: {  	_ =	swait.ge [sflag:s31], $0x1000  }
0x108: {  	[sflag:s31] =	ssyncset.done $0x0  }
0x109: {  	[sflag:s31] =	ssyncadd.s32 $0xFFFFF000  }
0x10a: {  	_ =	swait.ge [sflag:s31], $0x1000  }
0x10b: {  	[sflag:s31] =	ssyncset.done $0x0  }
0x10c: {  	[sflag:s31] =	ssyncadd.s32 $0xFFFFF000  }
0x10d: {  	_ =	swait.ge [sflag:s31], $0x1000  }
0x10e: {  	[sflag:s31] =	ssyncset.done $0x0  }
0x10f: {  	[sflag:s31] =	ssyncadd.s32 $0xFFFFF000  }
0x110: {  	_ =	swait.ge [sflag:s31], $0x1000  }
0x111: {  	[sflag:s31] =	ssyncset.done $0x0  }
0x112: {  	[sflag:s31] =	ssyncadd.s32 $0xFFFFF000  }
0x113: {  	[bflag:$0x0] =	sbarrier.arrive $0xFFFF  }
0x114: {  	s12 =	rddreg [dreg:$0x7]  }
0x115: {  	s9 =	rddreg [dreg:$0xa]  }
0x116: {  	[hbm:s12], [sflag:s8] =	dma.local [spmem:s9], $0x2800  }
0x117: {  	_ =	swait.ge [sflag:s13], $0x2800  }
0x118: {  	s0 =	sadd.s32 $0x1, s0;
	s14 =	rddreg [dreg:$0x8]  }
0x119: {  	p0 =	sne.s32 s0, s14  }
.Ltmp1:
0x11a: {  	_ = 	snop;
	(pc) =	sbr.rel @p0 .LBB2_1-.Ltmp1, $3  }
0x11b: {  	_ =	sdelay $0x1  }
0x11c: {  	[sflag:s13] =	ssyncset.done $0x0  }
0x11d: {  	[sflag:s13] =	ssyncadd.s32 $0xFFFFD800  }
0x11e: {  	_ =	sfence.sel $0x180000  }
0x11f: {  	[bflag:$0x0] =	sbarrier.arrive $0xFFFF  }
0x120: {  	_ =	strace $0x9000004A  }
0x121: {  	s0 =	stileid.u32;
	[bflag:$0x2] =	sbarrier.arrive $0xFFFF  }
0x122: {  	p0 =	sne.s32 s0, $0x0;
	s0 =	rddreg [dreg:$0x3]  }
0x123: {  	s0 =	sadd.s32 @!p0 $0x100000, s0  }
0x124: {  	[sflag:s0] =	ssyncadd.tile.s32 @!p0 $0x1;
	_ =	shalt  }
.Lfunc_end2:
_tile_overlayer_lowered:
.L_overlay_start_2:
0x125: {  	(tag) =	ssettag $0x2  }
0x126: {  	s0 =	rddreg [dreg:$0x0];
	s2 =	stileid.u32  }
0x127: {  	s1 =	rddreg [dreg:$0x1];
	p0 =	sne.s32 s2, $0x0  }
0x128: {  	s3 =	rddreg [dreg:$0x2];
	[bflag:$0x3] =	sbarrier.arrive $0xFFFF;
	s2 =	simm.s32 @!p0 $0x1C04  }
0x129: {  	[timem:s3], [sflag:s2] =	dma.local @!p0 [hbm:s0], s1  }
0x12a: {  	s0 =	simm.s32 @!p0 $0x4  }
0x12b: {  	_ =	swait.ge @!p0 [sflag:s0], s1  }
0x12c: {  	s1 =	ssub.s32 @!p0 $0x0, s1;
	[sflag:s0] =	ssyncset.done @!p0 $0x0  }
0x12d: {  	[sflag:s0] =	ssyncadd.s32 @!p0 s1  }
0x12e: {  	[bflag:$0x3] =	sbarrier.arrive $0xFFFF  }
0x12f: {  	_ =	shalt  }

// kernel: kernel.15.cloned.1.call-start
scs
__scs_entry_jumppad:
0x0: {  	(pc) =	sbr.rel $0x88, $3  }
0x1: {  	(tag) =	ssettag $0x0;
	lr =	simm.s32 $0x1  }
0x2: {  	[smem:$0x3F99] =	sst lr;
	_ =	strace $0xD0000000  }
0x3: {  	_ = 	snop  }
0x4: {  	_ = 	snop  }
0x5: {  	_ = 	snop  }
0x6: {  	_ = 	snop  }
0x7: {  	_ = 	snop  }
__scs_overlays_trampoline_lowered:
0x8: {  	[smem:$0x3FA8] =	sst s0  }
0x9: {  	[smem:$0x3FA9] =	sst s1  }
0xa: {  	[smem:$0x3FAA] =	sst s2  }
0xb: {  	[smem:$0x3FAB] =	sst s3  }
0xc: {  	[smem:$0x3FAC] =	sst s4  }
0xd: {  	[smem:$0x3FAD] =	sst s5  }
0xe: {  	[smem:$0x3FAE] =	sst s6  }
0xf: {  	[smem:$0x3FAF] =	sst s7  }
0x10: {  	[smem:$0x3FB0] =	sst s8  }
0x11: {  	[smem:$0x3FB1] =	sst s9;
	s0 =	simm.s32 @!p0 $0x0  }
0x12: {  	s1 =	sld [smem:$0x3F97];
	s0 =	simm.s32 @p0 $0x1  }
0x13: {  	[smem:$0x3FB2] =	sst s0;
	s0 =	simm.s32 @!p1 $0x0  }
0x14: {  	s2 =	sld [smem:$0x3F96];
	s0 =	simm.s32 @p1 $0x1  }
0x15: {  	[smem:$0x3FB3] =	sst s0;
	s0 =	simm.s32 @!p2 $0x0  }
0x16: {  	s3 =	sld [smem:$0x3FDB];
	s0 =	simm.s32 @p2 $0x1  }
0x17: {  	s4 =	simm.s32 $0x1BF5;
	[smem:$0x3FB5] =	sst s0  }
0x18: {  	s0 =	sld [smem:$0x3F98];
	_ =	swait.ge [sflag:s4], $0x0  }
0x19: {  	s7 =	sld [smem:$0x3F99]  }
0x1a: {  	s8 =	sadd.s32 $0xFFFFE003, lr  }
0x1b: {  	s9 =	sadd.s32 $0xFFFFFEF7, lr;
	s5 =	simm.s32 $0xFFFFFFFF;
	p2 =	slt.u32 s8, $0xFFFFF086  }
0x1c: {  	p1 =	slt.u32 s9, $0xF7A;
	s5 =	simm.s32 @!p2 $0x0  }
0x1d: {  	s5 =	simm.s32 @p1 $0x1;
	p0 =	seq.s32 s7, s2  }
0x1e: {  	s7 =	smul.u32 @!p0 $0xF7A, s2;
	p2 =	seq.s32 @!p0 s5, $0x0  }
0x1f: {  	s9 =	smul.u32 $0xF7A, s1;
	s8 =	simm.s32 @!p0 $0x1BF5;
	p2 =	por !p2, p0  }
0x20: {  	[sflag:s8] =	ssyncset.s32 @!p0 $0xFFFFF086;
	s6 =	sadd.s32 @!p0 s3, s7;
	s7 =	simm.s32 @!p0 $0x108  }
0x21: {  	s3 =	sadd.s32 s3, s9;
	s6 =	sadd.s32 @!p0 $0x88, s6;
	s7 =	simm.s32 @p2 $0x1082  }
0x22: {  	[simem:s7], [sflag:s8] =	dma.local @!p0 [hbm:s6], $0xF7A  }
0x23: {  	s9 =	sor.u32 $0xD0000000, s2;
	s6 =	simm.s32 $0x108;
	_ =	swait.ge @!p0 [sflag:s8], $0x0  }
0x24: {  	s3 =	sadd.s32 $0x88, s3;
	s6 =	simm.s32 @!p1 $0x1082;
	[sflag:s4] =	ssyncset.s32 $0xFFFFF086  }
0x25: {  	[simem:s6], [sflag:s4] =	dma.local [hbm:s3], $0xF7A  }
0x26: {  	[smem:$0x3F99] =	sst s1;
	(tag) =	ssettag s2;
	_ =	strace s9  }
0x27: {  	s1 =	sld [smem:$0x3FA9]  }
0x28: {  	s2 =	sld [smem:$0x3FAA]  }
0x29: {  	s4 =	sld [smem:$0x3FAC]  }
0x2a: {  	p0 =	seq.s32 s5, $0x0;
	s5 =	sld [smem:$0x3FAD]  }
0x2b: {  	s6 =	sld [smem:$0x3FAE]  }
0x2c: {  	s7 =	sld [smem:$0x3FAF]  }
0x2d: {  	s3 =	simm.s32 $0x108;
	s8 =	sld [smem:$0x3FB0]  }
0x2e: {  	s3 =	simm.s32 @!p0 $0x1082;
	s9 =	sld [smem:$0x3FB1]  }
0x2f: {  	lr =	sadd.s32 s0, s3;
	s0 =	sld [smem:$0x3FA8]  }
0x30: {  	s3 =	sld [smem:$0x3FAB]  }
0x31: {  	[smem:$0x3FB4] =	sst s10  }
0x32: {  	s10 =	sld [smem:$0x3FB2];
	_ =	sdelay $0x3  }
0x33: {  	p0 =	seq.s32 s10, $0x1;
	s10 =	sld [smem:$0x3FB4];
	_ =	sdelay $0x3  }
0x34: {  	[smem:$0x3FB4] =	sst s10  }
0x35: {  	s10 =	sld [smem:$0x3FB3];
	_ =	sdelay $0x3  }
0x36: {  	p1 =	seq.s32 s10, $0x1;
	s10 =	sld [smem:$0x3FB4];
	_ =	sdelay $0x3  }
0x37: {  	[smem:$0x3FB4] =	sst s10  }
0x38: {  	s10 =	sld [smem:$0x3FB5]  }
0x39: {  	_ = 	snop;
	(pc) =	sbr.ind lr, $3  }
0x3a: {  	_ = 	snop  }
0x3b: {  	_ = 	snop  }
0x3c: {  	p2 =	seq.s32 s10, $0x1;
	s10 =	sld [smem:$0x3FB4]  }
0x3d: {  	_ =	shalt  }
0x3e: {  	_ =	shalt  }
0x3f: {  	_ =	shalt  }
0x40: {  	_ =	shalt  }
0x41: {  	_ =	shalt  }
0x42: {  	_ =	shalt  }
0x43: {  	_ =	shalt  }
0x44: {  	_ =	shalt  }
0x45: {  	_ =	shalt  }
0x46: {  	_ =	shalt  }
0x47: {  	_ =	shalt  }
0x48: {  	_ =	shalt  }
0x49: {  	_ =	shalt  }
0x4a: {  	_ =	shalt  }
0x4b: {  	_ =	shalt  }
0x4c: {  	_ =	shalt  }
0x4d: {  	_ =	shalt  }
0x4e: {  	_ =	shalt  }
0x4f: {  	_ =	shalt  }
0x50: {  	_ =	shalt  }
0x51: {  	_ =	shalt  }
0x52: {  	_ =	shalt  }
0x53: {  	_ =	shalt  }
0x54: {  	_ =	shalt  }
0x55: {  	_ =	shalt  }
0x56: {  	_ =	shalt  }
0x57: {  	_ =	shalt  }
0x58: {  	_ =	shalt  }
0x59: {  	_ =	shalt  }
0x5a: {  	_ =	shalt  }
0x5b: {  	_ =	shalt  }
0x5c: {  	_ =	shalt  }
0x5d: {  	_ =	shalt  }
0x5e: {  	_ =	shalt  }
0x5f: {  	_ =	shalt  }
0x60: {  	_ =	shalt  }
0x61: {  	_ =	shalt  }
0x62: {  	_ =	shalt  }
0x63: {  	_ =	shalt  }
0x64: {  	_ =	shalt  }
0x65: {  	_ =	shalt  }
0x66: {  	_ =	shalt  }
0x67: {  	_ =	shalt  }
0x68: {  	_ =	shalt  }
0x69: {  	_ =	shalt  }
0x6a: {  	_ =	shalt  }
0x6b: {  	_ =	shalt  }
0x6c: {  	_ =	shalt  }
0x6d: {  	_ =	shalt  }
0x6e: {  	_ =	shalt  }
0x6f: {  	_ =	shalt  }
0x70: {  	_ =	shalt  }
0x71: {  	_ =	shalt  }
0x72: {  	_ =	shalt  }
0x73: {  	_ =	shalt  }
0x74: {  	_ =	shalt  }
0x75: {  	_ =	shalt  }
0x76: {  	_ =	shalt  }
0x77: {  	_ =	shalt  }
0x78: {  	_ =	shalt  }
0x79: {  	_ =	shalt  }
0x7a: {  	_ =	shalt  }
0x7b: {  	_ =	shalt  }
0x7c: {  	_ =	shalt  }
0x7d: {  	_ =	shalt  }
0x7e: {  	_ =	shalt  }
0x7f: {  	_ =	shalt  }
0x80: {  	_ =	shalt  }
0x81: {  	_ =	shalt  }
0x82: {  	_ =	shalt  }
0x83: {  	_ =	shalt  }
0x84: {  	_ =	shalt  }
0x85: {  	_ =	shalt  }
0x86: {  	_ =	shalt  }
0x87: {  	_ =	shalt  }
.Lfunc_end0:
.L_simem_size_0:
called_computation.2_lowered:
.L_overlay_start_0:
0x88: {  	s2 =	sld [smem:$0x3FD9]  }
0x89: {  	s3 =	sld [smem:$0x3FFE];
	_ =	sdelay $0x1  }
0x8a: {  	s1 =	srdreg.scid  }
0x8b: {  	s0 =	sand.u32 $0x1, s1  }
0x8c: {  	s16 =	sshll.u32 s0, $0xA;
	s2 =	sadd.s32 s3, s2  }
0x8d: {  	s2 =	sadd.s32 s2, s16  }
0x8e: {  	[smem:$0x3FC0] =	sst s2  }
0x8f: {  	_ = 	snop  }
0x90: {  	(tm) =	ssettm $0x1  }
0x91: {  	s17 =	sld [smem:$0x3FFB];
	_ =	sdelay $0x3  }
0x92: {  	_ =	strace s17  }
0x93: {  	s2 =	sld [smem:$0x3FFC];
	_ =	sdelay $0x3  }
0x94: {  	_ =	strace s2  }
0x95: {  	s2 =	sld [smem:$0x3FFD];
	_ =	sdelay $0x3  }
0x96: {  	_ =	strace s2  }
0x97: {  	_ =	strace $0x8FFFFFFF  }
0x98: {  	s18 =	sld [smem:$0x3FDB];
	_ =	sdelay $0x1  }
0x99: {  	s19 =	simm.s32 $_scs_section_size  }
0x9a: {  	s4 =	simm.s32 $_size__tile_overlayer_lowered;
	s5 =	simm.s32 $_tile_overlayer_lowered  }
0x9b: {  	s22 =	simm.s32 $0x1BFF;
	s21 =	sshll.u32 s5, $0x1;
	s2 =	sadd.s32 s19, s18  }
0x9c: {  	s6 =	simm.s32 $0x0;
	s20 =	sshll.u32 s4, $0x1;
	s4 =	sadd.s32 s21, s2  }
0x9d: {  	[timem:s6], [sflag:s22] =	dma.local [hbm:s4], s20  }
0x9e: {  	_ =	swait.ge [sflag:s22], s20  }
0x9f: {  	s3 =	ssub.s32 $0x0, s20;
	[sflag:s22] =	ssyncset.done $0x0  }
0xa0: {  	[sflag:s22] =	ssyncadd.s32 s3;
	_ =	sdelay $0x1  }
0xa1: {  	s23 =	simm.s32 $0x1B8B  }
0xa2: {  	_ =	swait.ge [sflag:s23], $0x1  }
0xa3: {  	[sflag:s23] =	ssyncset.done $0x0  }
0xa4: {  	s25 =	simm.s32 $0x1B8E;
	s24 =	sld [smem:$0x3FFE];
	[sflag:s23] =	ssyncadd.s32 $0xFFFFFFFF  }
0xa5: {  	s26 =	simm.s32 $execute0_lowered;
	[smem:$0x3FD2] =	sst s25  }
0xa6: {  	s4 =	sshll.u32 s26, $0x1;
	_ =	strace $0x8000004C;
	[dreg:$0x1] =	wrdreg $0xFFFFFFFF  }
0xa7: {  	s28 =	simm.s32 $_size_execute0_lowered;
	s2 =	sadd.s32 s2, s4;
	[dreg:$0x0] =	wrdreg $0x0  }
0xa8: {  	s4 =	sshll.u32 s28, $0x1;
	[dreg:$0x2] =	wrdreg s2  }
0xa9: {  	[dreg:$0x3] =	wrdreg s4  }
0xaa: {  	[dreg:$0x4] =	wrdreg $0xC0  }
0xab: {  	_ =	task [dreg:s6], $0x5FFFF  }
0xac: {  	[dreg:$0x1] =	wrdreg $0xFFFFFFFF  }
0xad: {  	[dreg:$0x0] =	wrdreg $0x60  }
0xae: {  	[dreg:$0x2] =	wrdreg s24  }
0xaf: {  	[dreg:$0x3] =	wrdreg $0x0  }
0xb0: {  	[dreg:$0x4] =	wrdreg $0x14000  }
0xb1: {  	[dreg:$0x5] =	wrdreg $0x9  }
0xb2: {  	_ =	task.clear_ibuf [dreg:s6], $0x6FFFF;
	_ =	strace $0x9000004C  }
0xb3: {  	s29 =	simm.s32 $0x9;
	_ =	strace $0x8000004E  }
0xb4: {  	_ =	swait.ge [sflag:s29], $0x1  }
0xb5: {  	[sflag:s29] =	ssyncadd.s32 $0xFFFFFFFF  }
0xb6: {  	_ =	strace $0x9000004E  }
0xb7: {  	_ =	sfence  }
0xb8: {  	s30 =	sld [smem:$0x0];
	_ =	sdelay $0x2  }
0xb9: {  	s31 =	sshll.u32 s1, $0xD;
	s1 =	sshrl.u32 s1, $0x2  }
0xba: {  	s3 =	sand.u32 $0x4000, s31;
	s1 =	sadd.s32 s1, s30  }
0xbb: {  	s0 =	sor.u32 s3, s0;
	s1 =	sshll.u32 s1, $0x11  }
0xbc: {  	s0 =	sor.u32 s1, s0  }
0xbd: {  	s0 =	sadd.s32 $0x8F2B, s0  }
0xbe: {  	[sflag:s0] =	ssyncadd.remote.s32 $0x1  }
0xbf: {  	_ =	sfence.sel $0xFFFF  }
0xc0: {  	[dreg:$0x0] =	wrdreg $0xFFFFFFFF;
	(pc) =	sbr.abs _section_cstart, $3  }
0xc1: {  	[dreg:$0x1] =	wrdreg $0xFFFFFFFF  }
0xc2: {  	_ =	task.clear_ibuf [dreg:s6], $0x2FFFF;
	_ =	strace $0x9FFFFFFF  }
0xc3: {  	(tm) =	ssettm $0x7FFFFFFF  }
tec
execute0_lowered:
.L_overlay_start_1:
0x0: {  	(tag) =	ssettag $0x1  }
0x1: {  	s0 =	rddreg [dreg:$0x0]  }
0x2: {  	s2 =	rddreg [dreg:$0x1]  }
0x3: {  	s3 =	rddreg [dreg:$0x2];
	s4 =	simm.s32 $0x0;
	s13 =	stileid.u32  }
0x4: {  	s1 =	srdreg.scid;
	s15 =	simm.s32 $0x2800;
	s16 =	simm.s32 $0x2880  }
0x5: {  	s17 =	simm.s32 $0x2900;
	s18 =	simm.s32 $0x2980;
	s19 =	simm.s32 $0x2A00  }
0x6: {  	s20 =	simm.s32 $0x2A80;
	s21 =	simm.s32 $0x2B00;
	s28 =	simm.s32 $0xAC00  }
0x7: {  	s29 =	simm.s32 $0xEC00;
	s30 =	simm.s32 $0x2;
	s31 =	simm.s32 $0x3  }
0x8: {  	[smem:$0x7FF] =	sst s4;
	s7 =	smul.u32 $0x14000, s13;
	s1 =	sand.u32 $0x1, s1  }
0x9: {  	s5 =	sadd.s32 $0x2AC00, s0;
	s6 =	sadd.s32 $0x34C00, s0;
	s22 =	smul.u32 $0x500, s13  }
0xa: {  	s24 =	sshll.u32 s13, $0x6;
	s13 =	simm.s32 $0x4;
	s8 =	smul.u32 $0x140000, s1  }
0xb: {  	_ =	strace $0x8000004D;
	s10 =	ssub.s32 $0x2, s1;
	s1 =	smul.u32 $0x5000, s1  }
0xc: {  	s9 =	sshrl.u32 s7, $0x3;
	s11 =	sshrl.u32 s10, $0x1;
	s12 =	sadd.s32 s7, s2  }
0xd: {  	s9 =	sadd.s32 s9, s0;
	s8 =	sadd.s32 s7, s8;
	s11 =	ssub.s32 s10, s11  }
0xe: {  	s7 =	sadd.s32 s7, s3;
	s1 =	sadd.s32 s22, s1;
	s26 =	sshrl.u32 s12, $0x3  }
0xf: {  	s22 =	simm.s32 $0x2B80;
	s8 =	sshrl.u32 s8, $0x3;
	[dreg:$0x4] =	wrdreg s1  }
0x10: {  	s23 =	sadd.s32 $0x2200, s9;
	s9 =	sadd.s32 $0x3EC00, s9;
	[dreg:$0x9] =	wrdreg s26  }
0x11: {  	s25 =	smax.u32 s11, $0x1;
	s26 =	simm.s32 $0x6C00;
	[dreg:$0x5] =	wrdreg s23  }
0x12: {  	s0 =	sadd.s32 s8, s0;
	s8 =	sor.u32 $0x1C04, s24;
	[dreg:$0x6] =	wrdreg s9  }
0x13: {  	[dreg:$0x8] =	wrdreg s25;
	s9 =	sshrl.u32 s7, $0x3;
	s23 =	simm.s32 $0x1  }
0x14: {  	s24 =	simm.s32 $0x80;
	s0 =	sadd.s32 $0x66C00, s0;
	[dreg:$0xa] =	wrdreg s9  }
0x15: {  	s25 =	simm.s32 $0x2C00;
	[dreg:$0x7] =	wrdreg s0;
	s0 =	simm.s32 $0x0  }
.LBB2_1:
0x16: {  	s1 =	rddreg [dreg:$0x5]  }
0x17: {  	s7 =	rddreg [dreg:$0x9]  }
0x18: {  	[spmem:s7], [sflag:s8] =	dma.local [hbm:s1], $0x2800  }
0x19: {  	_ =	swait.ge [sflag:s13], $0x2800  }
0x1a: {  	[sflag:s13] =	ssyncset.done $0x0  }
0x1b: {  	s7 =	rddreg [dreg:$0x6];
	[sflag:s13] =	ssyncadd.s32 $0xFFFFD800  }
0x1c: {  	[spmem:s9], [sflag:s8] =	dma.local [hbm:s7], $0x2800  }
0x1d: {  	_ =	swait.ge [sflag:s13], $0x2800  }
0x1e: {  	[sflag:s13] =	ssyncset.done $0x0  }
0x1f: {  	[sflag:s13] =	ssyncadd.s32 $0xFFFFD800  }
0x20: {  	[bflag:$0x0] =	sbarrier.arrive $0xFFFF  }
0x21: {  	s10 =	rddreg [dreg:$0x4]  }
0x22: {  	s1 =	sadd.s32 $0x0, s10  }
0x23: {  	s11 =	sand.u32 $0x40, s4;
	s1 =	sand.u32 $0x1FF80, s1  }
0x24: {  	s1 =	sor.u32 s11, s1  }
0x25: {  	s7 =	sadd.s32 s5, s1;
	s9 =	sor.u32 $0x10, s1  }
0x26: {  	[tilespmem:s15], [sflag:$0x1] =	stream.linear.gather [hbm4b:s7+s4], $0x80, $0x38;
	[tilespmem:$0x12C00] =	vst v63  }
0x27: {  	s12 =	sor.u32 $0x20, s1;
	s10 =	sadd.s32 s5, s9  }
0x28: {  	[tilespmem:s16], [sflag:$0x1] =	stream.linear.gather [hbm4b:s10+s4], $0x80, $0x38;
	[tilespmem:$0x12C00] =	vst v63  }
0x29: {  	s11 =	sadd.s32 s5, s12;
	s10 =	sor.u32 $0x30, s1  }
0x2a: {  	[tilespmem:s17], [sflag:$0x1] =	stream.linear.gather [hbm4b:s11+s4], $0x80, $0x38;
	[tilespmem:$0x12C00] =	vst v63  }
0x2b: {  	s14 =	sadd.s32 s5, s10  }
0x2c: {  	[tilespmem:s18], [sflag:$0x1] =	stream.linear.gather [hbm4b:s14+s4], $0x80, $0x38;
	[tilespmem:$0x12C00] =	vst v63  }
0x2d: {  	s1 =	sadd.s32 s6, s1  }
0x2e: {  	[tilespmem:s19], [sflag:$0x1] =	stream.linear.gather [hbm4b:s1+s4], $0x80, $0x38;
	[tilespmem:$0x12C00] =	vst v63  }
0x2f: {  	s11 =	sadd.s32 s6, s9  }
0x30: {  	[tilespmem:s20], [sflag:$0x1] =	stream.linear.gather [hbm4b:s11+s4], $0x80, $0x38;
	[tilespmem:$0x12C00] =	vst v63  }
0x31: {  	s12 =	sadd.s32 s6, s12  }
0x32: {  	[tilespmem:s21], [sflag:$0x1] =	stream.linear.gather [hbm4b:s12+s4], $0x80, $0x38;
	[tilespmem:$0x12C00] =	vst v63  }
0x33: {  	s14 =	sadd.s32 s6, s10  }
0x34: {  	[tilespmem:s22], [sflag:$0x1] =	stream.linear.gather [hbm4b:s14+s4], $0x80, $0x38;
	[tilespmem:$0x12C00] =	vst v63  }
0x35: {  	_ =	swait.ge [sflag:s23], $0x80  }
0x36: {  	[sflag:s23] =	ssyncset.done $0x0  }
0x37: {  	[sflag:s23] =	ssyncadd.s32 $0xFFFFFF80  }
0x38: {  	_ =	swait.ge [sflag:s23], $0x80  }
0x39: {  	[sflag:s23] =	ssyncset.done $0x0  }
0x3a: {  	[sflag:s23] =	ssyncadd.s32 $0xFFFFFF80  }
0x3b: {  	_ =	swait.ge [sflag:s23], $0x80  }
0x3c: {  	[sflag:s23] =	ssyncset.done $0x0  }
0x3d: {  	[sflag:s23] =	ssyncadd.s32 $0xFFFFFF80  }
0x3e: {  	_ =	swait.ge [sflag:s23], $0x80  }
0x3f: {  	[sflag:s23] =	ssyncset.done $0x0  }
0x40: {  	[sflag:s23] =	ssyncadd.s32 $0xFFFFFF80  }
0x41: {  	_ =	swait.ge [sflag:s23], $0x80  }
0x42: {  	[sflag:s23] =	ssyncset.done $0x0  }
0x43: {  	[sflag:s23] =	ssyncadd.s32 $0xFFFFFF80  }
0x44: {  	_ =	swait.ge [sflag:s23], $0x80  }
0x45: {  	[sflag:s23] =	ssyncset.done $0x0  }
0x46: {  	[sflag:s23] =	ssyncadd.s32 $0xFFFFFF80  }
0x47: {  	_ =	swait.ge [sflag:s23], $0x80  }
0x48: {  	[sflag:s23] =	ssyncset.done $0x0  }
0x49: {  	[sflag:s23] =	ssyncadd.s32 $0xFFFFFF80  }
0x4a: {  	_ =	swait.ge [sflag:s23], $0x80  }
0x4b: {  	[sflag:s23] =	ssyncset.done $0x0  }
0x4c: {  	[sflag:s23] =	ssyncadd.s32 $0xFFFFFF80  }
0x4d: {  	[tilespmem:s25], [sflag:$0x2] =	stream.indirect.gather [spmem:s2], $0x8, s15, s24, $0xb8;
	[tilespmem:$0x12C00] =	vst v63  }
0x4e: {  	_ = 	snop  }
0x4f: {  	[tilespmem:s26], [sflag:$0x2] =	stream.indirect.gather [spmem:s2], $0x8, s16, s24, $0xb8;
	[tilespmem:$0x12C00] =	vst v63  }
0x50: {  	_ = 	snop  }
0x51: {  	[tilespmem:s28], [sflag:$0x2] =	stream.indirect.gather [spmem:s2], $0x8, s17, s24, $0xb8;
	[tilespmem:$0x12C00] =	vst v63  }
0x52: {  	_ = 	snop  }
0x53: {  	[tilespmem:s29], [sflag:$0x2] =	stream.indirect.gather [spmem:s2], $0x8, s18, s24, $0xb8;
	[tilespmem:$0x12C00] =	vst v63  }
0x54: {  	_ =	swait.ge [sflag:s30], $0x400  }
0x55: {  	[sflag:s30] =	ssyncset.done $0x0  }
0x56: {  	[sflag:s30] =	ssyncadd.s32 $0xFFFFFC00  }
0x57: {  	_ =	swait.ge [sflag:s30], $0x400  }
0x58: {  	[sflag:s30] =	ssyncset.done $0x0  }
0x59: {  	[sflag:s30] =	ssyncadd.s32 $0xFFFFFC00  }
0x5a: {  	_ =	swait.ge [sflag:s30], $0x400  }
0x5b: {  	[sflag:s30] =	ssyncset.done $0x0  }
0x5c: {  	[sflag:s30] =	ssyncadd.s32 $0xFFFFFC00  }
0x5d: {  	_ =	swait.ge [sflag:s30], $0x400  }
0x5e: {  	[sflag:s30] =	ssyncset.done $0x0  }
0x5f: {  	[sflag:s30] =	ssyncadd.s32 $0xFFFFFC00  }
0x60: {  	[spmem:s3] =	stream.indirect.scatter.add.f32 [tilespmem:s25], [sflag:$0x3], $0x8, s19, s24, $0xb8;
	[tilespmem:$0x12C00] =	vst v63  }
0x61: {  	_ = 	snop  }
0x62: {  	[spmem:s3] =	stream.indirect.scatter.add.f32 [tilespmem:s26], [sflag:$0x3], $0x8, s20, s24, $0xb8;
	[tilespmem:$0x12C00] =	vst v63  }
0x63: {  	_ = 	snop  }
0x64: {  	[spmem:s3] =	stream.indirect.scatter.add.f32 [tilespmem:s28], [sflag:$0x3], $0x8, s21, s24, $0xb8;
	[tilespmem:$0x12C00] =	vst v63  }
0x65: {  	_ = 	snop  }
0x66: {  	[spmem:s3] =	stream.indirect.scatter.add.f32 [tilespmem:s29], [sflag:$0x3], $0x8, s22, s24, $0xb8;
	[tilespmem:$0x12C00] =	vst v63  }
0x67: {  	_ =	swait.ge [sflag:s31], $0x400  }
0x68: {  	[sflag:s31] =	ssyncset.done $0x0  }
0x69: {  	[sflag:s31] =	ssyncadd.s32 $0xFFFFFC00  }
0x6a: {  	_ =	swait.ge [sflag:s31], $0x400  }
0x6b: {  	[sflag:s31] =	ssyncset.done $0x0  }
0x6c: {  	[sflag:s31] =	ssyncadd.s32 $0xFFFFFC00  }
0x6d: {  	_ =	swait.ge [sflag:s31], $0x400  }
0x6e: {  	[sflag:s31] =	ssyncset.done $0x0  }
0x6f: {  	[sflag:s31] =	ssyncadd.s32 $0xFFFFFC00  }
0x70: {  	s7 =	simm.s32 $0x80;
	_ =	swait.ge [sflag:s31], $0x400  }
0x71: {  	s1 =	simm.s32 $0x40;
	s9 =	rddreg [dreg:$0x4];
	[sflag:s31] =	ssyncset.done $0x0  }
.LBB2_2:
0x72: {  	s9 =	sadd.s32 s1, s9  }
0x73: {  	s11 =	sand.u32 $0x40, s1;
	s9 =	sand.u32 $0x1FF80, s9  }
0x74: {  	[sflag:s31] =	ssyncadd.s32 $0xFFFFFC00;
	s9 =	sor.u32 s11, s9  }
0x75: {  	s10 =	smov.u32 s7;
	s14 =	sadd.s32 s5, s9;
	s11 =	sor.u32 $0x10, s9  }
0x76: {  	[tilespmem:s15], [sflag:$0x1] =	stream.linear.gather [hbm4b:s14+s4], $0x80, $0x38;
	[tilespmem:$0x12C00] =	vst v63  }
0x77: {  	s1 =	smov.u32 s10;
	s12 =	sor.u32 $0x20, s9;
	s10 =	sadd.s32 s5, s11  }
0x78: {  	[tilespmem:s16], [sflag:$0x1] =	stream.linear.gather [hbm4b:s10+s4], $0x80, $0x38;
	[tilespmem:$0x12C00] =	vst v63  }
0x79: {  	s14 =	sor.u32 $0x30, s9;
	s10 =	sadd.s32 s5, s12  }
0x7a: {  	[tilespmem:s17], [sflag:$0x1] =	stream.linear.gather [hbm4b:s10+s4], $0x80, $0x38;
	[tilespmem:$0x12C00] =	vst v63  }
0x7b: {  	s10 =	sadd.s32 s5, s14  }
0x7c: {  	[tilespmem:s18], [sflag:$0x1] =	stream.linear.gather [hbm4b:s10+s4], $0x80, $0x38;
	[tilespmem:$0x12C00] =	vst v63  }
0x7d: {  	s9 =	sadd.s32 s6, s9  }
0x7e: {  	[tilespmem:s19], [sflag:$0x1] =	stream.linear.gather [hbm4b:s9+s4], $0x80, $0x38;
	[tilespmem:$0x12C00] =	vst v63  }
0x7f: {  	s11 =	sadd.s32 s6, s11  }
0x80: {  	[tilespmem:s20], [sflag:$0x1] =	stream.linear.gather [hbm4b:s11+s4], $0x80, $0x38;
	[tilespmem:$0x12C00] =	vst v63  }
0x81: {  	s12 =	sadd.s32 s6, s12  }
0x82: {  	[tilespmem:s21], [sflag:$0x1] =	stream.linear.gather [hbm4b:s12+s4], $0x80, $0x38;
	[tilespmem:$0x12C00] =	vst v63  }
0x83: {  	s14 =	sadd.s32 s6, s14  }
0x84: {  	[tilespmem:s22], [sflag:$0x1] =	stream.linear.gather [hbm4b:s14+s4], $0x80, $0x38;
	[tilespmem:$0x12C00] =	vst v63  }
0x85: {  	_ =	swait.ge [sflag:s23], $0x80  }
0x86: {  	[sflag:s23] =	ssyncset.done $0x0  }
0x87: {  	[sflag:s23] =	ssyncadd.s32 $0xFFFFFF80  }
0x88: {  	_ =	swait.ge [sflag:s23], $0x80  }
0x89: {  	[sflag:s23] =	ssyncset.done $0x0  }
0x8a: {  	[sflag:s23] =	ssyncadd.s32 $0xFFFFFF80  }
0x8b: {  	_ =	swait.ge [sflag:s23], $0x80  }
0x8c: {  	[sflag:s23] =	ssyncset.done $0x0  }
0x8d: {  	[sflag:s23] =	ssyncadd.s32 $0xFFFFFF80  }
0x8e: {  	_ =	swait.ge [sflag:s23], $0x80  }
0x8f: {  	[sflag:s23] =	ssyncset.done $0x0  }
0x90: {  	[sflag:s23] =	ssyncadd.s32 $0xFFFFFF80  }
0x91: {  	_ =	swait.ge [sflag:s23], $0x80  }
0x92: {  	[sflag:s23] =	ssyncset.done $0x0  }
0x93: {  	[sflag:s23] =	ssyncadd.s32 $0xFFFFFF80  }
0x94: {  	_ =	swait.ge [sflag:s23], $0x80  }
0x95: {  	[sflag:s23] =	ssyncset.done $0x0  }
0x96: {  	[sflag:s23] =	ssyncadd.s32 $0xFFFFFF80  }
0x97: {  	_ =	swait.ge [sflag:s23], $0x80  }
0x98: {  	[sflag:s23] =	ssyncset.done $0x0  }
0x99: {  	[sflag:s23] =	ssyncadd.s32 $0xFFFFFF80  }
0x9a: {  	_ =	swait.ge [sflag:s23], $0x80  }
0x9b: {  	[sflag:s23] =	ssyncset.done $0x0  }
0x9c: {  	[sflag:s23] =	ssyncadd.s32 $0xFFFFFF80  }
0x9d: {  	[tilespmem:s25], [sflag:$0x2] =	stream.indirect.gather [spmem:s2], $0x8, s15, s24, $0xb8;
	[tilespmem:$0x12C00] =	vst v63  }
0x9e: {  	_ = 	snop  }
0x9f: {  	[tilespmem:s26], [sflag:$0x2] =	stream.indirect.gather [spmem:s2], $0x8, s16, s24, $0xb8;
	[tilespmem:$0x12C00] =	vst v63  }
0xa0: {  	_ = 	snop  }
0xa1: {  	[tilespmem:s28], [sflag:$0x2] =	stream.indirect.gather [spmem:s2], $0x8, s17, s24, $0xb8;
	[tilespmem:$0x12C00] =	vst v63  }
0xa2: {  	_ = 	snop  }
0xa3: {  	[tilespmem:s29], [sflag:$0x2] =	stream.indirect.gather [spmem:s2], $0x8, s18, s24, $0xb8;
	[tilespmem:$0x12C00] =	vst v63  }
0xa4: {  	_ =	swait.ge [sflag:s30], $0x400  }
0xa5: {  	[sflag:s30] =	ssyncset.done $0x0  }
0xa6: {  	[sflag:s30] =	ssyncadd.s32 $0xFFFFFC00  }
0xa7: {  	_ =	swait.ge [sflag:s30], $0x400  }
0xa8: {  	[sflag:s30] =	ssyncset.done $0x0  }
0xa9: {  	[sflag:s30] =	ssyncadd.s32 $0xFFFFFC00  }
0xaa: {  	_ =	swait.ge [sflag:s30], $0x400  }
0xab: {  	[sflag:s30] =	ssyncset.done $0x0  }
0xac: {  	[sflag:s30] =	ssyncadd.s32 $0xFFFFFC00  }
0xad: {  	_ =	swait.ge [sflag:s30], $0x400  }
0xae: {  	[sflag:s30] =	ssyncset.done $0x0  }
0xaf: {  	[sflag:s30] =	ssyncadd.s32 $0xFFFFFC00  }
0xb0: {  	[spmem:s3] =	stream.indirect.scatter.add.f32 [tilespmem:s25], [sflag:$0x3], $0x8, s19, s24, $0xb8;
	[tilespmem:$0x12C00] =	vst v63  }
0xb1: {  	_ = 	snop  }
0xb2: {  	[spmem:s3] =	stream.indirect.scatter.add.f32 [tilespmem:s26], [sflag:$0x3], $0x8, s20, s24, $0xb8;
	[tilespmem:$0x12C00] =	vst v63  }
0xb3: {  	_ = 	snop  }
0xb4: {  	[spmem:s3] =	stream.indirect.scatter.add.f32 [tilespmem:s28], [sflag:$0x3], $0x8, s21, s24, $0xb8;
	[tilespmem:$0x12C00] =	vst v63  }
0xb5: {  	_ = 	snop  }
0xb6: {  	[spmem:s3] =	stream.indirect.scatter.add.f32 [tilespmem:s29], [sflag:$0x3], $0x8, s22, s24, $0xb8;
	[tilespmem:$0x12C00] =	vst v63  }
0xb7: {  	_ =	swait.ge [sflag:s31], $0x400  }
0xb8: {  	[sflag:s31] =	ssyncset.done $0x0  }
0xb9: {  	[sflag:s31] =	ssyncadd.s32 $0xFFFFFC00  }
0xba: {  	_ =	swait.ge [sflag:s31], $0x400  }
0xbb: {  	[sflag:s31] =	ssyncset.done $0x0  }
0xbc: {  	p0 =	sne.s32 s7, $0x4C0;
	[sflag:s31] =	ssyncadd.s32 $0xFFFFFC00  }
.Ltmp0:
0xbd: {  	_ =	swait.ge [sflag:s31], $0x400;
	(pc) =	sbr.rel @p0 .LBB2_2-.Ltmp0, $4  }
0xbe: {  	[sflag:s31] =	ssyncset.done $0x0  }
0xbf: {  	[sflag:s31] =	ssyncadd.s32 $0xFFFFFC00  }
0xc0: {  	_ =	swait.ge [sflag:s31], $0x400  }
0xc1: {  	s7 =	sadd.s32 $0x40, s7;
	s9 =	rddreg [dreg:$0x4];
	[sflag:s31] =	ssyncset.done $0x0  }
0xc2: {  	s7 =	sadd.s32 s1, s9  }
0xc3: {  	s12 =	sand.u32 $0x40, s1;
	s7 =	sand.u32 $0x1FF80, s7  }
0xc4: {  	s1 =	sor.u32 s12, s7  }
0xc5: {  	[sflag:s31] =	ssyncadd.s32 $0xFFFFFC00;
	s7 =	sadd.s32 s5, s1;
	s14 =	sor.u32 $0x10, s1  }
0xc6: {  	[tilespmem:s15], [sflag:$0x1] =	stream.linear.gather [hbm4b:s7+s4], $0x80, $0x38;
	[tilespmem:$0x12C00] =	vst v63  }
0xc7: {  	s7 =	sor.u32 $0x20, s1;
	s10 =	sadd.s32 s5, s14  }
0xc8: {  	[tilespmem:s16], [sflag:$0x1] =	stream.linear.gather [hbm4b:s10+s4], $0x80, $0x38;
	[tilespmem:$0x12C00] =	vst v63  }
0xc9: {  	s11 =	sadd.s32 s5, s7;
	s10 =	sor.u32 $0x30, s1  }
0xca: {  	[tilespmem:s17], [sflag:$0x1] =	stream.linear.gather [hbm4b:s11+s4], $0x80, $0x38;
	[tilespmem:$0x12C00] =	vst v63  }
0xcb: {  	s12 =	sadd.s32 s5, s10  }
0xcc: {  	[tilespmem:s18], [sflag:$0x1] =	stream.linear.gather [hbm4b:s12+s4], $0x80, $0x38;
	[tilespmem:$0x12C00] =	vst v63  }
0xcd: {  	s1 =	sadd.s32 s6, s1  }
0xce: {  	[tilespmem:s19], [sflag:$0x1] =	stream.linear.gather [hbm4b:s1+s4], $0x80, $0x38;
	[tilespmem:$0x12C00] =	vst v63  }
0xcf: {  	s14 =	sadd.s32 s6, s14  }
0xd0: {  	[tilespmem:s20], [sflag:$0x1] =	stream.linear.gather [hbm4b:s14+s4], $0x80, $0x38;
	[tilespmem:$0x12C00] =	vst v63  }
0xd1: {  	s9 =	sadd.s32 s6, s7  }
0xd2: {  	[tilespmem:s21], [sflag:$0x1] =	stream.linear.gather [hbm4b:s9+s4], $0x80, $0x38;
	[tilespmem:$0x12C00] =	vst v63  }
0xd3: {  	s11 =	sadd.s32 s6, s10  }
0xd4: {  	[tilespmem:s22], [sflag:$0x1] =	stream.linear.gather [hbm4b:s11+s4], $0x80, $0x38;
	[tilespmem:$0x12C00] =	vst v63  }
0xd5: {  	_ =	swait.ge [sflag:s23], $0x80  }
0xd6: {  	[sflag:s23] =	ssyncset.done $0x0  }
0xd7: {  	[sflag:s23] =	ssyncadd.s32 $0xFFFFFF80  }
0xd8: {  	_ =	swait.ge [sflag:s23], $0x80  }
0xd9: {  	[sflag:s23] =	ssyncset.done $0x0  }
0xda: {  	[sflag:s23] =	ssyncadd.s32 $0xFFFFFF80  }
0xdb: {  	_ =	swait.ge [sflag:s23], $0x80  }
0xdc: {  	[sflag:s23] =	ssyncset.done $0x0  }
0xdd: {  	[sflag:s23] =	ssyncadd.s32 $0xFFFFFF80  }
0xde: {  	_ =	swait.ge [sflag:s23], $0x80  }
0xdf: {  	[sflag:s23] =	ssyncset.done $0x0  }
0xe0: {  	[sflag:s23] =	ssyncadd.s32 $0xFFFFFF80  }
0xe1: {  	_ =	swait.ge [sflag:s23], $0x80  }
0xe2: {  	[sflag:s23] =	ssyncset.done $0x0  }
0xe3: {  	[sflag:s23] =	ssyncadd.s32 $0xFFFFFF80  }
0xe4: {  	_ =	swait.ge [sflag:s23], $0x80  }
0xe5: {  	[sflag:s23] =	ssyncset.done $0x0  }
0xe6: {  	[sflag:s23] =	ssyncadd.s32 $0xFFFFFF80  }
0xe7: {  	_ =	swait.ge [sflag:s23], $0x80  }
0xe8: {  	[sflag:s23] =	ssyncset.done $0x0  }
0xe9: {  	[sflag:s23] =	ssyncadd.s32 $0xFFFFFF80  }
0xea: {  	_ =	swait.ge [sflag:s23], $0x80  }
0xeb: {  	[sflag:s23] =	ssyncset.done $0x0  }
0xec: {  	[sflag:s23] =	ssyncadd.s32 $0xFFFFFF80  }
0xed: {  	[tilespmem:s25], [sflag:$0x2] =	stream.indirect.gather [spmem:s2], $0x8, s15, s24, $0xb8;
	[tilespmem:$0x12C00] =	vst v63  }
0xee: {  	_ = 	snop  }
0xef: {  	[tilespmem:s26], [sflag:$0x2] =	stream.indirect.gather [spmem:s2], $0x8, s16, s24, $0xb8;
	[tilespmem:$0x12C00] =	vst v63  }
0xf0: {  	_ = 	snop  }
0xf1: {  	[tilespmem:s28], [sflag:$0x2] =	stream.indirect.gather [spmem:s2], $0x8, s17, s24, $0xb8;
	[tilespmem:$0x12C00] =	vst v63  }
0xf2: {  	_ = 	snop  }
0xf3: {  	[tilespmem:s29], [sflag:$0x2] =	stream.indirect.gather [spmem:s2], $0x8, s18, s24, $0xb8;
	[tilespmem:$0x12C00] =	vst v63  }
0xf4: {  	_ =	swait.ge [sflag:s30], $0x400  }
0xf5: {  	[sflag:s30] =	ssyncset.done $0x0  }
0xf6: {  	[sflag:s30] =	ssyncadd.s32 $0xFFFFFC00  }
0xf7: {  	_ =	swait.ge [sflag:s30], $0x400  }
0xf8: {  	[sflag:s30] =	ssyncset.done $0x0  }
0xf9: {  	[sflag:s30] =	ssyncadd.s32 $0xFFFFFC00  }
0xfa: {  	_ =	swait.ge [sflag:s30], $0x400  }
0xfb: {  	[sflag:s30] =	ssyncset.done $0x0  }
0xfc: {  	[sflag:s30] =	ssyncadd.s32 $0xFFFFFC00  }
0xfd: {  	_ =	swait.ge [sflag:s30], $0x400  }
0xfe: {  	[sflag:s30] =	ssyncset.done $0x0  }
0xff: {  	[sflag:s30] =	ssyncadd.s32 $0xFFFFFC00  }
0x100: {  	[spmem:s3] =	stream.indirect.scatter.add.f32 [tilespmem:s25], [sflag:$0x3], $0x8, s19, s24, $0xb8;
	[tilespmem:$0x12C00] =	vst v63  }
0x101: {  	_ = 	snop  }
0x102: {  	[spmem:s3] =	stream.indirect.scatter.add.f32 [tilespmem:s26], [sflag:$0x3], $0x8, s20, s24, $0xb8;
	[tilespmem:$0x12C00] =	vst v63  }
0x103: {  	_ = 	snop  }
0x104: {  	[spmem:s3] =	stream.indirect.scatter.add.f32 [tilespmem:s28], [sflag:$0x3], $0x8, s21, s24, $0xb8;
	[tilespmem:$0x12C00] =	vst v63  }
0x105: {  	_ = 	snop  }
0x106: {  	[spmem:s3] =	stream.indirect.scatter.add.f32 [tilespmem:s29], [sflag:$0x3], $0x8, s22, s24, $0xb8;
	[tilespmem:$0x12C00] =	vst v63  }
0x107: {  	_ =	swait.ge [sflag:s31], $0x400  }
0x108: {  	[sflag:s31] =	ssyncset.done $0x0  }
0x109: {  	[sflag:s31] =	ssyncadd.s32 $0xFFFFFC00  }
0x10a: {  	_ =	swait.ge [sflag:s31], $0x400  }
0x10b: {  	[sflag:s31] =	ssyncset.done $0x0  }
0x10c: {  	[sflag:s31] =	ssyncadd.s32 $0xFFFFFC00  }
0x10d: {  	_ =	swait.ge [sflag:s31], $0x400  }
0x10e: {  	[sflag:s31] =	ssyncset.done $0x0  }
0x10f: {  	[sflag:s31] =	ssyncadd.s32 $0xFFFFFC00  }
0x110: {  	_ =	swait.ge [sflag:s31], $0x400  }
0x111: {  	[sflag:s31] =	ssyncset.done $0x0  }
0x112: {  	[sflag:s31] =	ssyncadd.s32 $0xFFFFFC00  }
0x113: {  	[bflag:$0x0] =	sbarrier.arrive $0xFFFF  }
0x114: {  	s12 =	rddreg [dreg:$0x7]  }
0x115: {  	s9 =	rddreg [dreg:$0xa]  }
0x116: {  	[hbm:s12], [sflag:s8] =	dma.local [spmem:s9], $0x2800  }
0x117: {  	_ =	swait.ge [sflag:s13], $0x2800  }
0x118: {  	s0 =	sadd.s32 $0x1, s0;
	s14 =	rddreg [dreg:$0x8]  }
0x119: {  	p0 =	sne.s32 s0, s14  }
.Ltmp1:
0x11a: {  	_ = 	snop;
	(pc) =	sbr.rel @p0 .LBB2_1-.Ltmp1, $3  }
0x11b: {  	_ =	sdelay $0x1  }
0x11c: {  	[sflag:s13] =	ssyncset.done $0x0  }
0x11d: {  	[sflag:s13] =	ssyncadd.s32 $0xFFFFD800  }
0x11e: {  	_ =	sfence.sel $0x180000  }
0x11f: {  	[bflag:$0x0] =	sbarrier.arrive $0xFFFF  }
0x120: {  	_ =	strace $0x9000004D  }
0x121: {  	s0 =	stileid.u32;
	[bflag:$0x2] =	sbarrier.arrive $0xFFFF  }
0x122: {  	p0 =	sne.s32 s0, $0x0;
	s0 =	rddreg [dreg:$0x3]  }
0x123: {  	s0 =	sadd.s32 @!p0 $0x100000, s0  }
0x124: {  	[sflag:s0] =	ssyncadd.tile.s32 @!p0 $0x1;
	_ =	shalt  }
.Lfunc_end2:
_tile_overlayer_lowered:
.L_overlay_start_2:
0x125: {  	(tag) =	ssettag $0x2  }
0x126: {  	s0 =	rddreg [dreg:$0x0];
	s2 =	stileid.u32  }
0x127: {  	s1 =	rddreg [dreg:$0x1];
	p0 =	sne.s32 s2, $0x0  }
0x128: {  	s3 =	rddreg [dreg:$0x2];
	[bflag:$0x3] =	sbarrier.arrive $0xFFFF;
	s2 =	simm.s32 @!p0 $0x1C04  }
0x129: {  	[timem:s3], [sflag:s2] =	dma.local @!p0 [hbm:s0], s1  }
0x12a: {  	s0 =	simm.s32 @!p0 $0x4  }
0x12b: {  	_ =	swait.ge @!p0 [sflag:s0], s1  }
0x12c: {  	s1 =	ssub.s32 @!p0 $0x0, s1;
	[sflag:s0] =	ssyncset.done @!p0 $0x0  }
0x12d: {  	[sflag:s0] =	ssyncadd.s32 @!p0 s1  }
0x12e: {  	[bflag:$0x3] =	sbarrier.arrive $0xFFFF  }
0x12f: {  	_ =	shalt  }

// kernel: kernel.9.cloned.1.call-start
scs
__scs_entry_jumppad:
0x0: {  	(pc) =	sbr.rel $0x88, $3  }
0x1: {  	(tag) =	ssettag $0x0;
	lr =	simm.s32 $0x1  }
0x2: {  	[smem:$0x3F99] =	sst lr;
	_ =	strace $0xD0000000  }
0x3: {  	_ = 	snop  }
0x4: {  	_ = 	snop  }
0x5: {  	_ = 	snop  }
0x6: {  	_ = 	snop  }
0x7: {  	_ = 	snop  }
__scs_overlays_trampoline_lowered:
0x8: {  	[smem:$0x3FA8] =	sst s0  }
0x9: {  	[smem:$0x3FA9] =	sst s1  }
0xa: {  	[smem:$0x3FAA] =	sst s2  }
0xb: {  	[smem:$0x3FAB] =	sst s3  }
0xc: {  	[smem:$0x3FAC] =	sst s4  }
0xd: {  	[smem:$0x3FAD] =	sst s5  }
0xe: {  	[smem:$0x3FAE] =	sst s6  }
0xf: {  	[smem:$0x3FAF] =	sst s7  }
0x10: {  	[smem:$0x3FB0] =	sst s8  }
0x11: {  	[smem:$0x3FB1] =	sst s9;
	s0 =	simm.s32 @!p0 $0x0  }
0x12: {  	s1 =	sld [smem:$0x3F97];
	s0 =	simm.s32 @p0 $0x1  }
0x13: {  	[smem:$0x3FB2] =	sst s0;
	s0 =	simm.s32 @!p1 $0x0  }
0x14: {  	s2 =	sld [smem:$0x3F96];
	s0 =	simm.s32 @p1 $0x1  }
0x15: {  	[smem:$0x3FB3] =	sst s0;
	s0 =	simm.s32 @!p2 $0x0  }
0x16: {  	s3 =	sld [smem:$0x3FDB];
	s0 =	simm.s32 @p2 $0x1  }
0x17: {  	s4 =	simm.s32 $0x1BF5;
	[smem:$0x3FB5] =	sst s0  }
0x18: {  	s0 =	sld [smem:$0x3F98];
	_ =	swait.ge [sflag:s4], $0x0  }
0x19: {  	s7 =	sld [smem:$0x3F99]  }
0x1a: {  	s8 =	sadd.s32 $0xFFFFE003, lr  }
0x1b: {  	s9 =	sadd.s32 $0xFFFFFEF7, lr;
	s5 =	simm.s32 $0xFFFFFFFF;
	p2 =	slt.u32 s8, $0xFFFFF086  }
0x1c: {  	p1 =	slt.u32 s9, $0xF7A;
	s5 =	simm.s32 @!p2 $0x0  }
0x1d: {  	s5 =	simm.s32 @p1 $0x1;
	p0 =	seq.s32 s7, s2  }
0x1e: {  	s7 =	smul.u32 @!p0 $0xF7A, s2;
	p2 =	seq.s32 @!p0 s5, $0x0  }
0x1f: {  	s9 =	smul.u32 $0xF7A, s1;
	s8 =	simm.s32 @!p0 $0x1BF5;
	p2 =	por !p2, p0  }
0x20: {  	[sflag:s8] =	ssyncset.s32 @!p0 $0xFFFFF086;
	s6 =	sadd.s32 @!p0 s3, s7;
	s7 =	simm.s32 @!p0 $0x108  }
0x21: {  	s3 =	sadd.s32 s3, s9;
	s6 =	sadd.s32 @!p0 $0x88, s6;
	s7 =	simm.s32 @p2 $0x1082  }
0x22: {  	[simem:s7], [sflag:s8] =	dma.local @!p0 [hbm:s6], $0xF7A  }
0x23: {  	s9 =	sor.u32 $0xD0000000, s2;
	s6 =	simm.s32 $0x108;
	_ =	swait.ge @!p0 [sflag:s8], $0x0  }
0x24: {  	s3 =	sadd.s32 $0x88, s3;
	s6 =	simm.s32 @!p1 $0x1082;
	[sflag:s4] =	ssyncset.s32 $0xFFFFF086  }
0x25: {  	[simem:s6], [sflag:s4] =	dma.local [hbm:s3], $0xF7A  }
0x26: {  	[smem:$0x3F99] =	sst s1;
	(tag) =	ssettag s2;
	_ =	strace s9  }
0x27: {  	s1 =	sld [smem:$0x3FA9]  }
0x28: {  	s2 =	sld [smem:$0x3FAA]  }
0x29: {  	s4 =	sld [smem:$0x3FAC]  }
0x2a: {  	p0 =	seq.s32 s5, $0x0;
	s5 =	sld [smem:$0x3FAD]  }
0x2b: {  	s6 =	sld [smem:$0x3FAE]  }
0x2c: {  	s7 =	sld [smem:$0x3FAF]  }
0x2d: {  	s3 =	simm.s32 $0x108;
	s8 =	sld [smem:$0x3FB0]  }
0x2e: {  	s3 =	simm.s32 @!p0 $0x1082;
	s9 =	sld [smem:$0x3FB1]  }
0x2f: {  	lr =	sadd.s32 s0, s3;
	s0 =	sld [smem:$0x3FA8]  }
0x30: {  	s3 =	sld [smem:$0x3FAB]  }
0x31: {  	[smem:$0x3FB4] =	sst s10  }
0x32: {  	s10 =	sld [smem:$0x3FB2];
	_ =	sdelay $0x3  }
0x33: {  	p0 =	seq.s32 s10, $0x1;
	s10 =	sld [smem:$0x3FB4];
	_ =	sdelay $0x3  }
0x34: {  	[smem:$0x3FB4] =	sst s10  }
0x35: {  	s10 =	sld [smem:$0x3FB3];
	_ =	sdelay $0x3  }
0x36: {  	p1 =	seq.s32 s10, $0x1;
	s10 =	sld [smem:$0x3FB4];
	_ =	sdelay $0x3  }
0x37: {  	[smem:$0x3FB4] =	sst s10  }
0x38: {  	s10 =	sld [smem:$0x3FB5]  }
0x39: {  	_ = 	snop;
	(pc) =	sbr.ind lr, $3  }
0x3a: {  	_ = 	snop  }
0x3b: {  	_ = 	snop  }
0x3c: {  	p2 =	seq.s32 s10, $0x1;
	s10 =	sld [smem:$0x3FB4]  }
0x3d: {  	_ =	shalt  }
0x3e: {  	_ =	shalt  }
0x3f: {  	_ =	shalt  }
0x40: {  	_ =	shalt  }
0x41: {  	_ =	shalt  }
0x42: {  	_ =	shalt  }
0x43: {  	_ =	shalt  }
0x44: {  	_ =	shalt  }
0x45: {  	_ =	shalt  }
0x46: {  	_ =	shalt  }
0x47: {  	_ =	shalt  }
0x48: {  	_ =	shalt  }
0x49: {  	_ =	shalt  }
0x4a: {  	_ =	shalt  }
0x4b: {  	_ =	shalt  }
0x4c: {  	_ =	shalt  }
0x4d: {  	_ =	shalt  }
0x4e: {  	_ =	shalt  }
0x4f: {  	_ =	shalt  }
0x50: {  	_ =	shalt  }
0x51: {  	_ =	shalt  }
0x52: {  	_ =	shalt  }
0x53: {  	_ =	shalt  }
0x54: {  	_ =	shalt  }
0x55: {  	_ =	shalt  }
0x56: {  	_ =	shalt  }
0x57: {  	_ =	shalt  }
0x58: {  	_ =	shalt  }
0x59: {  	_ =	shalt  }
0x5a: {  	_ =	shalt  }
0x5b: {  	_ =	shalt  }
0x5c: {  	_ =	shalt  }
0x5d: {  	_ =	shalt  }
0x5e: {  	_ =	shalt  }
0x5f: {  	_ =	shalt  }
0x60: {  	_ =	shalt  }
0x61: {  	_ =	shalt  }
0x62: {  	_ =	shalt  }
0x63: {  	_ =	shalt  }
0x64: {  	_ =	shalt  }
0x65: {  	_ =	shalt  }
0x66: {  	_ =	shalt  }
0x67: {  	_ =	shalt  }
0x68: {  	_ =	shalt  }
0x69: {  	_ =	shalt  }
0x6a: {  	_ =	shalt  }
0x6b: {  	_ =	shalt  }
0x6c: {  	_ =	shalt  }
0x6d: {  	_ =	shalt  }
0x6e: {  	_ =	shalt  }
0x6f: {  	_ =	shalt  }
0x70: {  	_ =	shalt  }
0x71: {  	_ =	shalt  }
0x72: {  	_ =	shalt  }
0x73: {  	_ =	shalt  }
0x74: {  	_ =	shalt  }
0x75: {  	_ =	shalt  }
0x76: {  	_ =	shalt  }
0x77: {  	_ =	shalt  }
0x78: {  	_ =	shalt  }
0x79: {  	_ =	shalt  }
0x7a: {  	_ =	shalt  }
0x7b: {  	_ =	shalt  }
0x7c: {  	_ =	shalt  }
0x7d: {  	_ =	shalt  }
0x7e: {  	_ =	shalt  }
0x7f: {  	_ =	shalt  }
0x80: {  	_ =	shalt  }
0x81: {  	_ =	shalt  }
0x82: {  	_ =	shalt  }
0x83: {  	_ =	shalt  }
0x84: {  	_ =	shalt  }
0x85: {  	_ =	shalt  }
0x86: {  	_ =	shalt  }
0x87: {  	_ =	shalt  }
.Lfunc_end0:
.L_simem_size_0:
called_computation_lowered:
.L_overlay_start_0:
0x88: {  	s2 =	sld [smem:$0x3FD9]  }
0x89: {  	s3 =	sld [smem:$0x3FFE];
	_ =	sdelay $0x1  }
0x8a: {  	s1 =	srdreg.scid  }
0x8b: {  	s0 =	sand.u32 $0x1, s1  }
0x8c: {  	s17 =	sshll.u32 s0, $0xA;
	s2 =	sadd.s32 s3, s2  }
0x8d: {  	s2 =	sadd.s32 s2, s17  }
0x8e: {  	[smem:$0x3FC0] =	sst s2  }
0x8f: {  	_ = 	snop  }
0x90: {  	s2 =	sld [smem:$0x3FD0];
	(tm) =	ssettm $0x1  }
0x91: {  	s18 =	sld [smem:$0x3FFB];
	_ =	sdelay $0x3  }
0x92: {  	_ =	strace s18  }
0x93: {  	s3 =	sld [smem:$0x3FFC];
	_ =	sdelay $0x3  }
0x94: {  	_ =	strace s3  }
0x95: {  	s3 =	sld [smem:$0x3FFD];
	_ =	sdelay $0x3  }
0x96: {  	_ =	strace s3  }
0x97: {  	_ =	strace $0x8FFFFFFF  }
0x98: {  	s19 =	sld [smem:$0x3FDB];
	_ =	sdelay $0x1  }
0x99: {  	s4 =	simm.s32 $_scs_section_size  }
0x9a: {  	s5 =	simm.s32 $_size__tile_overlayer_lowered;
	s6 =	simm.s32 $_tile_overlayer_lowered  }
0x9b: {  	s22 =	simm.s32 $0x1BFF;
	s21 =	sshll.u32 s6, $0x1;
	s3 =	sadd.s32 s4, s19  }
0x9c: {  	s7 =	simm.s32 $0x0;
	s20 =	sshll.u32 s5, $0x1;
	s5 =	sadd.s32 s21, s3  }
0x9d: {  	[timem:s7], [sflag:s22] =	dma.local [hbm:s5], s20  }
0x9e: {  	_ =	swait.ge [sflag:s22], s20  }
0x9f: {  	s4 =	ssub.s32 $0x0, s20;
	[sflag:s22] =	ssyncset.done $0x0  }
0xa0: {  	[sflag:s22] =	ssyncadd.s32 s4;
	_ =	sdelay $0x1  }
0xa1: {  	s23 =	simm.s32 $0x1B8B  }
0xa2: {  	_ =	swait.ge [sflag:s23], $0x1  }
0xa3: {  	[sflag:s23] =	ssyncset.done $0x0  }
0xa4: {  	s25 =	simm.s32 $0x1B8E;
	s24 =	sld [smem:$0x3FFE];
	[sflag:s23] =	ssyncadd.s32 $0xFFFFFFFF  }
0xa5: {  	s26 =	simm.s32 $execute0_lowered;
	[smem:$0x3FD2] =	sst s25  }
0xa6: {  	s5 =	sshll.u32 s26, $0x1;
	_ =	strace $0x80000046;
	[dreg:$0x1] =	wrdreg $0xFFFFFFFF  }
0xa7: {  	s28 =	simm.s32 $_size_execute0_lowered;
	s3 =	sadd.s32 s3, s5;
	[dreg:$0x0] =	wrdreg $0x0  }
0xa8: {  	s5 =	sshll.u32 s28, $0x1;
	[dreg:$0x2] =	wrdreg s3  }
0xa9: {  	[dreg:$0x3] =	wrdreg s5  }
0xaa: {  	[dreg:$0x4] =	wrdreg $0xC0  }
0xab: {  	_ =	task [dreg:s7], $0x5FFFF  }
0xac: {  	[dreg:$0x1] =	wrdreg $0xFFFFFFFF  }
0xad: {  	[dreg:$0x0] =	wrdreg $0x60  }
0xae: {  	[dreg:$0x2] =	wrdreg s24  }
0xaf: {  	[dreg:$0x3] =	wrdreg s2  }
0xb0: {  	[dreg:$0x4] =	wrdreg $0x2800  }
0xb1: {  	[dreg:$0x5] =	wrdreg $0x0  }
0xb2: {  	[dreg:$0x6] =	wrdreg $0x9  }
0xb3: {  	_ =	task.clear_ibuf [dreg:s7], $0x7FFFF;
	_ =	strace $0x90000046  }
0xb4: {  	s29 =	simm.s32 $0x9;
	_ =	strace $0x80000048  }
0xb5: {  	_ =	swait.ge [sflag:s29], $0x1  }
0xb6: {  	[sflag:s29] =	ssyncadd.s32 $0xFFFFFFFF  }
0xb7: {  	_ =	strace $0x90000048  }
0xb8: {  	_ =	sfence  }
0xb9: {  	s30 =	sld [smem:$0x0];
	_ =	sdelay $0x2  }
0xba: {  	s31 =	sshll.u32 s1, $0xD;
	s1 =	sshrl.u32 s1, $0x2  }
0xbb: {  	s3 =	sand.u32 $0x4000, s31;
	s1 =	sadd.s32 s1, s30  }
0xbc: {  	s0 =	sor.u32 s3, s0;
	s1 =	sshll.u32 s1, $0x11  }
0xbd: {  	s0 =	sor.u32 s1, s0  }
0xbe: {  	s0 =	sadd.s32 $0x8F2B, s0  }
0xbf: {  	[sflag:s0] =	ssyncadd.remote.s32 $0x1  }
0xc0: {  	_ =	sfence.sel $0xFFFF  }
0xc1: {  	[dreg:$0x0] =	wrdreg $0xFFFFFFFF;
	(pc) =	sbr.abs _section_cstart, $3  }
0xc2: {  	[dreg:$0x1] =	wrdreg $0xFFFFFFFF  }
0xc3: {  	_ =	task.clear_ibuf [dreg:s7], $0x2FFFF;
	_ =	strace $0x9FFFFFFF  }
0xc4: {  	(tm) =	ssettm $0x7FFFFFFF  }
0xc5: {  	_ =	shalt  }
tec
execute0_lowered:
.L_overlay_start_1:
0x0: {  	(tag) =	ssettag $0x1  }
0x1: {  	s0 =	rddreg [dreg:$0x0]  }
0x2: {  	s2 =	rddreg [dreg:$0x1]  }
0x3: {  	s1 =	rddreg [dreg:$0x2]  }
0x4: {  	s3 =	rddreg [dreg:$0x3];
	s4 =	simm.s32 $0x0  }
0x5: {  	s17 =	stileid.u32;
	s5 =	srdreg.scid;
	s28 =	simm.s32 $0x5380  }
0x6: {  	s29 =	simm.s32 $0x5400;
	s30 =	simm.s32 $0x1;
	s6 =	smul.u32 $0x2800, s17  }
0x7: {  	s31 =	simm.s32 $0x80;
	[smem:$0x7FF] =	sst s4;
	s9 =	smul.u32 $0x500, s17  }
0x8: {  	s7 =	sand.u32 $0x1, s5;
	s5 =	sadd.s32 $0x34C00, s0;
	s13 =	smul.u32 $0x280, s17  }
0x9: {  	s11 =	sadd.s32 $0x2200, s0;
	s15 =	smul.u32 $0x50000, s17;
	s20 =	sshll.u32 s17, $0x6  }
0xa: {  	_ =	strace $0x80000047;
	s8 =	sshll.u32 s7, $0x7;
	s10 =	ssub.s32 $0x2, s7  }
0xb: {  	s16 =	sshll.u32 s7, $0x4;
	s7 =	smul.u32 $0x5000, s7;
	s6 =	sadd.s32 s6, s0  }
0xc: {  	s8 =	sor.u32 s8, s9;
	s12 =	sshrl.u32 s10, $0x1;
	s18 =	sshrl.u32 s13, $0x3  }
0xd: {  	s16 =	sor.u32 s17, s16;
	s19 =	sadd.s32 s13, s3;
	s21 =	sshrl.u32 s15, $0x2  }
0xe: {  	s15 =	simm.s32 $0x7780;
	s8 =	sshrl.u32 s8, $0x3;
	s12 =	ssub.s32 s10, s12  }
0xf: {  	[dreg:$0x5] =	wrdreg s19;
	s2 =	sadd.s32 s2, s18;
	s22 =	smul.u32 $0x5, s16  }
0x10: {  	s6 =	sadd.s32 $0x2C00, s6;
	s23 =	smul.u32 $0x50, s16;
	s10 =	sadd.s32 s9, s7  }
0x11: {  	s16 =	smul.u32 $0x1400, s16;
	s14 =	sadd.s32 s8, s0;
	s0 =	sadd.s32 $0x3F600, s0  }
0x12: {  	[dreg:$0x6] =	wrdreg s2;
	s8 =	sor.u32 $0x1C05, s20;
	s2 =	sadd.s32 s21, s1  }
0x13: {  	[dreg:$0x7] =	wrdreg s6;
	s24 =	sadd.s32 $0x1, s22;
	s26 =	sadd.s32 $0x2, s22  }
0x14: {  	s6 =	sadd.s32 s11, s23;
	s18 =	sadd.s32 $0x3, s22;
	s19 =	sadd.s32 $0x4, s22  }
0x15: {  	s23 =	sadd.s32 s0, s16;
	s16 =	simm.s32 $0x9780;
	s25 =	sshll.u32 s24, $0x4  }
0x16: {  	[dreg:$0x8] =	wrdreg s6;
	s17 =	sshll.u32 s26, $0x4;
	s20 =	sshll.u32 s18, $0x4  }
0x17: {  	s21 =	sshll.u32 s19, $0x4;
	s22 =	sshll.u32 s24, $0xA;
	[dreg:$0xd] =	wrdreg s23  }
0x18: {  	s9 =	sshll.u32 s26, $0xA;
	s24 =	sadd.s32 $0x3EC00, s14;
	s23 =	simm.s32 $0x5  }
0x19: {  	s26 =	sshrl.u32 s2, $0x3;
	s2 =	simm.s32 $0x2;
	s14 =	simm.s32 $0x5780  }
0x1a: {  	s7 =	sadd.s32 s11, s25;
	s6 =	sadd.s32 s11, s17;
	[dreg:$0x12] =	wrdreg s24  }
0x1b: {  	s13 =	sadd.s32 s11, s20;
	s11 =	sadd.s32 s11, s21;
	[dreg:$0x14] =	wrdreg s26  }
0x1c: {  	s9 =	sadd.s32 s0, s9;
	s25 =	smax.u32 s12, $0x1;
	[dreg:$0x9] =	wrdreg s7  }
0x1d: {  	s26 =	simm.s32 $0x5300;
	s12 =	simm.s32 $0x5700;
	[dreg:$0xa] =	wrdreg s6  }
0x1e: {  	s17 =	simm.s32 $0xB780;
	s20 =	simm.s32 $0x4;
	[dreg:$0xb] =	wrdreg s13  }
0x1f: {  	s21 =	simm.s32 $0x0;
	[dreg:$0xc] =	wrdreg s11;
	s11 =	sadd.s32 s0, s22  }
0x20: {  	[dreg:$0xf] =	wrdreg s9;
	s6 =	sshll.u32 s18, $0xA;
	s7 =	sshll.u32 s19, $0xA  }
0x21: {  	[dreg:$0x13] =	wrdreg s25;
	s25 =	simm.s32 $0x5280;
	s13 =	simm.s32 $0x40  }
0x22: {  	s18 =	simm.s32 $0xD780;
	[dreg:$0xe] =	wrdreg s11;
	s6 =	sadd.s32 s0, s6  }
0x23: {  	s19 =	simm.s32 $0x3;
	s0 =	sadd.s32 s0, s7;
	[dreg:$0x10] =	wrdreg s6  }
0x24: {  	v0 =	vimm.f32 $1.000000000e+00;
	s11 =	simm.s32 $0x5680;
	[dreg:$0x11] =	wrdreg s0;
	s0 =	simm.s32 $0x5480  }
.LBB2_1:
0x25: {  	s6 =	rddreg [dreg:$0x5]  }
0x26: {  	s9 =	rddreg [dreg:$0x6];
	s22 =	sshrl.u32 s6, $0x3  }
0x27: {  	[spmem:s22], [sflag:s8] =	dma.local [hbm:s9], $0x50  }
0x28: {  	_ =	swait.ge [sflag:s23], $0x50  }
0x29: {  	[sflag:s23] =	ssyncset.done $0x0;
	s24 =	rddreg [dreg:$0x7]  }
0x2a: {  	s7 =	rddreg [dreg:$0x14];
	[sflag:s23] =	ssyncadd.s32 $0xFFFFFFB0  }
0x2b: {  	[spmem:s7], [sflag:s8] =	dma.local [hbm:s24], $0x2800  }
0x2c: {  	_ =	swait.ge [sflag:s23], $0x2800  }
0x2d: {  	[sflag:s23] =	ssyncset.done $0x0  }
0x2e: {  	[sflag:s23] =	ssyncadd.s32 $0xFFFFD800  }
0x2f: {  	[tilespmem:$0x5480] =	vst v0  }
0x30: {  	[tilespmem:$0x5490] =	vst v0  }
0x31: {  	[tilespmem:$0x54A0] =	vst v0  }
0x32: {  	[tilespmem:$0x54B0] =	vst v0  }
0x33: {  	[tilespmem:$0x54C0] =	vst v0  }
0x34: {  	[tilespmem:$0x54D0] =	vst v0  }
0x35: {  	s9 =	sand.u32 $0x40, s4;
	s7 =	sadd.s32 $0x0, s10;
	[tilespmem:$0x54E0] =	vst v0  }
0x36: {  	s6 =	sand.u32 $0x1FF80, s7;
	s7 =	sadd.s32 s5, s9;
	[tilespmem:$0x54F0] =	vst v0  }
0x37: {  	s6 =	sadd.s32 s6, s7;
	[bflag:$0x0] =	sbarrier.arrive $0xFFFF  }
0x38: {  	[tilespmem:s25], [sflag:$0x1] =	stream.linear.gather [hbm4b:s6+s4], $0x80, $0x38;
	[tilespmem:$0xF780] =	vst v63  }
0x39: {  	s7 =	sadd.s32 $0x10, s6  }
0x3a: {  	[tilespmem:s26], [sflag:$0x1] =	stream.linear.gather [hbm4b:s7+s4], $0x80, $0x38;
	[tilespmem:$0xF780] =	vst v63  }
0x3b: {  	s24 =	sadd.s32 $0x20, s6  }
0x3c: {  	[tilespmem:s28], [sflag:$0x1] =	stream.linear.gather [hbm4b:s24+s4], $0x80, $0x38;
	[tilespmem:$0xF780] =	vst v63  }
0x3d: {  	s6 =	sadd.s32 $0x30, s6  }
0x3e: {  	[tilespmem:s29], [sflag:$0x1] =	stream.linear.gather [hbm4b:s6+s4], $0x80, $0x38;
	[tilespmem:$0xF780] =	vst v63  }
0x3f: {  	_ =	swait.ge [sflag:s30], $0x80  }
0x40: {  	[sflag:s30] =	ssyncset.done $0x0  }
0x41: {  	[sflag:s30] =	ssyncadd.s32 $0xFFFFFF80  }
0x42: {  	_ =	swait.ge [sflag:s30], $0x80  }
0x43: {  	[sflag:s30] =	ssyncset.done $0x0  }
0x44: {  	[sflag:s30] =	ssyncadd.s32 $0xFFFFFF80  }
0x45: {  	_ =	swait.ge [sflag:s30], $0x80  }
0x46: {  	[sflag:s30] =	ssyncset.done $0x0  }
0x47: {  	[sflag:s30] =	ssyncadd.s32 $0xFFFFFF80  }
0x48: {  	_ =	swait.ge [sflag:s30], $0x80  }
0x49: {  	[sflag:s30] =	ssyncset.done $0x0  }
0x4a: {  	[sflag:s30] =	ssyncadd.s32 $0xFFFFFF80  }
0x4b: {  	[spmem:s3] =	stream.indirect.scatter.add.f32 [tilespmem:s0], [sflag:$0x2], $0x1, s25, s31, $0xb8;
	[tilespmem:$0xF780] =	vst v63  }
0x4c: {  	_ = 	snop  }
0x4d: {  	[spmem:s3] =	stream.indirect.scatter.add.f32 [tilespmem:s0], [sflag:$0x2], $0x1, s26, s31, $0xb8;
	[tilespmem:$0xF780] =	vst v63  }
0x4e: {  	_ = 	snop  }
0x4f: {  	[spmem:s3] =	stream.indirect.scatter.add.f32 [tilespmem:s0], [sflag:$0x2], $0x1, s28, s31, $0xb8;
	[tilespmem:$0xF780] =	vst v63  }
0x50: {  	_ = 	snop  }
0x51: {  	[spmem:s3] =	stream.indirect.scatter.add.f32 [tilespmem:s0], [sflag:$0x2], $0x1, s29, s31, $0xb8;
	[tilespmem:$0xF780] =	vst v63  }
0x52: {  	_ =	swait.ge [sflag:s2], $0x80  }
0x53: {  	[sflag:s2] =	ssyncset.done $0x0  }
0x54: {  	[sflag:s2] =	ssyncadd.s32 $0xFFFFFF80  }
0x55: {  	_ =	swait.ge [sflag:s2], $0x80  }
0x56: {  	[sflag:s2] =	ssyncset.done $0x0  }
0x57: {  	[sflag:s2] =	ssyncadd.s32 $0xFFFFFF80  }
0x58: {  	_ =	swait.ge [sflag:s2], $0x80  }
0x59: {  	s9 =	simm.s32 $0x40;
	[sflag:s2] =	ssyncset.done $0x0  }
0x5a: {  	s9 =	sand.u32 $0x40, s9;
	[sflag:s2] =	ssyncadd.s32 $0xFFFFFF80  }
0x5b: {  	s9 =	sadd.s32 s5, s9;
	s7 =	sadd.s32 $0x40, s10;
	_ =	swait.ge [sflag:s2], $0x80  }
0x5c: {  	s24 =	simm.s32 $0x80;
	s6 =	sand.u32 $0x1FF80, s7;
	[sflag:s2] =	ssyncset.done $0x0  }
.LBB2_2:
0x5d: {  	s9 =	sadd.s32 s6, s9  }
0x5e: {  	[sflag:s2] =	ssyncadd.s32 $0xFFFFFF80;
	s6 =	smov.u32 s24;
	s7 =	sadd.s32 $0x40, s24  }
0x5f: {  	[tilespmem:s25], [sflag:$0x1] =	stream.linear.gather [hbm4b:s9+s4], $0x80, $0x38;
	[tilespmem:$0xF780] =	vst v63  }
0x60: {  	p0 =	sne.s32 s24, $0x4C0;
	s24 =	sadd.s32 $0x10, s9  }
0x61: {  	[tilespmem:s26], [sflag:$0x1] =	stream.linear.gather [hbm4b:s24+s4], $0x80, $0x38;
	[tilespmem:$0xF780] =	vst v63  }
0x62: {  	s24 =	sadd.s32 $0x20, s9  }
0x63: {  	[tilespmem:s28], [sflag:$0x1] =	stream.linear.gather [hbm4b:s24+s4], $0x80, $0x38;
	[tilespmem:$0xF780] =	vst v63  }
0x64: {  	s9 =	sadd.s32 $0x30, s9  }
0x65: {  	[tilespmem:s29], [sflag:$0x1] =	stream.linear.gather [hbm4b:s9+s4], $0x80, $0x38;
	[tilespmem:$0xF780] =	vst v63  }
0x66: {  	_ =	swait.ge [sflag:s30], $0x80  }
0x67: {  	[sflag:s30] =	ssyncset.done $0x0  }
0x68: {  	[sflag:s30] =	ssyncadd.s32 $0xFFFFFF80  }
0x69: {  	_ =	swait.ge [sflag:s30], $0x80  }
0x6a: {  	[sflag:s30] =	ssyncset.done $0x0  }
0x6b: {  	[sflag:s30] =	ssyncadd.s32 $0xFFFFFF80  }
0x6c: {  	_ =	swait.ge [sflag:s30], $0x80  }
0x6d: {  	[sflag:s30] =	ssyncset.done $0x0  }
0x6e: {  	[sflag:s30] =	ssyncadd.s32 $0xFFFFFF80  }
0x6f: {  	_ =	swait.ge [sflag:s30], $0x80  }
0x70: {  	[sflag:s30] =	ssyncset.done $0x0  }
0x71: {  	[sflag:s30] =	ssyncadd.s32 $0xFFFFFF80  }
0x72: {  	[spmem:s3] =	stream.indirect.scatter.add.f32 [tilespmem:s0], [sflag:$0x2], $0x1, s25, s31, $0xb8;
	[tilespmem:$0xF780] =	vst v63  }
0x73: {  	_ = 	snop  }
0x74: {  	[spmem:s3] =	stream.indirect.scatter.add.f32 [tilespmem:s0], [sflag:$0x2], $0x1, s26, s31, $0xb8;
	[tilespmem:$0xF780] =	vst v63  }
0x75: {  	_ = 	snop  }
0x76: {  	[spmem:s3] =	stream.indirect.scatter.add.f32 [tilespmem:s0], [sflag:$0x2], $0x1, s28, s31, $0xb8;
	[tilespmem:$0xF780] =	vst v63  }
0x77: {  	_ = 	snop  }
0x78: {  	[spmem:s3] =	stream.indirect.scatter.add.f32 [tilespmem:s0], [sflag:$0x2], $0x1, s29, s31, $0xb8;
	[tilespmem:$0xF780] =	vst v63  }
0x79: {  	_ =	swait.ge [sflag:s2], $0x80  }
0x7a: {  	[sflag:s2] =	ssyncset.done $0x0  }
0x7b: {  	[sflag:s2] =	ssyncadd.s32 $0xFFFFFF80  }
0x7c: {  	_ =	swait.ge [sflag:s2], $0x80  }
0x7d: {  	[sflag:s2] =	ssyncset.done $0x0  }
0x7e: {  	[sflag:s2] =	ssyncadd.s32 $0xFFFFFF80  }
.Ltmp0:
0x7f: {  	_ =	swait.ge [sflag:s2], $0x80;
	(pc) =	sbr.rel @p0 .LBB2_2-.Ltmp0, $4  }
0x80: {  	[sflag:s2] =	ssyncset.done $0x0  }
0x81: {  	s9 =	sadd.s32 s6, s10;
	[sflag:s2] =	ssyncadd.s32 $0xFFFFFF80  }
0x82: {  	s24 =	sand.u32 $0x40, s6;
	s6 =	sand.u32 $0x1FF80, s9;
	_ =	swait.ge [sflag:s2], $0x80  }
0x83: {  	s9 =	sadd.s32 s5, s24;
	s24 =	smov.u32 s7;
	[sflag:s2] =	ssyncset.done $0x0  }
0x84: {  	s6 =	sadd.s32 s6, s9;
	[sflag:s2] =	ssyncadd.s32 $0xFFFFFF80  }
0x85: {  	[tilespmem:s25], [sflag:$0x1] =	stream.linear.gather [hbm4b:s6+s4], $0x80, $0x38;
	[tilespmem:$0xF780] =	vst v63  }
0x86: {  	s7 =	sadd.s32 $0x10, s6  }
0x87: {  	[tilespmem:s26], [sflag:$0x1] =	stream.linear.gather [hbm4b:s7+s4], $0x80, $0x38;
	[tilespmem:$0xF780] =	vst v63  }
0x88: {  	s24 =	sadd.s32 $0x20, s6  }
0x89: {  	[tilespmem:s28], [sflag:$0x1] =	stream.linear.gather [hbm4b:s24+s4], $0x80, $0x38;
	[tilespmem:$0xF780] =	vst v63  }
0x8a: {  	s6 =	sadd.s32 $0x30, s6  }
0x8b: {  	[tilespmem:s29], [sflag:$0x1] =	stream.linear.gather [hbm4b:s6+s4], $0x80, $0x38;
	[tilespmem:$0xF780] =	vst v63  }
0x8c: {  	_ =	swait.ge [sflag:s30], $0x80  }
0x8d: {  	[sflag:s30] =	ssyncset.done $0x0  }
0x8e: {  	[sflag:s30] =	ssyncadd.s32 $0xFFFFFF80  }
0x8f: {  	_ =	swait.ge [sflag:s30], $0x80  }
0x90: {  	[sflag:s30] =	ssyncset.done $0x0  }
0x91: {  	[sflag:s30] =	ssyncadd.s32 $0xFFFFFF80  }
0x92: {  	_ =	swait.ge [sflag:s30], $0x80  }
0x93: {  	[sflag:s30] =	ssyncset.done $0x0  }
0x94: {  	[sflag:s30] =	ssyncadd.s32 $0xFFFFFF80  }
0x95: {  	_ =	swait.ge [sflag:s30], $0x80  }
0x96: {  	[sflag:s30] =	ssyncset.done $0x0  }
0x97: {  	[sflag:s30] =	ssyncadd.s32 $0xFFFFFF80  }
0x98: {  	[spmem:s3] =	stream.indirect.scatter.add.f32 [tilespmem:s0], [sflag:$0x2], $0x1, s25, s31, $0xb8;
	[tilespmem:$0xF780] =	vst v63  }
0x99: {  	_ = 	snop  }
0x9a: {  	[spmem:s3] =	stream.indirect.scatter.add.f32 [tilespmem:s0], [sflag:$0x2], $0x1, s26, s31, $0xb8;
	[tilespmem:$0xF780] =	vst v63  }
0x9b: {  	_ = 	snop  }
0x9c: {  	[spmem:s3] =	stream.indirect.scatter.add.f32 [tilespmem:s0], [sflag:$0x2], $0x1, s28, s31, $0xb8;
	[tilespmem:$0xF780] =	vst v63  }
0x9d: {  	_ = 	snop  }
0x9e: {  	[spmem:s3] =	stream.indirect.scatter.add.f32 [tilespmem:s0], [sflag:$0x2], $0x1, s29, s31, $0xb8;
	[tilespmem:$0xF780] =	vst v63  }
0x9f: {  	_ =	swait.ge [sflag:s2], $0x80  }
0xa0: {  	[sflag:s2] =	ssyncset.done $0x0  }
0xa1: {  	[sflag:s2] =	ssyncadd.s32 $0xFFFFFF80  }
0xa2: {  	_ =	swait.ge [sflag:s2], $0x80  }
0xa3: {  	[sflag:s2] =	ssyncset.done $0x0  }
0xa4: {  	[sflag:s2] =	ssyncadd.s32 $0xFFFFFF80  }
0xa5: {  	_ =	swait.ge [sflag:s2], $0x80  }
0xa6: {  	[sflag:s2] =	ssyncset.done $0x0  }
0xa7: {  	[sflag:s2] =	ssyncadd.s32 $0xFFFFFF80  }
0xa8: {  	_ =	swait.ge [sflag:s2], $0x80  }
0xa9: {  	[sflag:s2] =	ssyncset.done $0x0  }
0xaa: {  	s7 =	simm.s32 $0x5500;
	s9 =	rddreg [dreg:$0x8];
	[sflag:s2] =	ssyncadd.s32 $0xFFFFFF80  }
0xab: {  	[tilespmem:s7], [sflag:$0x1] =	stream.linear.gather [hbm4b:s9+s4], $0x80, $0x38;
	[tilespmem:$0xF780] =	vst v63  }
0xac: {  	s24 =	rddreg [dreg:$0x9];
	s9 =	simm.s32 $0x5580  }
0xad: {  	[tilespmem:s9], [sflag:$0x1] =	stream.linear.gather [hbm4b:s24+s4], $0x80, $0x38;
	[tilespmem:$0xF780] =	vst v63  }
0xae: {  	s6 =	rddreg [dreg:$0xa];
	s24 =	simm.s32 $0x5600  }
0xaf: {  	[tilespmem:s24], [sflag:$0x1] =	stream.linear.gather [hbm4b:s6+s4], $0x80, $0x38;
	[tilespmem:$0xF780] =	vst v63  }
0xb0: {  	s6 =	rddreg [dreg:$0xb]  }
0xb1: {  	[tilespmem:s11], [sflag:$0x1] =	stream.linear.gather [hbm4b:s6+s4], $0x80, $0x38;
	[tilespmem:$0xF780] =	vst v63  }
0xb2: {  	s6 =	rddreg [dreg:$0xc]  }
0xb3: {  	[tilespmem:s12], [sflag:$0x1] =	stream.linear.gather [hbm4b:s6+s4], $0x80, $0x38;
	[tilespmem:$0xF780] =	vst v63  }
0xb4: {  	_ =	swait.ge [sflag:s30], $0x80  }
0xb5: {  	[sflag:s30] =	ssyncset.done $0x0  }
0xb6: {  	[sflag:s30] =	ssyncadd.s32 $0xFFFFFF80  }
0xb7: {  	_ =	swait.ge [sflag:s30], $0x80  }
0xb8: {  	[sflag:s30] =	ssyncset.done $0x0  }
0xb9: {  	[sflag:s30] =	ssyncadd.s32 $0xFFFFFF80  }
0xba: {  	_ =	swait.ge [sflag:s30], $0x80  }
0xbb: {  	[sflag:s30] =	ssyncset.done $0x0  }
0xbc: {  	[sflag:s30] =	ssyncadd.s32 $0xFFFFFF80  }
0xbd: {  	_ =	swait.ge [sflag:s30], $0x80  }
0xbe: {  	[sflag:s30] =	ssyncset.done $0x0  }
0xbf: {  	[sflag:s30] =	ssyncadd.s32 $0xFFFFFF80  }
0xc0: {  	_ =	swait.ge [sflag:s30], $0x80  }
0xc1: {  	[sflag:s30] =	ssyncset.done $0x0  }
0xc2: {  	[sflag:s30] =	ssyncadd.s32 $0xFFFFFF80  }
0xc3: {  	[tilespmem:s14], [sflag:$0x3] =	stream.indirect.gather [spmem:s1], $0x20, s7, s13, $0xb8;
	[tilespmem:$0xF780] =	vst v63  }
0xc4: {  	_ = 	snop  }
0xc5: {  	[tilespmem:s15], [sflag:$0x3] =	stream.indirect.gather [spmem:s1], $0x20, s9, s13, $0xb8;
	[tilespmem:$0xF780] =	vst v63  }
0xc6: {  	_ = 	snop  }
0xc7: {  	[tilespmem:s16], [sflag:$0x3] =	stream.indirect.gather [spmem:s1], $0x20, s24, s13, $0xb8;
	[tilespmem:$0xF780] =	vst v63  }
0xc8: {  	_ = 	snop  }
0xc9: {  	[tilespmem:s17], [sflag:$0x3] =	stream.indirect.gather [spmem:s1], $0x20, s11, s13, $0xb8;
	[tilespmem:$0xF780] =	vst v63  }
0xca: {  	_ = 	snop  }
0xcb: {  	[tilespmem:s18], [sflag:$0x3] =	stream.indirect.gather [spmem:s1], $0x20, s12, s13, $0xb8;
	[tilespmem:$0xF780] =	vst v63  }
0xcc: {  	_ =	swait.ge [sflag:s19], $0x800  }
0xcd: {  	[sflag:s19] =	ssyncset.done $0x0  }
0xce: {  	[sflag:s19] =	ssyncadd.s32 $0xFFFFF800  }
0xcf: {  	_ =	swait.ge [sflag:s19], $0x800  }
0xd0: {  	[sflag:s19] =	ssyncset.done $0x0  }
0xd1: {  	[sflag:s19] =	ssyncadd.s32 $0xFFFFF800  }
0xd2: {  	_ =	swait.ge [sflag:s19], $0x800  }
0xd3: {  	[sflag:s19] =	ssyncset.done $0x0  }
0xd4: {  	[sflag:s19] =	ssyncadd.s32 $0xFFFFF800  }
0xd5: {  	_ =	swait.ge [sflag:s19], $0x800  }
0xd6: {  	[sflag:s19] =	ssyncset.done $0x0  }
0xd7: {  	[sflag:s19] =	ssyncadd.s32 $0xFFFFF800  }
0xd8: {  	_ =	swait.ge [sflag:s19], $0x800  }
0xd9: {  	[sflag:s19] =	ssyncset.done $0x0  }
0xda: {  	s9 =	rddreg [dreg:$0xd];
	[sflag:s19] =	ssyncadd.s32 $0xFFFFF800  }
0xdb: {  	[hbm4b:s9+s4] =	stream.linear.scatter [tilespmem:s14], [sflag:$0x4], $0x2000, $0x38;
	[tilespmem:$0xF780] =	vst v63  }
0xdc: {  	s24 =	rddreg [dreg:$0xe]  }
0xdd: {  	[hbm4b:s24+s4] =	stream.linear.scatter [tilespmem:s15], [sflag:$0x4], $0x2000, $0x38;
	[tilespmem:$0xF780] =	vst v63  }
0xde: {  	s7 =	rddreg [dreg:$0xf]  }
0xdf: {  	[hbm4b:s7+s4] =	stream.linear.scatter [tilespmem:s16], [sflag:$0x4], $0x2000, $0x38;
	[tilespmem:$0xF780] =	vst v63  }
0xe0: {  	s9 =	rddreg [dreg:$0x10]  }
0xe1: {  	[hbm4b:s9+s4] =	stream.linear.scatter [tilespmem:s17], [sflag:$0x4], $0x2000, $0x38;
	[tilespmem:$0xF780] =	vst v63  }
0xe2: {  	s24 =	rddreg [dreg:$0x11]  }
0xe3: {  	[hbm4b:s24+s4] =	stream.linear.scatter [tilespmem:s18], [sflag:$0x4], $0x2000, $0x38;
	[tilespmem:$0xF780] =	vst v63  }
0xe4: {  	_ =	swait.ge [sflag:s20], $0x2000  }
0xe5: {  	[sflag:s20] =	ssyncset.done $0x0  }
0xe6: {  	[sflag:s20] =	ssyncadd.s32 $0xFFFFE000  }
0xe7: {  	_ =	swait.ge [sflag:s20], $0x2000  }
0xe8: {  	[sflag:s20] =	ssyncset.done $0x0  }
0xe9: {  	[sflag:s20] =	ssyncadd.s32 $0xFFFFE000  }
0xea: {  	_ =	swait.ge [sflag:s20], $0x2000  }
0xeb: {  	[sflag:s20] =	ssyncset.done $0x0  }
0xec: {  	[sflag:s20] =	ssyncadd.s32 $0xFFFFE000  }
0xed: {  	_ =	swait.ge [sflag:s20], $0x2000  }
0xee: {  	[sflag:s20] =	ssyncset.done $0x0  }
0xef: {  	[sflag:s20] =	ssyncadd.s32 $0xFFFFE000  }
0xf0: {  	_ =	swait.ge [sflag:s20], $0x2000  }
0xf1: {  	[sflag:s20] =	ssyncset.done $0x0  }
0xf2: {  	[sflag:s20] =	ssyncadd.s32 $0xFFFFE000  }
0xf3: {  	[bflag:$0x0] =	sbarrier.arrive $0xFFFF  }
0xf4: {  	s9 =	simm.s32 $0x20;
	s24 =	simm.s32 $0x10;
	s7 =	rddreg [dreg:$0x12]  }
0xf5: {  	[hbm:s7@s9], [sflag:s8] =	dma.strided [spmem:s22@s24], $0x50, s30, $0x10   }
0xf6: {  	_ =	swait.ge [sflag:s23], $0x50  }
0xf7: {  	s21 =	sadd.s32 $0x1, s21;
	s24 =	rddreg [dreg:$0x13]  }
0xf8: {  	p0 =	sne.s32 s21, s24  }
.Ltmp1:
0xf9: {  	_ = 	snop;
	(pc) =	sbr.rel @p0 .LBB2_1-.Ltmp1, $3  }
0xfa: {  	_ =	sdelay $0x1  }
0xfb: {  	[sflag:s23] =	ssyncset.done $0x0  }
0xfc: {  	[sflag:s23] =	ssyncadd.s32 $0xFFFFFFB0  }
0xfd: {  	_ =	sfence.sel $0x180000  }
0xfe: {  	[bflag:$0x0] =	sbarrier.arrive $0xFFFF  }
0xff: {  	_ =	strace $0x90000047  }
0x100: {  	s0 =	stileid.u32;
	[bflag:$0x2] =	sbarrier.arrive $0xFFFF  }
0x101: {  	p0 =	sne.s32 s0, $0x0;
	s0 =	rddreg [dreg:$0x4]  }
0x102: {  	s0 =	sadd.s32 @!p0 $0x100000, s0  }
0x103: {  	[sflag:s0] =	ssyncadd.tile.s32 @!p0 $0x1;
	_ =	shalt  }
.Lfunc_end2:
_tile_overlayer_lowered:
.L_overlay_start_2:
0x104: {  	(tag) =	ssettag $0x2  }
0x105: {  	s0 =	rddreg [dreg:$0x0];
	s2 =	stileid.u32  }
0x106: {  	s1 =	rddreg [dreg:$0x1];
	p0 =	sne.s32 s2, $0x0  }
0x107: {  	s3 =	rddreg [dreg:$0x2];
	[bflag:$0x3] =	sbarrier.arrive $0xFFFF;
	s2 =	simm.s32 @!p0 $0x1C05  }
0x108: {  	[timem:s3], [sflag:s2] =	dma.local @!p0 [hbm:s0], s1  }
0x109: {  	s0 =	simm.s32 @!p0 $0x5  }
0x10a: {  	_ =	swait.ge @!p0 [sflag:s0], s1  }
0x10b: {  	s1 =	ssub.s32 @!p0 $0x0, s1;
	[sflag:s0] =	ssyncset.done @!p0 $0x0  }
0x10c: {  	[sflag:s0] =	ssyncadd.s32 @!p0 s1  }
0x10d: {  	[bflag:$0x3] =	sbarrier.arrive $0xFFFF  }
0x10e: {  	_ =	shalt  }

</sc_bundles>
